<compile_context>
chip_gen: v7x
topology: tpu7x:2x2x1
jax: 0.10.2.dev20260603
libtpu: 0.0.44.dev20260713+nightly
codegen_flags: <defaults>
</compile_context>

<pallas_src>
import functools

import jax
import jax.numpy as jnp
from jax import lax
from jax.experimental import pallas as pl
from jax.experimental.pallas import tpu as pltpu
from jax.experimental.pallas import tpu_sc as plsc

N_NODES = 10000
N_EDGES = 320000
NC = 2
NS = 16
LANES = 16

EPC = N_EDGES // NC
EPT = EPC // NS
DEG_EPT = N_EDGES // NS
K = 80
AGG_CHUNKS = EPT // K
DEG_CHUNKS = DEG_EPT // K
RCH = 200
NCH_TOT = N_NODES // RCH
DEGW = 16

BLK = 1000


HALF = 64
N_FULL = NCH_TOT // NS


def _rr_chunks(s, fn):
  for m in range(N_FULL + 1):
    cid = s + m * NS
    if m < N_FULL:
      fn(cid)
    else:
      pl.when(cid < NCH_TOT)(lambda: fn(cid))


def _scale_rows(buf_v, inv_v):
  def body(r, carry):
    inv = inv_v[r, :]
    for q in range(HALF // LANES):
      sl = pl.ds(q * LANES, LANES)
      buf_v[r, sl] = buf_v[r, sl] * inv
    return carry
  lax.fori_loop(0, RCH, body, 0)


def _agg_pass(p_hbm, src_hbm, dst_hbm, src_v, dst_v, rows_v, acc_s, sem, c, s):
  def body(i, carry):
    base = c * EPC + s * EPT + i * K
    pltpu.sync_copy(src_hbm.at[pl.ds(base, K)], src_v)
    pltpu.sync_copy(dst_hbm.at[pl.ds(base, K)], dst_v)
    pltpu.async_copy(p_hbm.at[src_v], rows_v, sem).wait()
    pltpu.sync_copy(rows_v, acc_s.at[dst_v], add=True)
    return carry
  lax.fori_loop(0, AGG_CHUNKS, body, 0)


def _make_seg1():
  mesh = plsc.VectorSubcoreMesh(core_axis_name="c", subcore_axis_name="s")

  @functools.partial(
      pl.kernel,
      mesh=mesh,
      compiler_params=pltpu.CompilerParams(use_tc_tiling_on_sc=False),
      out_type=[
          jax.ShapeDtypeStruct((NC * N_NODES, HALF), jnp.float32),
          jax.ShapeDtypeStruct((NC * N_NODES, HALF), jnp.float32),
          jax.ShapeDtypeStruct((N_NODES, DEGW), jnp.float32),
      ],
      scratch_types=[
          pltpu.VMEM((K,), jnp.int32),
          pltpu.VMEM((K,), jnp.int32),
          pltpu.VMEM((K, HALF), jnp.float32),
          pltpu.VMEM((K, DEGW), jnp.float32),
          pltpu.VMEM((RCH, HALF), jnp.float32),
          pltpu.VMEM((RCH, HALF), jnp.float32),
          pltpu.VMEM((RCH, DEGW), jnp.float32),
          pltpu.VMEM((RCH, DEGW), jnp.float32),
          pltpu.VMEM_SHARED((N_NODES, HALF), jnp.float32),
          pltpu.VMEM_SHARED((N_NODES, DEGW), jnp.float32),
          pltpu.SemaphoreType.DMA,
      ],
  )
  def seg(pa_hbm, pb_hbm, src_hbm, dst_hbm, zrow_hbm, zdeg_hbm, ones_hbm,
          outa_hbm, outb_hbm, inv_hbm,
          src_v, dst_v, rows_v, ones_v, buf_v, zbuf_v, deg_v, zdeg_v,
          acc_s, deg_s, sem):
    c = lax.axis_index("c")
    s = lax.axis_index("s")

    pltpu.sync_copy(zrow_hbm, zbuf_v)
    pltpu.sync_copy(zdeg_hbm, zdeg_v)
    pltpu.sync_copy(ones_hbm, ones_v)

    def zero_chunk(cid):
      pltpu.sync_copy(zbuf_v, acc_s.at[pl.ds(cid * RCH, RCH)])
      pltpu.sync_copy(zdeg_v, deg_s.at[pl.ds(cid * RCH, RCH)])
    _rr_chunks(s, zero_chunk)
    plsc.subcore_barrier()

    def deg_body(i, carry):
      base = s * DEG_EPT + i * K
      pltpu.sync_copy(dst_hbm.at[pl.ds(base, K)], dst_v)
      pltpu.sync_copy(ones_v, deg_s.at[dst_v], add=True)
      return carry
    lax.fori_loop(0, DEG_CHUNKS, deg_body, 0)

    _agg_pass(pa_hbm, src_hbm, dst_hbm, src_v, dst_v, rows_v, acc_s, sem, c, s)
    plsc.subcore_barrier()

    def drain_a(cid):
      r0 = cid * RCH
      pltpu.sync_copy(acc_s.at[pl.ds(r0, RCH)], buf_v)
      pltpu.sync_copy(zbuf_v, acc_s.at[pl.ds(r0, RCH)])
      pltpu.sync_copy(deg_s.at[pl.ds(r0, RCH)], deg_v)

      def inv_body(r, carry):
        deg_v[r, :] = 1.0 / jnp.maximum(deg_v[r, :], 1.0)
        return carry
      lax.fori_loop(0, RCH, inv_body, 0)
      pltpu.sync_copy(deg_v, inv_hbm.at[pl.ds(r0, RCH)])
      _scale_rows(buf_v, deg_v)
      pltpu.sync_copy(buf_v, outa_hbm.at[pl.ds(c * N_NODES + r0, RCH)])
    _rr_chunks(s, drain_a)
    plsc.subcore_barrier()

    _agg_pass(pb_hbm, src_hbm, dst_hbm, src_v, dst_v, rows_v, acc_s, sem, c, s)
    plsc.subcore_barrier()

    def drain_b(cid):
      r0 = cid * RCH
      pltpu.sync_copy(acc_s.at[pl.ds(r0, RCH)], buf_v)
      pltpu.sync_copy(inv_hbm.at[pl.ds(r0, RCH)], deg_v)
      _scale_rows(buf_v, deg_v)
      pltpu.sync_copy(buf_v, outb_hbm.at[pl.ds(c * N_NODES + r0, RCH)])
    _rr_chunks(s, drain_b)

  return seg


def _make_seg2():
  mesh = plsc.VectorSubcoreMesh(core_axis_name="c", subcore_axis_name="s")

  @functools.partial(
      pl.kernel,
      mesh=mesh,
      compiler_params=pltpu.CompilerParams(use_tc_tiling_on_sc=False),
      out_type=jax.ShapeDtypeStruct((NC * N_NODES, HALF), jnp.float32),
      scratch_types=[
          pltpu.VMEM((K,), jnp.int32),
          pltpu.VMEM((K,), jnp.int32),
          pltpu.VMEM((K, HALF), jnp.float32),
          pltpu.VMEM((RCH, HALF), jnp.float32),
          pltpu.VMEM((RCH, HALF), jnp.float32),
          pltpu.VMEM((RCH, DEGW), jnp.float32),
          pltpu.VMEM_SHARED((N_NODES, HALF), jnp.float32),
          pltpu.SemaphoreType.DMA,
      ],
  )
  def seg(p_hbm, src_hbm, dst_hbm, zrow_hbm, inv_hbm, out_hbm,
          src_v, dst_v, rows_v, buf_v, zbuf_v, deg_v, acc_s, sem):
    c = lax.axis_index("c")
    s = lax.axis_index("s")

    pltpu.sync_copy(zrow_hbm, zbuf_v)

    def zero_chunk(cid):
      pltpu.sync_copy(zbuf_v, acc_s.at[pl.ds(cid * RCH, RCH)])
    _rr_chunks(s, zero_chunk)
    plsc.subcore_barrier()

    _agg_pass(p_hbm, src_hbm, dst_hbm, src_v, dst_v, rows_v, acc_s, sem, c, s)
    plsc.subcore_barrier()

    def drain_chunk(cid):
      r0 = cid * RCH
      pltpu.sync_copy(acc_s.at[pl.ds(r0, RCH)], buf_v)
      pltpu.sync_copy(inv_hbm.at[pl.ds(r0, RCH)], deg_v)
      _scale_rows(buf_v, deg_v)
      pltpu.sync_copy(buf_v, out_hbm.at[pl.ds(c * N_NODES + r0, RCH)])
    _rr_chunks(s, drain_chunk)

  return seg


def _tc_proj2(x, ws, wn, b, dout):
  n, din = x.shape

  def body(x_ref, ws_ref, wn_ref, b_ref, s_ref, p_ref):
    xb = x_ref[...]
    s_ref[...] = jnp.dot(xb, ws_ref[...],
                         preferred_element_type=jnp.float32) + b_ref[...]
    p_ref[...] = jnp.dot(xb, wn_ref[...], preferred_element_type=jnp.float32)

  return pl.pallas_call(
      body,
      grid=(n // BLK,),
      in_specs=[
          pl.BlockSpec((BLK, din), lambda i: (i, 0)),
          pl.BlockSpec((din, dout), lambda i: (0, 0)),
          pl.BlockSpec((din, dout), lambda i: (0, 0)),
          pl.BlockSpec((1, dout), lambda i: (0, 0)),
      ],
      out_specs=[
          pl.BlockSpec((BLK, dout), lambda i: (i, 0)),
          pl.BlockSpec((BLK, dout), lambda i: (i, 0)),
      ],
      out_shape=[
          jax.ShapeDtypeStruct((n, dout), jnp.float32),
          jax.ShapeDtypeStruct((n, dout), jnp.float32),
      ],
  )(x, ws, wn, b)


def _tc_relu_proj2(s1, aa0, aa1, ab0, ab1, ws, wn, b, dout):
  n, din = s1.shape

  def body(s1_ref, aa0_ref, aa1_ref, ab0_ref, ab1_ref, ws_ref, wn_ref, b_ref,
           s_ref, p_ref):
    agg = jnp.concatenate(
        [aa0_ref[...] + aa1_ref[...], ab0_ref[...] + ab1_ref[...]], axis=1)
    h = jnp.maximum(s1_ref[...] + agg, 0.0)
    s_ref[...] = jnp.dot(h, ws_ref[...],
                         preferred_element_type=jnp.float32) + b_ref[...]
    p_ref[...] = jnp.dot(h, wn_ref[...], preferred_element_type=jnp.float32)

  return pl.pallas_call(
      body,
      grid=(n // BLK,),
      in_specs=[
          pl.BlockSpec((BLK, din), lambda i: (i, 0)),
          pl.BlockSpec((BLK, HALF), lambda i: (i, 0)),
          pl.BlockSpec((BLK, HALF), lambda i: (i, 0)),
          pl.BlockSpec((BLK, HALF), lambda i: (i, 0)),
          pl.BlockSpec((BLK, HALF), lambda i: (i, 0)),
          pl.BlockSpec((din, dout), lambda i: (0, 0)),
          pl.BlockSpec((din, dout), lambda i: (0, 0)),
          pl.BlockSpec((1, dout), lambda i: (0, 0)),
      ],
      out_specs=[
          pl.BlockSpec((BLK, dout), lambda i: (i, 0)),
          pl.BlockSpec((BLK, dout), lambda i: (i, 0)),
      ],
      out_shape=[
          jax.ShapeDtypeStruct((n, dout), jnp.float32),
          jax.ShapeDtypeStruct((n, dout), jnp.float32),
      ],
  )(s1, aa0, aa1, ab0, ab1, ws, wn, b)


def _tc_add3(x, y, z):
  n, d = x.shape

  def body(x_ref, y_ref, z_ref, o_ref):
    o_ref[...] = x_ref[...] + y_ref[...] + z_ref[...]

  return pl.pallas_call(
      body,
      grid=(n // BLK,),
      in_specs=[pl.BlockSpec((BLK, d), lambda i: (i, 0))] * 3,
      out_specs=pl.BlockSpec((BLK, d), lambda i: (i, 0)),
      out_shape=jax.ShapeDtypeStruct((n, d), jnp.float32),
  )(x, y, z)


def kernel(inputs, edge_index, adj_high, W_self1, W_neigh1, b1,
           W_self2, W_neigh2, b2):
  src = edge_index[0]
  dst = edge_index[1]
  d_hid = W_self1.shape[1]
  n_cls = W_self2.shape[1]

  zrow = jnp.zeros((RCH, HALF), jnp.float32)
  zdeg = jnp.zeros((RCH, DEGW), jnp.float32)
  ones = jnp.ones((K, DEGW), jnp.float32)

  s1, p1 = _tc_proj2(inputs, W_self1, W_neigh1, b1.reshape(1, -1), d_hid)
  agg_a, agg_b, inv_deg = _make_seg1()(
      p1[:, :HALF], p1[:, HALF:], src, dst, zrow, zdeg, ones)

  s2, p2 = _tc_relu_proj2(s1, agg_a[:N_NODES], agg_a[N_NODES:],
                          agg_b[:N_NODES], agg_b[N_NODES:],
                          W_self2, W_neigh2, b2.reshape(1, -1), n_cls)
  agg2 = _make_seg2()(p2, src, dst, zrow, inv_deg)

  return _tc_add3(s2, agg2[:N_NODES], agg2[N_NODES:])

# --- scband reference (transcript-rebuilt; emitter-appended) ---
"""Pipeline reference for scband-sage-62878321213491 (READ-ONLY COPY).

The authoritative reference and input builder live on the scoring server;
editing this copy changes nothing except your own understanding.
"""

import jax, jax.numpy as jnp
import numpy as np

N_NODES = 10000
N_EDGES = 320000
D_IN = 128
D_HID = 128
N_CLASSES = 64


def _sage_layer(h, src, dst, W_self, W_neigh, b, num_nodes):
    # GraphSAGE mean aggregator: gather neighbor features along edges,
    # scatter-add into destination nodes, normalize by in-degree.
    msg = h[src]  # gather [E, d]
    agg = jax.ops.segment_sum(msg, dst, num_segments=num_nodes)
    deg = jax.ops.segment_sum(jnp.ones_like(dst, dtype=h.dtype), dst, num_segments=num_nodes)
    h_neigh = agg / jnp.clip(deg, 1.0, None)[:, None]
    return h @ W_self + h_neigh @ W_neigh + b


def setup_inputs(seed: int = 0) -> dict:
    key = jax.random.key(seed)
    ks = jax.random.split(key, 9)
    inputs = jax.random.normal(ks[0], (N_NODES, D_IN), dtype=jnp.float32)
    edge_index = jax.random.randint(ks[1], (2, N_EDGES), 0, N_NODES, dtype=jnp.int32)
    adj_high = jnp.zeros((1,), dtype=jnp.float32)  # unused by forward (passed through in torch too)
    s1 = 1.0 / np.sqrt(D_IN)
    s2 = 1.0 / np.sqrt(D_HID)
    W_self1 = jax.random.normal(ks[2], (D_IN, D_HID), dtype=jnp.float32) * s1
    W_neigh1 = jax.random.normal(ks[3], (D_IN, D_HID), dtype=jnp.float32) * s1
    b1 = jnp.zeros((D_HID,), dtype=jnp.float32)
    W_self2 = jax.random.normal(ks[4], (D_HID, N_CLASSES), dtype=jnp.float32) * s2
    W_neigh2 = jax.random.normal(ks[5], (D_HID, N_CLASSES), dtype=jnp.float32) * s2
    b2 = jnp.zeros((N_CLASSES,), dtype=jnp.float32)
    return {
        "inputs": inputs,
        "edge_index": edge_index,
        "adj_high": adj_high,
        "W_self1": W_self1,
        "W_neigh1": W_neigh1,
        "b1": b1,
        "W_self2": W_self2,
        "W_neigh2": W_neigh2,
        "b2": b2,
    }


def reference(inputs, edge_index, adj_high, W_self1, W_neigh1, b1, W_self2, W_neigh2, b2):
    # SAGE forward, n_layers=2, dropout=0.0 (identity at eval / p=0).
    src = edge_index[0]
    dst = edge_index[1]
    num_nodes = inputs.shape[0]
    h = inputs  # dropout(p=0) is identity
    h = _sage_layer(h, src, dst, W_self1, W_neigh1, b1, num_nodes)
    h = jax.nn.relu(h)
    h = _sage_layer(h, src, dst, W_self2, W_neigh2, b2, num_nodes)
    return h

if __name__ == "__main__":
    import jax
    _d = setup_inputs()
    print(jax.jit(kernel)(*tuple(_d.values())))

</pallas_src>

<mosaic_0001>
#map = affine_map<(d0, d1) -> (0, 0)>
#map1 = affine_map<(d0, d1) -> (0)>
module attributes {stable_mosaic.version = 14 : i64} {
  func.func @seg(%arg0: i32, %arg1: i32, %arg2: memref<10000x64xf32, #tpu.memory_space<hbm>>, %arg3: memref<10000x64xf32, #tpu.memory_space<hbm>>, %arg4: memref<320000xi32, #tpu.memory_space<hbm>>, %arg5: memref<320000xi32, #tpu.memory_space<hbm>>, %arg6: memref<200x64xf32, #tpu.memory_space<hbm>>, %arg7: memref<200x16xf32, #tpu.memory_space<hbm>>, %arg8: memref<80x16xf32, #tpu.memory_space<hbm>>, %arg9: memref<20000x64xf32, #tpu.memory_space<hbm>>, %arg10: memref<20000x64xf32, #tpu.memory_space<hbm>>, %arg11: memref<10000x16xf32, #tpu.memory_space<hbm>>, %arg12: memref<80xi32, #tpu.memory_space<vmem>>, %arg13: memref<80xi32, #tpu.memory_space<vmem>>, %arg14: memref<80x64xf32, #tpu.memory_space<vmem>>, %arg15: memref<80x16xf32, #tpu.memory_space<vmem>>, %arg16: memref<200x64xf32, #tpu.memory_space<vmem>>, %arg17: memref<200x64xf32, #tpu.memory_space<vmem>>, %arg18: memref<200x16xf32, #tpu.memory_space<vmem>>, %arg19: memref<200x16xf32, #tpu.memory_space<vmem>>, %arg20: memref<10000x64xf32, #tpu.memory_space<vmem_shared>>, %arg21: memref<10000x16xf32, #tpu.memory_space<vmem_shared>>, %arg22: memref<!tpu.dma_semaphore, #tpu.memory_space<semaphore_mem>>) attributes {dimension_semantics = [#tpu.dimension_semantics<core_parallel>, #tpu.dimension_semantics<subcore_parallel>], iteration_bounds = array<i64: 2, 16>, scalar_prefetch = 0 : i64, scratch_operands = 11 : i64, tpu.core_type = #tpu.core_type<sc_vector_subcore>, window_params = [{transform_indices = #map}, {transform_indices = #map}, {transform_indices = #map1}, {transform_indices = #map1}, {transform_indices = #map}, {transform_indices = #map}, {transform_indices = #map}, {transform_indices = #map}, {transform_indices = #map}, {transform_indices = #map}]} {
    "tpu.region"() ({
      %run_scoped3A = tpu.sem_alloc : memref<!tpu.dma_semaphore, #tpu.memory_space<semaphore_mem>>
      tpu.enqueue_dma source(%arg6 : memref<200x64xf32, #tpu.memory_space<hbm>>) target(%arg17 : memref<200x64xf32, #tpu.memory_space<vmem>>) target_semaphore(%run_scoped3A : memref<!tpu.dma_semaphore, #tpu.memory_space<semaphore_mem>>)
      tpu.wait_dma2 semaphore(%run_scoped3A : memref<!tpu.dma_semaphore, #tpu.memory_space<semaphore_mem>>) src(%arg6 : memref<200x64xf32, #tpu.memory_space<hbm>>) dst(%arg17 : memref<200x64xf32, #tpu.memory_space<vmem>>)
      tpu.yield
    }) : () -> ()
    "tpu.region"() ({
      %run_scoped3A = tpu.sem_alloc : memref<!tpu.dma_semaphore, #tpu.memory_space<semaphore_mem>>
      tpu.enqueue_dma source(%arg7 : memref<200x16xf32, #tpu.memory_space<hbm>>) target(%arg19 : memref<200x16xf32, #tpu.memory_space<vmem>>) target_semaphore(%run_scoped3A : memref<!tpu.dma_semaphore, #tpu.memory_space<semaphore_mem>>)
      tpu.wait_dma2 semaphore(%run_scoped3A : memref<!tpu.dma_semaphore, #tpu.memory_space<semaphore_mem>>) src(%arg7 : memref<200x16xf32, #tpu.memory_space<hbm>>) dst(%arg19 : memref<200x16xf32, #tpu.memory_space<vmem>>)
      tpu.yield
    }) : () -> ()
    "tpu.region"() ({
      %run_scoped3A = tpu.sem_alloc : memref<!tpu.dma_semaphore, #tpu.memory_space<semaphore_mem>>
      tpu.enqueue_dma source(%arg8 : memref<80x16xf32, #tpu.memory_space<hbm>>) target(%arg15 : memref<80x16xf32, #tpu.memory_space<vmem>>) target_semaphore(%run_scoped3A : memref<!tpu.dma_semaphore, #tpu.memory_space<semaphore_mem>>)
      tpu.wait_dma2 semaphore(%run_scoped3A : memref<!tpu.dma_semaphore, #tpu.memory_space<semaphore_mem>>) src(%arg8 : memref<80x16xf32, #tpu.memory_space<hbm>>) dst(%arg15 : memref<80x16xf32, #tpu.memory_space<vmem>>)
      tpu.yield
    }) : () -> ()
    %add3A = arith.constant 0 : i32
    %add3A_0 = arith.addi %arg1, %add3A : i32
    %mul3A = arith.constant 200 : i32
    %mul3A_1 = arith.muli %add3A_0, %mul3A : i32
    "tpu.region"() ({
      %run_scoped3A = tpu.sem_alloc : memref<!tpu.dma_semaphore, #tpu.memory_space<semaphore_mem>>
      %dma_start3A = arith.constant 0 : i32
      %dma_start3A_150 = tpu.memref_slice %arg20[%mul3A_1, %dma_start3A] : memref<10000x64xf32, #tpu.memory_space<vmem_shared>> -> memref<200x64xf32, #tpu.memory_space<vmem_shared>>
      %dma_start3A_151 = arith.constant 0 : i32
      %dma_start3A_152 = tpu.memref_slice %arg20[%mul3A_1, %dma_start3A_151] : memref<10000x64xf32, #tpu.memory_space<vmem_shared>> -> memref<200x64xf32, #tpu.memory_space<vmem_shared>>
      tpu.enqueue_dma source(%arg17 : memref<200x64xf32, #tpu.memory_space<vmem>>) target(%dma_start3A_152 : memref<200x64xf32, #tpu.memory_space<vmem_shared>>) target_semaphore(%run_scoped3A : memref<!tpu.dma_semaphore, #tpu.memory_space<semaphore_mem>>)
      %dma_wait3A = arith.constant 0 : i32
      %dma_wait3A_153 = tpu.memref_slice %arg20[%mul3A_1, %dma_wait3A] : memref<10000x64xf32, #tpu.memory_space<vmem_shared>> -> memref<200x64xf32, #tpu.memory_space<vmem_shared>>
      %dma_wait3A_154 = arith.constant 0 : i32
      %dma_wait3A_155 = tpu.memref_slice %arg20[%mul3A_1, %dma_wait3A_154] : memref<10000x64xf32, #tpu.memory_space<vmem_shared>> -> memref<200x64xf32, #tpu.memory_space<vmem_shared>>
      tpu.wait_dma2 semaphore(%run_scoped3A : memref<!tpu.dma_semaphore, #tpu.memory_space<semaphore_mem>>) src(%arg17 : memref<200x64xf32, #tpu.memory_space<vmem>>) dst(%dma_wait3A_155 : memref<200x64xf32, #tpu.memory_space<vmem_shared>>)
      tpu.yield
    }) : () -> ()
    %mul3A_2 = arith.constant 200 : i32
    %mul3A_3 = arith.muli %add3A_0, %mul3A_2 : i32
    "tpu.region"() ({
      %run_scoped3A = tpu.sem_alloc : memref<!tpu.dma_semaphore, #tpu.memory_space<semaphore_mem>>
      %dma_start3A = arith.constant 0 : i32
      %dma_start3A_150 = tpu.memref_slice %arg21[%mul3A_3, %dma_start3A] : memref<10000x16xf32, #tpu.memory_space<vmem_shared>> -> memref<200x16xf32, #tpu.memory_space<vmem_shared>>
      %dma_start3A_151 = arith.constant 0 : i32
      %dma_start3A_152 = tpu.memref_slice %arg21[%mul3A_3, %dma_start3A_151] : memref<10000x16xf32, #tpu.memory_space<vmem_shared>> -> memref<200x16xf32, #tpu.memory_space<vmem_shared>>
      tpu.enqueue_dma source(%arg19 : memref<200x16xf32, #tpu.memory_space<vmem>>) target(%dma_start3A_152 : memref<200x16xf32, #tpu.memory_space<vmem_shared>>) target_semaphore(%run_scoped3A : memref<!tpu.dma_semaphore, #tpu.memory_space<semaphore_mem>>)
      %dma_wait3A = arith.constant 0 : i32
      %dma_wait3A_153 = tpu.memref_slice %arg21[%mul3A_3, %dma_wait3A] : memref<10000x16xf32, #tpu.memory_space<vmem_shared>> -> memref<200x16xf32, #tpu.memory_space<vmem_shared>>
      %dma_wait3A_154 = arith.constant 0 : i32
      %dma_wait3A_155 = tpu.memref_slice %arg21[%mul3A_3, %dma_wait3A_154] : memref<10000x16xf32, #tpu.memory_space<vmem_shared>> -> memref<200x16xf32, #tpu.memory_space<vmem_shared>>
      tpu.wait_dma2 semaphore(%run_scoped3A : memref<!tpu.dma_semaphore, #tpu.memory_space<semaphore_mem>>) src(%arg19 : memref<200x16xf32, #tpu.memory_space<vmem>>) dst(%dma_wait3A_155 : memref<200x16xf32, #tpu.memory_space<vmem_shared>>)
      tpu.yield
    }) : () -> ()
    %add3A_4 = arith.constant 16 : i32
    %add3A_5 = arith.addi %arg1, %add3A_4 : i32
    %mul3A_6 = arith.constant 200 : i32
    %mul3A_7 = arith.muli %add3A_5, %mul3A_6 : i32
    "tpu.region"() ({
      %run_scoped3A = tpu.sem_alloc : memref<!tpu.dma_semaphore, #tpu.memory_space<semaphore_mem>>
      %dma_start3A = arith.constant 0 : i32
      %dma_start3A_150 = tpu.memref_slice %arg20[%mul3A_7, %dma_start3A] : memref<10000x64xf32, #tpu.memory_space<vmem_shared>> -> memref<200x64xf32, #tpu.memory_space<vmem_shared>>
      %dma_start3A_151 = arith.constant 0 : i32
      %dma_start3A_152 = tpu.memref_slice %arg20[%mul3A_7, %dma_start3A_151] : memref<10000x64xf32, #tpu.memory_space<vmem_shared>> -> memref<200x64xf32, #tpu.memory_space<vmem_shared>>
      tpu.enqueue_dma source(%arg17 : memref<200x64xf32, #tpu.memory_space<vmem>>) target(%dma_start3A_152 : memref<200x64xf32, #tpu.memory_space<vmem_shared>>) target_semaphore(%run_scoped3A : memref<!tpu.dma_semaphore, #tpu.memory_space<semaphore_mem>>)
      %dma_wait3A = arith.constant 0 : i32
      %dma_wait3A_153 = tpu.memref_slice %arg20[%mul3A_7, %dma_wait3A] : memref<10000x64xf32, #tpu.memory_space<vmem_shared>> -> memref<200x64xf32, #tpu.memory_space<vmem_shared>>
      %dma_wait3A_154 = arith.constant 0 : i32
      %dma_wait3A_155 = tpu.memref_slice %arg20[%mul3A_7, %dma_wait3A_154] : memref<10000x64xf32, #tpu.memory_space<vmem_shared>> -> memref<200x64xf32, #tpu.memory_space<vmem_shared>>
      tpu.wait_dma2 semaphore(%run_scoped3A : memref<!tpu.dma_semaphore, #tpu.memory_space<semaphore_mem>>) src(%arg17 : memref<200x64xf32, #tpu.memory_space<vmem>>) dst(%dma_wait3A_155 : memref<200x64xf32, #tpu.memory_space<vmem_shared>>)
      tpu.yield
    }) : () -> ()
    %mul3A_8 = arith.constant 200 : i32
    %mul3A_9 = arith.muli %add3A_5, %mul3A_8 : i32
    "tpu.region"() ({
      %run_scoped3A = tpu.sem_alloc : memref<!tpu.dma_semaphore, #tpu.memory_space<semaphore_mem>>
      %dma_start3A = arith.constant 0 : i32
      %dma_start3A_150 = tpu.memref_slice %arg21[%mul3A_9, %dma_start3A] : memref<10000x16xf32, #tpu.memory_space<vmem_shared>> -> memref<200x16xf32, #tpu.memory_space<vmem_shared>>
      %dma_start3A_151 = arith.constant 0 : i32
      %dma_start3A_152 = tpu.memref_slice %arg21[%mul3A_9, %dma_start3A_151] : memref<10000x16xf32, #tpu.memory_space<vmem_shared>> -> memref<200x16xf32, #tpu.memory_space<vmem_shared>>
      tpu.enqueue_dma source(%arg19 : memref<200x16xf32, #tpu.memory_space<vmem>>) target(%dma_start3A_152 : memref<200x16xf32, #tpu.memory_space<vmem_shared>>) target_semaphore(%run_scoped3A : memref<!tpu.dma_semaphore, #tpu.memory_space<semaphore_mem>>)
      %dma_wait3A = arith.constant 0 : i32
      %dma_wait3A_153 = tpu.memref_slice %arg21[%mul3A_9, %dma_wait3A] : memref<10000x16xf32, #tpu.memory_space<vmem_shared>> -> memref<200x16xf32, #tpu.memory_space<vmem_shared>>
      %dma_wait3A_154 = arith.constant 0 : i32
      %dma_wait3A_155 = tpu.memref_slice %arg21[%mul3A_9, %dma_wait3A_154] : memref<10000x16xf32, #tpu.memory_space<vmem_shared>> -> memref<200x16xf32, #tpu.memory_space<vmem_shared>>
      tpu.wait_dma2 semaphore(%run_scoped3A : memref<!tpu.dma_semaphore, #tpu.memory_space<semaphore_mem>>) src(%arg19 : memref<200x16xf32, #tpu.memory_space<vmem>>) dst(%dma_wait3A_155 : memref<200x16xf32, #tpu.memory_space<vmem_shared>>)
      tpu.yield
    }) : () -> ()
    %add3A_10 = arith.constant 32 : i32
    %add3A_11 = arith.addi %arg1, %add3A_10 : i32
    %mul3A_12 = arith.constant 200 : i32
    %mul3A_13 = arith.muli %add3A_11, %mul3A_12 : i32
    "tpu.region"() ({
      %run_scoped3A = tpu.sem_alloc : memref<!tpu.dma_semaphore, #tpu.memory_space<semaphore_mem>>
      %dma_start3A = arith.constant 0 : i32
      %dma_start3A_150 = tpu.memref_slice %arg20[%mul3A_13, %dma_start3A] : memref<10000x64xf32, #tpu.memory_space<vmem_shared>> -> memref<200x64xf32, #tpu.memory_space<vmem_shared>>
      %dma_start3A_151 = arith.constant 0 : i32
      %dma_start3A_152 = tpu.memref_slice %arg20[%mul3A_13, %dma_start3A_151] : memref<10000x64xf32, #tpu.memory_space<vmem_shared>> -> memref<200x64xf32, #tpu.memory_space<vmem_shared>>
      tpu.enqueue_dma source(%arg17 : memref<200x64xf32, #tpu.memory_space<vmem>>) target(%dma_start3A_152 : memref<200x64xf32, #tpu.memory_space<vmem_shared>>) target_semaphore(%run_scoped3A : memref<!tpu.dma_semaphore, #tpu.memory_space<semaphore_mem>>)
      %dma_wait3A = arith.constant 0 : i32
      %dma_wait3A_153 = tpu.memref_slice %arg20[%mul3A_13, %dma_wait3A] : memref<10000x64xf32, #tpu.memory_space<vmem_shared>> -> memref<200x64xf32, #tpu.memory_space<vmem_shared>>
      %dma_wait3A_154 = arith.constant 0 : i32
      %dma_wait3A_155 = tpu.memref_slice %arg20[%mul3A_13, %dma_wait3A_154] : memref<10000x64xf32, #tpu.memory_space<vmem_shared>> -> memref<200x64xf32, #tpu.memory_space<vmem_shared>>
      tpu.wait_dma2 semaphore(%run_scoped3A : memref<!tpu.dma_semaphore, #tpu.memory_space<semaphore_mem>>) src(%arg17 : memref<200x64xf32, #tpu.memory_space<vmem>>) dst(%dma_wait3A_155 : memref<200x64xf32, #tpu.memory_space<vmem_shared>>)
      tpu.yield
    }) : () -> ()
    %mul3A_14 = arith.constant 200 : i32
    %mul3A_15 = arith.muli %add3A_11, %mul3A_14 : i32
    "tpu.region"() ({
      %run_scoped3A = tpu.sem_alloc : memref<!tpu.dma_semaphore, #tpu.memory_space<semaphore_mem>>
      %dma_start3A = arith.constant 0 : i32
      %dma_start3A_150 = tpu.memref_slice %arg21[%mul3A_15, %dma_start3A] : memref<10000x16xf32, #tpu.memory_space<vmem_shared>> -> memref<200x16xf32, #tpu.memory_space<vmem_shared>>
      %dma_start3A_151 = arith.constant 0 : i32
      %dma_start3A_152 = tpu.memref_slice %arg21[%mul3A_15, %dma_start3A_151] : memref<10000x16xf32, #tpu.memory_space<vmem_shared>> -> memref<200x16xf32, #tpu.memory_space<vmem_shared>>
      tpu.enqueue_dma source(%arg19 : memref<200x16xf32, #tpu.memory_space<vmem>>) target(%dma_start3A_152 : memref<200x16xf32, #tpu.memory_space<vmem_shared>>) target_semaphore(%run_scoped3A : memref<!tpu.dma_semaphore, #tpu.memory_space<semaphore_mem>>)
      %dma_wait3A = arith.constant 0 : i32
      %dma_wait3A_153 = tpu.memref_slice %arg21[%mul3A_15, %dma_wait3A] : memref<10000x16xf32, #tpu.memory_space<vmem_shared>> -> memref<200x16xf32, #tpu.memory_space<vmem_shared>>
      %dma_wait3A_154 = arith.constant 0 : i32
      %dma_wait3A_155 = tpu.memref_slice %arg21[%mul3A_15, %dma_wait3A_154] : memref<10000x16xf32, #tpu.memory_space<vmem_shared>> -> memref<200x16xf32, #tpu.memory_space<vmem_shared>>
      tpu.wait_dma2 semaphore(%run_scoped3A : memref<!tpu.dma_semaphore, #tpu.memory_space<semaphore_mem>>) src(%arg19 : memref<200x16xf32, #tpu.memory_space<vmem>>) dst(%dma_wait3A_155 : memref<200x16xf32, #tpu.memory_space<vmem_shared>>)
      tpu.yield
    }) : () -> ()
    %add3A_16 = arith.constant 48 : i32
    %add3A_17 = arith.addi %arg1, %add3A_16 : i32
    %lt3A = arith.constant 50 : i32
    %lt3A_18 = arith.cmpi slt, %add3A_17, %lt3A : i32
    %convert_element_type3A = arith.extui %lt3A_18 : i1 to i32
    %cond3A = arith.constant 0 : i32
    %cond3A_19 = arith.cmpi ne, %convert_element_type3A, %cond3A : i32
    scf.if %cond3A_19 {
      %mul3A_150 = arith.constant 200 : i32
      %mul3A_151 = arith.muli %add3A_17, %mul3A_150 : i32
      "tpu.region"() ({
        %run_scoped3A = tpu.sem_alloc : memref<!tpu.dma_semaphore, #tpu.memory_space<semaphore_mem>>
        %dma_start3A = arith.constant 0 : i32
        %dma_start3A_154 = tpu.memref_slice %arg20[%mul3A_151, %dma_start3A] : memref<10000x64xf32, #tpu.memory_space<vmem_shared>> -> memref<200x64xf32, #tpu.memory_space<vmem_shared>>
        %dma_start3A_155 = arith.constant 0 : i32
        %dma_start3A_156 = tpu.memref_slice %arg20[%mul3A_151, %dma_start3A_155] : memref<10000x64xf32, #tpu.memory_space<vmem_shared>> -> memref<200x64xf32, #tpu.memory_space<vmem_shared>>
        tpu.enqueue_dma source(%arg17 : memref<200x64xf32, #tpu.memory_space<vmem>>) target(%dma_start3A_156 : memref<200x64xf32, #tpu.memory_space<vmem_shared>>) target_semaphore(%run_scoped3A : memref<!tpu.dma_semaphore, #tpu.memory_space<semaphore_mem>>)
        %dma_wait3A = arith.constant 0 : i32
        %dma_wait3A_157 = tpu.memref_slice %arg20[%mul3A_151, %dma_wait3A] : memref<10000x64xf32, #tpu.memory_space<vmem_shared>> -> memref<200x64xf32, #tpu.memory_space<vmem_shared>>
        %dma_wait3A_158 = arith.constant 0 : i32
        %dma_wait3A_159 = tpu.memref_slice %arg20[%mul3A_151, %dma_wait3A_158] : memref<10000x64xf32, #tpu.memory_space<vmem_shared>> -> memref<200x64xf32, #tpu.memory_space<vmem_shared>>
        tpu.wait_dma2 semaphore(%run_scoped3A : memref<!tpu.dma_semaphore, #tpu.memory_space<semaphore_mem>>) src(%arg17 : memref<200x64xf32, #tpu.memory_space<vmem>>) dst(%dma_wait3A_159 : memref<200x64xf32, #tpu.memory_space<vmem_shared>>)
        tpu.yield
      }) : () -> ()
      %mul3A_152 = arith.constant 200 : i32
      %mul3A_153 = arith.muli %add3A_17, %mul3A_152 : i32
      "tpu.region"() ({
        %run_scoped3A = tpu.sem_alloc : memref<!tpu.dma_semaphore, #tpu.memory_space<semaphore_mem>>
        %dma_start3A = arith.constant 0 : i32
        %dma_start3A_154 = tpu.memref_slice %arg21[%mul3A_153, %dma_start3A] : memref<10000x16xf32, #tpu.memory_space<vmem_shared>> -> memref<200x16xf32, #tpu.memory_space<vmem_shared>>
        %dma_start3A_155 = arith.constant 0 : i32
        %dma_start3A_156 = tpu.memref_slice %arg21[%mul3A_153, %dma_start3A_155] : memref<10000x16xf32, #tpu.memory_space<vmem_shared>> -> memref<200x16xf32, #tpu.memory_space<vmem_shared>>
        tpu.enqueue_dma source(%arg19 : memref<200x16xf32, #tpu.memory_space<vmem>>) target(%dma_start3A_156 : memref<200x16xf32, #tpu.memory_space<vmem_shared>>) target_semaphore(%run_scoped3A : memref<!tpu.dma_semaphore, #tpu.memory_space<semaphore_mem>>)
        %dma_wait3A = arith.constant 0 : i32
        %dma_wait3A_157 = tpu.memref_slice %arg21[%mul3A_153, %dma_wait3A] : memref<10000x16xf32, #tpu.memory_space<vmem_shared>> -> memref<200x16xf32, #tpu.memory_space<vmem_shared>>
        %dma_wait3A_158 = arith.constant 0 : i32
        %dma_wait3A_159 = tpu.memref_slice %arg21[%mul3A_153, %dma_wait3A_158] : memref<10000x16xf32, #tpu.memory_space<vmem_shared>> -> memref<200x16xf32, #tpu.memory_space<vmem_shared>>
        tpu.wait_dma2 semaphore(%run_scoped3A : memref<!tpu.dma_semaphore, #tpu.memory_space<semaphore_mem>>) src(%arg19 : memref<200x16xf32, #tpu.memory_space<vmem>>) dst(%dma_wait3A_159 : memref<200x16xf32, #tpu.memory_space<vmem_shared>>)
        tpu.yield
      }) : () -> ()
    } else {
    }
    %barrier3A = arith.constant 0 : index
    tpu.barrier barrier_id(%barrier3A)
    %scan3A = arith.constant 0 : i32
    %scan3A_20 = arith.constant 0 : i32
    %scan3A_21 = arith.constant 250 : i32
    %scan3A_22 = arith.addi %scan3A_20, %scan3A_21 : i32
    %scan3A_23 = arith.constant 1 : i32
    scf.for %scan3A_150 = %scan3A_20 to %scan3A_22 step %scan3A_23  : i32 {
      %mul3A_151 = arith.constant 20000 : i32
      %mul3A_152 = arith.muli %arg1, %mul3A_151 : i32
      %mul3A_153 = arith.constant 80 : i32
      %mul3A_154 = arith.muli %scan3A_150, %mul3A_153 : i32
      %add3A_155 = arith.addi %mul3A_152, %mul3A_154 : i32
      "tpu.region"() ({
        %run_scoped3A = tpu.sem_alloc : memref<!tpu.dma_semaphore, #tpu.memory_space<semaphore_mem>>
        %dma_start3A = tpu.memref_slice %arg5[%add3A_155] : memref<320000xi32, #tpu.memory_space<hbm>> -> memref<80xi32, #tpu.memory_space<hbm>>
        %dma_start3A_156 = tpu.memref_slice %arg5[%add3A_155] : memref<320000xi32, #tpu.memory_space<hbm>> -> memref<80xi32, #tpu.memory_space<hbm>>
        tpu.enqueue_dma source(%dma_start3A_156 : memref<80xi32, #tpu.memory_space<hbm>>) target(%arg13 : memref<80xi32, #tpu.memory_space<vmem>>) target_semaphore(%run_scoped3A : memref<!tpu.dma_semaphore, #tpu.memory_space<semaphore_mem>>)
        %dma_wait3A = tpu.memref_slice %arg5[%add3A_155] : memref<320000xi32, #tpu.memory_space<hbm>> -> memref<80xi32, #tpu.memory_space<hbm>>
        %dma_wait3A_157 = tpu.memref_slice %arg5[%add3A_155] : memref<320000xi32, #tpu.memory_space<hbm>> -> memref<80xi32, #tpu.memory_space<hbm>>
        tpu.wait_dma2 semaphore(%run_scoped3A : memref<!tpu.dma_semaphore, #tpu.memory_space<semaphore_mem>>) src(%dma_wait3A_157 : memref<80xi32, #tpu.memory_space<hbm>>) dst(%arg13 : memref<80xi32, #tpu.memory_space<vmem>>)
        tpu.yield
      }) : () -> ()
      "tpu.region"() ({
        %run_scoped3A = tpu.sem_alloc : memref<!tpu.dma_semaphore, #tpu.memory_space<semaphore_mem>>
        %dma_start3A = arith.constant 0 : i32
        %dma_start3A_156 = arith.constant 0 : i32
        %dma_start3A_157 = tpu.memref_slice %arg21[%dma_start3A, %dma_start3A_156] : memref<10000x16xf32, #tpu.memory_space<vmem_shared>> -> memref<10000x16xf32, #tpu.memory_space<vmem_shared>>
        tpu.enqueue_indirect_dma source(%arg15 : memref<80x16xf32, #tpu.memory_space<vmem>>) target(%dma_start3A_157 : memref<10000x16xf32, #tpu.memory_space<vmem_shared>>) offsets(%arg13 : memref<80xi32, #tpu.memory_space<vmem>>) semaphore(%run_scoped3A : memref<!tpu.dma_semaphore, #tpu.memory_space<semaphore_mem>>) {add = true}
        %dma_wait3A = arith.constant 0 : i32
        %dma_wait3A_158 = arith.constant 0 : i32
        %dma_wait3A_159 = tpu.memref_slice %arg21[%dma_wait3A, %dma_wait3A_158] : memref<10000x16xf32, #tpu.memory_space<vmem_shared>> -> memref<10000x16xf32, #tpu.memory_space<vmem_shared>>
        tpu.wait_indirect_dma semaphore(%run_scoped3A : memref<!tpu.dma_semaphore, #tpu.memory_space<semaphore_mem>>) src(%arg15 : memref<80x16xf32, #tpu.memory_space<vmem>>) dst(%dma_wait3A_159 : memref<10000x16xf32, #tpu.memory_space<vmem_shared>>)
        tpu.yield
      }) : () -> ()
    }
    %scan3A_24 = arith.constant 250 : i32
    %scan3A_25 = arith.constant 0 : i32
    %scan3A_26 = arith.constant 0 : i32
    %scan3A_27 = arith.constant 125 : i32
    %scan3A_28 = arith.addi %scan3A_26, %scan3A_27 : i32
    %scan3A_29 = arith.constant 1 : i32
    scf.for %scan3A_150 = %scan3A_26 to %scan3A_28 step %scan3A_29  : i32 {
      %mul3A_151 = arith.constant 160000 : i32
      %mul3A_152 = arith.muli %arg0, %mul3A_151 : i32
      %mul3A_153 = arith.constant 10000 : i32
      %mul3A_154 = arith.muli %arg1, %mul3A_153 : i32
      %add3A_155 = arith.addi %mul3A_152, %mul3A_154 : i32
      %mul3A_156 = arith.constant 80 : i32
      %mul3A_157 = arith.muli %scan3A_150, %mul3A_156 : i32
      %add3A_158 = arith.addi %add3A_155, %mul3A_157 : i32
      "tpu.region"() ({
        %run_scoped3A = tpu.sem_alloc : memref<!tpu.dma_semaphore, #tpu.memory_space<semaphore_mem>>
        %dma_start3A_163 = tpu.memref_slice %arg4[%add3A_158] : memref<320000xi32, #tpu.memory_space<hbm>> -> memref<80xi32, #tpu.memory_space<hbm>>
        %dma_start3A_164 = tpu.memref_slice %arg4[%add3A_158] : memref<320000xi32, #tpu.memory_space<hbm>> -> memref<80xi32, #tpu.memory_space<hbm>>
        tpu.enqueue_dma source(%dma_start3A_164 : memref<80xi32, #tpu.memory_space<hbm>>) target(%arg12 : memref<80xi32, #tpu.memory_space<vmem>>) target_semaphore(%run_scoped3A : memref<!tpu.dma_semaphore, #tpu.memory_space<semaphore_mem>>)
        %dma_wait3A_165 = tpu.memref_slice %arg4[%add3A_158] : memref<320000xi32, #tpu.memory_space<hbm>> -> memref<80xi32, #tpu.memory_space<hbm>>
        %dma_wait3A_166 = tpu.memref_slice %arg4[%add3A_158] : memref<320000xi32, #tpu.memory_space<hbm>> -> memref<80xi32, #tpu.memory_space<hbm>>
        tpu.wait_dma2 semaphore(%run_scoped3A : memref<!tpu.dma_semaphore, #tpu.memory_space<semaphore_mem>>) src(%dma_wait3A_166 : memref<80xi32, #tpu.memory_space<hbm>>) dst(%arg12 : memref<80xi32, #tpu.memory_space<vmem>>)
        tpu.yield
      }) : () -> ()
      "tpu.region"() ({
        %run_scoped3A = tpu.sem_alloc : memref<!tpu.dma_semaphore, #tpu.memory_space<semaphore_mem>>
        %dma_start3A_163 = tpu.memref_slice %arg5[%add3A_158] : memref<320000xi32, #tpu.memory_space<hbm>> -> memref<80xi32, #tpu.memory_space<hbm>>
        %dma_start3A_164 = tpu.memref_slice %arg5[%add3A_158] : memref<320000xi32, #tpu.memory_space<hbm>> -> memref<80xi32, #tpu.memory_space<hbm>>
        tpu.enqueue_dma source(%dma_start3A_164 : memref<80xi32, #tpu.memory_space<hbm>>) target(%arg13 : memref<80xi32, #tpu.memory_space<vmem>>) target_semaphore(%run_scoped3A : memref<!tpu.dma_semaphore, #tpu.memory_space<semaphore_mem>>)
        %dma_wait3A_165 = tpu.memref_slice %arg5[%add3A_158] : memref<320000xi32, #tpu.memory_space<hbm>> -> memref<80xi32, #tpu.memory_space<hbm>>
        %dma_wait3A_166 = tpu.memref_slice %arg5[%add3A_158] : memref<320000xi32, #tpu.memory_space<hbm>> -> memref<80xi32, #tpu.memory_space<hbm>>
        tpu.wait_dma2 semaphore(%run_scoped3A : memref<!tpu.dma_semaphore, #tpu.memory_space<semaphore_mem>>) src(%dma_wait3A_166 : memref<80xi32, #tpu.memory_space<hbm>>) dst(%arg13 : memref<80xi32, #tpu.memory_space<vmem>>)
        tpu.yield
      }) : () -> ()
      %dma_start3A = arith.constant 0 : i32
      %dma_start3A_159 = arith.constant 0 : i32
      %dma_start3A_160 = tpu.memref_slice %arg2[%dma_start3A, %dma_start3A_159] : memref<10000x64xf32, #tpu.memory_space<hbm>> -> memref<10000x64xf32, #tpu.memory_space<hbm>>
      tpu.enqueue_indirect_dma source(%dma_start3A_160 : memref<10000x64xf32, #tpu.memory_space<hbm>>) target(%arg14 : memref<80x64xf32, #tpu.memory_space<vmem>>) offsets(%arg12 : memref<80xi32, #tpu.memory_space<vmem>>) semaphore(%arg22 : memref<!tpu.dma_semaphore, #tpu.memory_space<semaphore_mem>>)
      %dma_wait3A = arith.constant 0 : i32
      %dma_wait3A_161 = arith.constant 0 : i32
      %dma_wait3A_162 = tpu.memref_slice %arg2[%dma_wait3A, %dma_wait3A_161] : memref<10000x64xf32, #tpu.memory_space<hbm>> -> memref<10000x64xf32, #tpu.memory_space<hbm>>
      tpu.wait_indirect_dma semaphore(%arg22 : memref<!tpu.dma_semaphore, #tpu.memory_space<semaphore_mem>>) src(%dma_wait3A_162 : memref<10000x64xf32, #tpu.memory_space<hbm>>) dst(%arg14 : memref<80x64xf32, #tpu.memory_space<vmem>>)
      "tpu.region"() ({
        %run_scoped3A = tpu.sem_alloc : memref<!tpu.dma_semaphore, #tpu.memory_space<semaphore_mem>>
        %dma_start3A_163 = arith.constant 0 : i32
        %dma_start3A_164 = arith.constant 0 : i32
        %dma_start3A_165 = tpu.memref_slice %arg20[%dma_start3A_163, %dma_start3A_164] : memref<10000x64xf32, #tpu.memory_space<vmem_shared>> -> memref<10000x64xf32, #tpu.memory_space<vmem_shared>>
        tpu.enqueue_indirect_dma source(%arg14 : memref<80x64xf32, #tpu.memory_space<vmem>>) target(%dma_start3A_165 : memref<10000x64xf32, #tpu.memory_space<vmem_shared>>) offsets(%arg13 : memref<80xi32, #tpu.memory_space<vmem>>) semaphore(%run_scoped3A : memref<!tpu.dma_semaphore, #tpu.memory_space<semaphore_mem>>) {add = true}
        %dma_wait3A_166 = arith.constant 0 : i32
        %dma_wait3A_167 = arith.constant 0 : i32
        %dma_wait3A_168 = tpu.memref_slice %arg20[%dma_wait3A_166, %dma_wait3A_167] : memref<10000x64xf32, #tpu.memory_space<vmem_shared>> -> memref<10000x64xf32, #tpu.memory_space<vmem_shared>>
        tpu.wait_indirect_dma semaphore(%run_scoped3A : memref<!tpu.dma_semaphore, #tpu.memory_space<semaphore_mem>>) src(%arg14 : memref<80x64xf32, #tpu.memory_space<vmem>>) dst(%dma_wait3A_168 : memref<10000x64xf32, #tpu.memory_space<vmem_shared>>)
        tpu.yield
      }) : () -> ()
    }
    %scan3A_30 = arith.constant 125 : i32
    %barrier3A_31 = arith.constant 0 : index
    tpu.barrier barrier_id(%barrier3A_31)
    %add3A_32 = arith.constant 0 : i32
    %add3A_33 = arith.addi %arg1, %add3A_32 : i32
    %mul3A_34 = arith.constant 200 : i32
    %mul3A_35 = arith.muli %add3A_33, %mul3A_34 : i32
    "tpu.region"() ({
      %run_scoped3A = tpu.sem_alloc : memref<!tpu.dma_semaphore, #tpu.memory_space<semaphore_mem>>
      %dma_start3A = arith.constant 0 : i32
      %dma_start3A_150 = tpu.memref_slice %arg20[%mul3A_35, %dma_start3A] : memref<10000x64xf32, #tpu.memory_space<vmem_shared>> -> memref<200x64xf32, #tpu.memory_space<vmem_shared>>
      %dma_start3A_151 = arith.constant 0 : i32
      %dma_start3A_152 = tpu.memref_slice %arg20[%mul3A_35, %dma_start3A_151] : memref<10000x64xf32, #tpu.memory_space<vmem_shared>> -> memref<200x64xf32, #tpu.memory_space<vmem_shared>>
      tpu.enqueue_dma source(%dma_start3A_152 : memref<200x64xf32, #tpu.memory_space<vmem_shared>>) target(%arg16 : memref<200x64xf32, #tpu.memory_space<vmem>>) target_semaphore(%run_scoped3A : memref<!tpu.dma_semaphore, #tpu.memory_space<semaphore_mem>>)
      %dma_wait3A = arith.constant 0 : i32
      %dma_wait3A_153 = tpu.memref_slice %arg20[%mul3A_35, %dma_wait3A] : memref<10000x64xf32, #tpu.memory_space<vmem_shared>> -> memref<200x64xf32, #tpu.memory_space<vmem_shared>>
      %dma_wait3A_154 = arith.constant 0 : i32
      %dma_wait3A_155 = tpu.memref_slice %arg20[%mul3A_35, %dma_wait3A_154] : memref<10000x64xf32, #tpu.memory_space<vmem_shared>> -> memref<200x64xf32, #tpu.memory_space<vmem_shared>>
      tpu.wait_dma2 semaphore(%run_scoped3A : memref<!tpu.dma_semaphore, #tpu.memory_space<semaphore_mem>>) src(%dma_wait3A_155 : memref<200x64xf32, #tpu.memory_space<vmem_shared>>) dst(%arg16 : memref<200x64xf32, #tpu.memory_space<vmem>>)
      tpu.yield
    }) : () -> ()
    "tpu.region"() ({
      %run_scoped3A = tpu.sem_alloc : memref<!tpu.dma_semaphore, #tpu.memory_space<semaphore_mem>>
      %dma_start3A = arith.constant 0 : i32
      %dma_start3A_150 = tpu.memref_slice %arg20[%mul3A_35, %dma_start3A] : memref<10000x64xf32, #tpu.memory_space<vmem_shared>> -> memref<200x64xf32, #tpu.memory_space<vmem_shared>>
      %dma_start3A_151 = arith.constant 0 : i32
      %dma_start3A_152 = tpu.memref_slice %arg20[%mul3A_35, %dma_start3A_151] : memref<10000x64xf32, #tpu.memory_space<vmem_shared>> -> memref<200x64xf32, #tpu.memory_space<vmem_shared>>
      tpu.enqueue_dma source(%arg17 : memref<200x64xf32, #tpu.memory_space<vmem>>) target(%dma_start3A_152 : memref<200x64xf32, #tpu.memory_space<vmem_shared>>) target_semaphore(%run_scoped3A : memref<!tpu.dma_semaphore, #tpu.memory_space<semaphore_mem>>)
      %dma_wait3A = arith.constant 0 : i32
      %dma_wait3A_153 = tpu.memref_slice %arg20[%mul3A_35, %dma_wait3A] : memref<10000x64xf32, #tpu.memory_space<vmem_shared>> -> memref<200x64xf32, #tpu.memory_space<vmem_shared>>
      %dma_wait3A_154 = arith.constant 0 : i32
      %dma_wait3A_155 = tpu.memref_slice %arg20[%mul3A_35, %dma_wait3A_154] : memref<10000x64xf32, #tpu.memory_space<vmem_shared>> -> memref<200x64xf32, #tpu.memory_space<vmem_shared>>
      tpu.wait_dma2 semaphore(%run_scoped3A : memref<!tpu.dma_semaphore, #tpu.memory_space<semaphore_mem>>) src(%arg17 : memref<200x64xf32, #tpu.memory_space<vmem>>) dst(%dma_wait3A_155 : memref<200x64xf32, #tpu.memory_space<vmem_shared>>)
      tpu.yield
    }) : () -> ()
    "tpu.region"() ({
      %run_scoped3A = tpu.sem_alloc : memref<!tpu.dma_semaphore, #tpu.memory_space<semaphore_mem>>
      %dma_start3A = arith.constant 0 : i32
      %dma_start3A_150 = tpu.memref_slice %arg21[%mul3A_35, %dma_start3A] : memref<10000x16xf32, #tpu.memory_space<vmem_shared>> -> memref<200x16xf32, #tpu.memory_space<vmem_shared>>
      %dma_start3A_151 = arith.constant 0 : i32
      %dma_start3A_152 = tpu.memref_slice %arg21[%mul3A_35, %dma_start3A_151] : memref<10000x16xf32, #tpu.memory_space<vmem_shared>> -> memref<200x16xf32, #tpu.memory_space<vmem_shared>>
      tpu.enqueue_dma source(%dma_start3A_152 : memref<200x16xf32, #tpu.memory_space<vmem_shared>>) target(%arg18 : memref<200x16xf32, #tpu.memory_space<vmem>>) target_semaphore(%run_scoped3A : memref<!tpu.dma_semaphore, #tpu.memory_space<semaphore_mem>>)
      %dma_wait3A = arith.constant 0 : i32
      %dma_wait3A_153 = tpu.memref_slice %arg21[%mul3A_35, %dma_wait3A] : memref<10000x16xf32, #tpu.memory_space<vmem_shared>> -> memref<200x16xf32, #tpu.memory_space<vmem_shared>>
      %dma_wait3A_154 = arith.constant 0 : i32
      %dma_wait3A_155 = tpu.memref_slice %arg21[%mul3A_35, %dma_wait3A_154] : memref<10000x16xf32, #tpu.memory_space<vmem_shared>> -> memref<200x16xf32, #tpu.memory_space<vmem_shared>>
      tpu.wait_dma2 semaphore(%run_scoped3A : memref<!tpu.dma_semaphore, #tpu.memory_space<semaphore_mem>>) src(%dma_wait3A_155 : memref<200x16xf32, #tpu.memory_space<vmem_shared>>) dst(%arg18 : memref<200x16xf32, #tpu.memory_space<vmem>>)
      tpu.yield
    }) : () -> ()
    %scan3A_36 = arith.constant 0 : i32
    %scan3A_37 = arith.constant 0 : i32
    %scan3A_38 = arith.constant 200 : i32
    %scan3A_39 = arith.addi %scan3A_37, %scan3A_38 : i32
    %scan3A_40 = arith.constant 1 : i32
    scf.for %scan3A_150 = %scan3A_37 to %scan3A_39 step %scan3A_40  : i32 {
      %get3A = arith.index_cast %scan3A_150 : i32 to index
      %get3A_151 = arith.constant 0 : index
      %get3A_152 = tpu.vector_load %arg18[%get3A, %get3A_151] {strides = array<i32>} : memref<200x16xf32, #tpu.memory_space<vmem>>, vector<1x16xf32>,
      %get3A_153 = vector.shape_cast %get3A_152 : vector<1x16xf32> to vector<16xf32>
      %max3A = arith.constant 1.000000e+00 : f32
      %max3A_154 = vector.broadcast %max3A : f32 to vector<16xf32>
      %max3A_155 = arith.maximumf %get3A_153, %max3A_154 : vector<16xf32>
      %div3A = arith.constant 1.000000e+00 : f32
      %div3A_156 = vector.broadcast %div3A : f32 to vector<16xf32>
      %div3A_157 = arith.divf %div3A_156, %max3A_155 : vector<16xf32>
      %swap3A = arith.index_cast %scan3A_150 : i32 to index
      %swap3A_158 = arith.constant 0 : index
      %swap3A_159 = tpu.vector_load %arg18[%swap3A, %swap3A_158] {strides = array<i32>} : memref<200x16xf32, #tpu.memory_space<vmem>>, vector<1x16xf32>,
      %swap3A_160 = vector.shape_cast %swap3A_159 : vector<1x16xf32> to vector<16xf32>
      %swap3A_161 = vector.shape_cast %div3A_157 : vector<16xf32> to vector<1x16xf32>
      tpu.vector_store %arg18[%swap3A, %swap3A_158], %swap3A_161 {strides = array<i32>} : memref<200x16xf32, #tpu.memory_space<vmem>>, vector<1x16xf32>,
    }
    %scan3A_41 = arith.constant 200 : i32
    "tpu.region"() ({
      %run_scoped3A = tpu.sem_alloc : memref<!tpu.dma_semaphore, #tpu.memory_space<semaphore_mem>>
      %dma_start3A = arith.constant 0 : i32
      %dma_start3A_150 = tpu.memref_slice %arg11[%mul3A_35, %dma_start3A] : memref<10000x16xf32, #tpu.memory_space<hbm>> -> memref<200x16xf32, #tpu.memory_space<hbm>>
      %dma_start3A_151 = arith.constant 0 : i32
      %dma_start3A_152 = tpu.memref_slice %arg11[%mul3A_35, %dma_start3A_151] : memref<10000x16xf32, #tpu.memory_space<hbm>> -> memref<200x16xf32, #tpu.memory_space<hbm>>
      tpu.enqueue_dma source(%arg18 : memref<200x16xf32, #tpu.memory_space<vmem>>) target(%dma_start3A_152 : memref<200x16xf32, #tpu.memory_space<hbm>>) target_semaphore(%run_scoped3A : memref<!tpu.dma_semaphore, #tpu.memory_space<semaphore_mem>>)
      %dma_wait3A = arith.constant 0 : i32
      %dma_wait3A_153 = tpu.memref_slice %arg11[%mul3A_35, %dma_wait3A] : memref<10000x16xf32, #tpu.memory_space<hbm>> -> memref<200x16xf32, #tpu.memory_space<hbm>>
      %dma_wait3A_154 = arith.constant 0 : i32
      %dma_wait3A_155 = tpu.memref_slice %arg11[%mul3A_35, %dma_wait3A_154] : memref<10000x16xf32, #tpu.memory_space<hbm>> -> memref<200x16xf32, #tpu.memory_space<hbm>>
      tpu.wait_dma2 semaphore(%run_scoped3A : memref<!tpu.dma_semaphore, #tpu.memory_space<semaphore_mem>>) src(%arg18 : memref<200x16xf32, #tpu.memory_space<vmem>>) dst(%dma_wait3A_155 : memref<200x16xf32, #tpu.memory_space<hbm>>)
      tpu.yield
    }) : () -> ()
    %scan3A_42 = arith.constant 0 : i32
    %scan3A_43 = arith.constant 0 : i32
    %scan3A_44 = arith.constant 200 : i32
    %scan3A_45 = arith.addi %scan3A_43, %scan3A_44 : i32
    %scan3A_46 = arith.constant 1 : i32
    scf.for %scan3A_150 = %scan3A_43 to %scan3A_45 step %scan3A_46  : i32 {
      %get3A = arith.index_cast %scan3A_150 : i32 to index
      %get3A_151 = arith.constant 0 : index
      %get3A_152 = tpu.vector_load %arg18[%get3A, %get3A_151] {strides = array<i32>} : memref<200x16xf32, #tpu.memory_space<vmem>>, vector<1x16xf32>,
      %get3A_153 = vector.shape_cast %get3A_152 : vector<1x16xf32> to vector<16xf32>
      %get3A_154 = arith.index_cast %scan3A_150 : i32 to index
      %get3A_155 = arith.constant 0 : index
      %get3A_156 = tpu.vector_load %arg16[%get3A_154, %get3A_155] {strides = array<i32>} : memref<200x64xf32, #tpu.memory_space<vmem>>, vector<1x16xf32>,
      %get3A_157 = vector.shape_cast %get3A_156 : vector<1x16xf32> to vector<16xf32>
      %mul3A_158 = arith.mulf %get3A_157, %get3A_153 : vector<16xf32>
      %swap3A = arith.index_cast %scan3A_150 : i32 to index
      %swap3A_159 = arith.constant 0 : index
      %swap3A_160 = tpu.vector_load %arg16[%swap3A, %swap3A_159] {strides = array<i32>} : memref<200x64xf32, #tpu.memory_space<vmem>>, vector<1x16xf32>,
      %swap3A_161 = vector.shape_cast %swap3A_160 : vector<1x16xf32> to vector<16xf32>
      %swap3A_162 = vector.shape_cast %mul3A_158 : vector<16xf32> to vector<1x16xf32>
      tpu.vector_store %arg16[%swap3A, %swap3A_159], %swap3A_162 {strides = array<i32>} : memref<200x64xf32, #tpu.memory_space<vmem>>, vector<1x16xf32>,
      %get3A_163 = arith.index_cast %scan3A_150 : i32 to index
      %get3A_164 = arith.constant 16 : index
      %get3A_165 = tpu.vector_load %arg16[%get3A_163, %get3A_164] {strides = array<i32>} : memref<200x64xf32, #tpu.memory_space<vmem>>, vector<1x16xf32>,
      %get3A_166 = vector.shape_cast %get3A_165 : vector<1x16xf32> to vector<16xf32>
      %mul3A_167 = arith.mulf %get3A_166, %get3A_153 : vector<16xf32>
      %swap3A_168 = arith.index_cast %scan3A_150 : i32 to index
      %swap3A_169 = arith.constant 16 : index
      %swap3A_170 = tpu.vector_load %arg16[%swap3A_168, %swap3A_169] {strides = array<i32>} : memref<200x64xf32, #tpu.memory_space<vmem>>, vector<1x16xf32>,
      %swap3A_171 = vector.shape_cast %swap3A_170 : vector<1x16xf32> to vector<16xf32>
      %swap3A_172 = vector.shape_cast %mul3A_167 : vector<16xf32> to vector<1x16xf32>
      tpu.vector_store %arg16[%swap3A_168, %swap3A_169], %swap3A_172 {strides = array<i32>} : memref<200x64xf32, #tpu.memory_space<vmem>>, vector<1x16xf32>,
      %get3A_173 = arith.index_cast %scan3A_150 : i32 to index
      %get3A_174 = arith.constant 32 : index
      %get3A_175 = tpu.vector_load %arg16[%get3A_173, %get3A_174] {strides = array<i32>} : memref<200x64xf32, #tpu.memory_space<vmem>>, vector<1x16xf32>,
      %get3A_176 = vector.shape_cast %get3A_175 : vector<1x16xf32> to vector<16xf32>
      %mul3A_177 = arith.mulf %get3A_176, %get3A_153 : vector<16xf32>
      %swap3A_178 = arith.index_cast %scan3A_150 : i32 to index
      %swap3A_179 = arith.constant 32 : index
      %swap3A_180 = tpu.vector_load %arg16[%swap3A_178, %swap3A_179] {strides = array<i32>} : memref<200x64xf32, #tpu.memory_space<vmem>>, vector<1x16xf32>,
      %swap3A_181 = vector.shape_cast %swap3A_180 : vector<1x16xf32> to vector<16xf32>
      %swap3A_182 = vector.shape_cast %mul3A_177 : vector<16xf32> to vector<1x16xf32>
      tpu.vector_store %arg16[%swap3A_178, %swap3A_179], %swap3A_182 {strides = array<i32>} : memref<200x64xf32, #tpu.memory_space<vmem>>, vector<1x16xf32>,
      %get3A_183 = arith.index_cast %scan3A_150 : i32 to index
      %get3A_184 = arith.constant 48 : index
      %get3A_185 = tpu.vector_load %arg16[%get3A_183, %get3A_184] {strides = array<i32>} : memref<200x64xf32, #tpu.memory_space<vmem>>, vector<1x16xf32>,
      %get3A_186 = vector.shape_cast %get3A_185 : vector<1x16xf32> to vector<16xf32>
      %mul3A_187 = arith.mulf %get3A_186, %get3A_153 : vector<16xf32>
      %swap3A_188 = arith.index_cast %scan3A_150 : i32 to index
      %swap3A_189 = arith.constant 48 : index
      %swap3A_190 = tpu.vector_load %arg16[%swap3A_188, %swap3A_189] {strides = array<i32>} : memref<200x64xf32, #tpu.memory_space<vmem>>, vector<1x16xf32>,
      %swap3A_191 = vector.shape_cast %swap3A_190 : vector<1x16xf32> to vector<16xf32>
      %swap3A_192 = vector.shape_cast %mul3A_187 : vector<16xf32> to vector<1x16xf32>
      tpu.vector_store %arg16[%swap3A_188, %swap3A_189], %swap3A_192 {strides = array<i32>} : memref<200x64xf32, #tpu.memory_space<vmem>>, vector<1x16xf32>,
    }
    %scan3A_47 = arith.constant 200 : i32
    %mul3A_48 = arith.constant 10000 : i32
    %mul3A_49 = arith.muli %arg0, %mul3A_48 : i32
    %add3A_50 = arith.addi %mul3A_49, %mul3A_35 : i32
    "tpu.region"() ({
      %run_scoped3A = tpu.sem_alloc : memref<!tpu.dma_semaphore, #tpu.memory_space<semaphore_mem>>
      %dma_start3A = arith.constant 0 : i32
      %dma_start3A_150 = tpu.memref_slice %arg9[%add3A_50, %dma_start3A] : memref<20000x64xf32, #tpu.memory_space<hbm>> -> memref<200x64xf32, #tpu.memory_space<hbm>>
      %dma_start3A_151 = arith.constant 0 : i32
      %dma_start3A_152 = tpu.memref_slice %arg9[%add3A_50, %dma_start3A_151] : memref<20000x64xf32, #tpu.memory_space<hbm>> -> memref<200x64xf32, #tpu.memory_space<hbm>>
      tpu.enqueue_dma source(%arg16 : memref<200x64xf32, #tpu.memory_space<vmem>>) target(%dma_start3A_152 : memref<200x64xf32, #tpu.memory_space<hbm>>) target_semaphore(%run_scoped3A : memref<!tpu.dma_semaphore, #tpu.memory_space<semaphore_mem>>)
      %dma_wait3A = arith.constant 0 : i32
      %dma_wait3A_153 = tpu.memref_slice %arg9[%add3A_50, %dma_wait3A] : memref<20000x64xf32, #tpu.memory_space<hbm>> -> memref<200x64xf32, #tpu.memory_space<hbm>>
      %dma_wait3A_154 = arith.constant 0 : i32
      %dma_wait3A_155 = tpu.memref_slice %arg9[%add3A_50, %dma_wait3A_154] : memref<20000x64xf32, #tpu.memory_space<hbm>> -> memref<200x64xf32, #tpu.memory_space<hbm>>
      tpu.wait_dma2 semaphore(%run_scoped3A : memref<!tpu.dma_semaphore, #tpu.memory_space<semaphore_mem>>) src(%arg16 : memref<200x64xf32, #tpu.memory_space<vmem>>) dst(%dma_wait3A_155 : memref<200x64xf32, #tpu.memory_space<hbm>>)
      tpu.yield
    }) : () -> ()
    %add3A_51 = arith.constant 16 : i32
    %add3A_52 = arith.addi %arg1, %add3A_51 : i32
    %mul3A_53 = arith.constant 200 : i32
    %mul3A_54 = arith.muli %add3A_52, %mul3A_53 : i32
    "tpu.region"() ({
      %run_scoped3A = tpu.sem_alloc : memref<!tpu.dma_semaphore, #tpu.memory_space<semaphore_mem>>
      %dma_start3A = arith.constant 0 : i32
      %dma_start3A_150 = tpu.memref_slice %arg20[%mul3A_54, %dma_start3A] : memref<10000x64xf32, #tpu.memory_space<vmem_shared>> -> memref<200x64xf32, #tpu.memory_space<vmem_shared>>
      %dma_start3A_151 = arith.constant 0 : i32
      %dma_start3A_152 = tpu.memref_slice %arg20[%mul3A_54, %dma_start3A_151] : memref<10000x64xf32, #tpu.memory_space<vmem_shared>> -> memref<200x64xf32, #tpu.memory_space<vmem_shared>>
      tpu.enqueue_dma source(%dma_start3A_152 : memref<200x64xf32, #tpu.memory_space<vmem_shared>>) target(%arg16 : memref<200x64xf32, #tpu.memory_space<vmem>>) target_semaphore(%run_scoped3A : memref<!tpu.dma_semaphore, #tpu.memory_space<semaphore_mem>>)
      %dma_wait3A = arith.constant 0 : i32
      %dma_wait3A_153 = tpu.memref_slice %arg20[%mul3A_54, %dma_wait3A] : memref<10000x64xf32, #tpu.memory_space<vmem_shared>> -> memref<200x64xf32, #tpu.memory_space<vmem_shared>>
      %dma_wait3A_154 = arith.constant 0 : i32
      %dma_wait3A_155 = tpu.memref_slice %arg20[%mul3A_54, %dma_wait3A_154] : memref<10000x64xf32, #tpu.memory_space<vmem_shared>> -> memref<200x64xf32, #tpu.memory_space<vmem_shared>>
      tpu.wait_dma2 semaphore(%run_scoped3A : memref<!tpu.dma_semaphore, #tpu.memory_space<semaphore_mem>>) src(%dma_wait3A_155 : memref<200x64xf32, #tpu.memory_space<vmem_shared>>) dst(%arg16 : memref<200x64xf32, #tpu.memory_space<vmem>>)
      tpu.yield
    }) : () -> ()
    "tpu.region"() ({
      %run_scoped3A = tpu.sem_alloc : memref<!tpu.dma_semaphore, #tpu.memory_space<semaphore_mem>>
      %dma_start3A = arith.constant 0 : i32
      %dma_start3A_150 = tpu.memref_slice %arg20[%mul3A_54, %dma_start3A] : memref<10000x64xf32, #tpu.memory_space<vmem_shared>> -> memref<200x64xf32, #tpu.memory_space<vmem_shared>>
      %dma_start3A_151 = arith.constant 0 : i32
      %dma_start3A_152 = tpu.memref_slice %arg20[%mul3A_54, %dma_start3A_151] : memref<10000x64xf32, #tpu.memory_space<vmem_shared>> -> memref<200x64xf32, #tpu.memory_space<vmem_shared>>
      tpu.enqueue_dma source(%arg17 : memref<200x64xf32, #tpu.memory_space<vmem>>) target(%dma_start3A_152 : memref<200x64xf32, #tpu.memory_space<vmem_shared>>) target_semaphore(%run_scoped3A : memref<!tpu.dma_semaphore, #tpu.memory_space<semaphore_mem>>)
      %dma_wait3A = arith.constant 0 : i32
      %dma_wait3A_153 = tpu.memref_slice %arg20[%mul3A_54, %dma_wait3A] : memref<10000x64xf32, #tpu.memory_space<vmem_shared>> -> memref<200x64xf32, #tpu.memory_space<vmem_shared>>
      %dma_wait3A_154 = arith.constant 0 : i32
      %dma_wait3A_155 = tpu.memref_slice %arg20[%mul3A_54, %dma_wait3A_154] : memref<10000x64xf32, #tpu.memory_space<vmem_shared>> -> memref<200x64xf32, #tpu.memory_space<vmem_shared>>
      tpu.wait_dma2 semaphore(%run_scoped3A : memref<!tpu.dma_semaphore, #tpu.memory_space<semaphore_mem>>) src(%arg17 : memref<200x64xf32, #tpu.memory_space<vmem>>) dst(%dma_wait3A_155 : memref<200x64xf32, #tpu.memory_space<vmem_shared>>)
      tpu.yield
    }) : () -> ()
    "tpu.region"() ({
      %run_scoped3A = tpu.sem_alloc : memref<!tpu.dma_semaphore, #tpu.memory_space<semaphore_mem>>
      %dma_start3A = arith.constant 0 : i32
      %dma_start3A_150 = tpu.memref_slice %arg21[%mul3A_54, %dma_start3A] : memref<10000x16xf32, #tpu.memory_space<vmem_shared>> -> memref<200x16xf32, #tpu.memory_space<vmem_shared>>
      %dma_start3A_151 = arith.constant 0 : i32
      %dma_start3A_152 = tpu.memref_slice %arg21[%mul3A_54, %dma_start3A_151] : memref<10000x16xf32, #tpu.memory_space<vmem_shared>> -> memref<200x16xf32, #tpu.memory_space<vmem_shared>>
      tpu.enqueue_dma source(%dma_start3A_152 : memref<200x16xf32, #tpu.memory_space<vmem_shared>>) target(%arg18 : memref<200x16xf32, #tpu.memory_space<vmem>>) target_semaphore(%run_scoped3A : memref<!tpu.dma_semaphore, #tpu.memory_space<semaphore_mem>>)
      %dma_wait3A = arith.constant 0 : i32
      %dma_wait3A_153 = tpu.memref_slice %arg21[%mul3A_54, %dma_wait3A] : memref<10000x16xf32, #tpu.memory_space<vmem_shared>> -> memref<200x16xf32, #tpu.memory_space<vmem_shared>>
      %dma_wait3A_154 = arith.constant 0 : i32
      %dma_wait3A_155 = tpu.memref_slice %arg21[%mul3A_54, %dma_wait3A_154] : memref<10000x16xf32, #tpu.memory_space<vmem_shared>> -> memref<200x16xf32, #tpu.memory_space<vmem_shared>>
      tpu.wait_dma2 semaphore(%run_scoped3A : memref<!tpu.dma_semaphore, #tpu.memory_space<semaphore_mem>>) src(%dma_wait3A_155 : memref<200x16xf32, #tpu.memory_space<vmem_shared>>) dst(%arg18 : memref<200x16xf32, #tpu.memory_space<vmem>>)
      tpu.yield
    }) : () -> ()
    %scan3A_55 = arith.constant 0 : i32
    %scan3A_56 = arith.constant 0 : i32
    %scan3A_57 = arith.constant 200 : i32
    %scan3A_58 = arith.addi %scan3A_56, %scan3A_57 : i32
    %scan3A_59 = arith.constant 1 : i32
    scf.for %scan3A_150 = %scan3A_56 to %scan3A_58 step %scan3A_59  : i32 {
      %get3A = arith.index_cast %scan3A_150 : i32 to index
      %get3A_151 = arith.constant 0 : index
      %get3A_152 = tpu.vector_load %arg18[%get3A, %get3A_151] {strides = array<i32>} : memref<200x16xf32, #tpu.memory_space<vmem>>, vector<1x16xf32>,
      %get3A_153 = vector.shape_cast %get3A_152 : vector<1x16xf32> to vector<16xf32>
      %max3A = arith.constant 1.000000e+00 : f32
      %max3A_154 = vector.broadcast %max3A : f32 to vector<16xf32>
      %max3A_155 = arith.maximumf %get3A_153, %max3A_154 : vector<16xf32>
      %div3A = arith.constant 1.000000e+00 : f32
      %div3A_156 = vector.broadcast %div3A : f32 to vector<16xf32>
      %div3A_157 = arith.divf %div3A_156, %max3A_155 : vector<16xf32>
      %swap3A = arith.index_cast %scan3A_150 : i32 to index
      %swap3A_158 = arith.constant 0 : index
      %swap3A_159 = tpu.vector_load %arg18[%swap3A, %swap3A_158] {strides = array<i32>} : memref<200x16xf32, #tpu.memory_space<vmem>>, vector<1x16xf32>,
      %swap3A_160 = vector.shape_cast %swap3A_159 : vector<1x16xf32> to vector<16xf32>
      %swap3A_161 = vector.shape_cast %div3A_157 : vector<16xf32> to vector<1x16xf32>
      tpu.vector_store %arg18[%swap3A, %swap3A_158], %swap3A_161 {strides = array<i32>} : memref<200x16xf32, #tpu.memory_space<vmem>>, vector<1x16xf32>,
    }
    %scan3A_60 = arith.constant 200 : i32
    "tpu.region"() ({
      %run_scoped3A = tpu.sem_alloc : memref<!tpu.dma_semaphore, #tpu.memory_space<semaphore_mem>>
      %dma_start3A = arith.constant 0 : i32
      %dma_start3A_150 = tpu.memref_slice %arg11[%mul3A_54, %dma_start3A] : memref<10000x16xf32, #tpu.memory_space<hbm>> -> memref<200x16xf32, #tpu.memory_space<hbm>>
      %dma_start3A_151 = arith.constant 0 : i32
      %dma_start3A_152 = tpu.memref_slice %arg11[%mul3A_54, %dma_start3A_151] : memref<10000x16xf32, #tpu.memory_space<hbm>> -> memref<200x16xf32, #tpu.memory_space<hbm>>
      tpu.enqueue_dma source(%arg18 : memref<200x16xf32, #tpu.memory_space<vmem>>) target(%dma_start3A_152 : memref<200x16xf32, #tpu.memory_space<hbm>>) target_semaphore(%run_scoped3A : memref<!tpu.dma_semaphore, #tpu.memory_space<semaphore_mem>>)
      %dma_wait3A = arith.constant 0 : i32
      %dma_wait3A_153 = tpu.memref_slice %arg11[%mul3A_54, %dma_wait3A] : memref<10000x16xf32, #tpu.memory_space<hbm>> -> memref<200x16xf32, #tpu.memory_space<hbm>>
      %dma_wait3A_154 = arith.constant 0 : i32
      %dma_wait3A_155 = tpu.memref_slice %arg11[%mul3A_54, %dma_wait3A_154] : memref<10000x16xf32, #tpu.memory_space<hbm>> -> memref<200x16xf32, #tpu.memory_space<hbm>>
      tpu.wait_dma2 semaphore(%run_scoped3A : memref<!tpu.dma_semaphore, #tpu.memory_space<semaphore_mem>>) src(%arg18 : memref<200x16xf32, #tpu.memory_space<vmem>>) dst(%dma_wait3A_155 : memref<200x16xf32, #tpu.memory_space<hbm>>)
      tpu.yield
    }) : () -> ()
    %scan3A_61 = arith.constant 0 : i32
    %scan3A_62 = arith.constant 0 : i32
    %scan3A_63 = arith.constant 200 : i32
    %scan3A_64 = arith.addi %scan3A_62, %scan3A_63 : i32
    %scan3A_65 = arith.constant 1 : i32
    scf.for %scan3A_150 = %scan3A_62 to %scan3A_64 step %scan3A_65  : i32 {
      %get3A = arith.index_cast %scan3A_150 : i32 to index
      %get3A_151 = arith.constant 0 : index
      %get3A_152 = tpu.vector_load %arg18[%get3A, %get3A_151] {strides = array<i32>} : memref<200x16xf32, #tpu.memory_space<vmem>>, vector<1x16xf32>,
      %get3A_153 = vector.shape_cast %get3A_152 : vector<1x16xf32> to vector<16xf32>
      %get3A_154 = arith.index_cast %scan3A_150 : i32 to index
      %get3A_155 = arith.constant 0 : index
      %get3A_156 = tpu.vector_load %arg16[%get3A_154, %get3A_155] {strides = array<i32>} : memref<200x64xf32, #tpu.memory_space<vmem>>, vector<1x16xf32>,
      %get3A_157 = vector.shape_cast %get3A_156 : vector<1x16xf32> to vector<16xf32>
      %mul3A_158 = arith.mulf %get3A_157, %get3A_153 : vector<16xf32>
      %swap3A = arith.index_cast %scan3A_150 : i32 to index
      %swap3A_159 = arith.constant 0 : index
      %swap3A_160 = tpu.vector_load %arg16[%swap3A, %swap3A_159] {strides = array<i32>} : memref<200x64xf32, #tpu.memory_space<vmem>>, vector<1x16xf32>,
      %swap3A_161 = vector.shape_cast %swap3A_160 : vector<1x16xf32> to vector<16xf32>
      %swap3A_162 = vector.shape_cast %mul3A_158 : vector<16xf32> to vector<1x16xf32>
      tpu.vector_store %arg16[%swap3A, %swap3A_159], %swap3A_162 {strides = array<i32>} : memref<200x64xf32, #tpu.memory_space<vmem>>, vector<1x16xf32>,
      %get3A_163 = arith.index_cast %scan3A_150 : i32 to index
      %get3A_164 = arith.constant 16 : index
      %get3A_165 = tpu.vector_load %arg16[%get3A_163, %get3A_164] {strides = array<i32>} : memref<200x64xf32, #tpu.memory_space<vmem>>, vector<1x16xf32>,
      %get3A_166 = vector.shape_cast %get3A_165 : vector<1x16xf32> to vector<16xf32>
      %mul3A_167 = arith.mulf %get3A_166, %get3A_153 : vector<16xf32>
      %swap3A_168 = arith.index_cast %scan3A_150 : i32 to index
      %swap3A_169 = arith.constant 16 : index
      %swap3A_170 = tpu.vector_load %arg16[%swap3A_168, %swap3A_169] {strides = array<i32>} : memref<200x64xf32, #tpu.memory_space<vmem>>, vector<1x16xf32>,
      %swap3A_171 = vector.shape_cast %swap3A_170 : vector<1x16xf32> to vector<16xf32>
      %swap3A_172 = vector.shape_cast %mul3A_167 : vector<16xf32> to vector<1x16xf32>
      tpu.vector_store %arg16[%swap3A_168, %swap3A_169], %swap3A_172 {strides = array<i32>} : memref<200x64xf32, #tpu.memory_space<vmem>>, vector<1x16xf32>,
      %get3A_173 = arith.index_cast %scan3A_150 : i32 to index
      %get3A_174 = arith.constant 32 : index
      %get3A_175 = tpu.vector_load %arg16[%get3A_173, %get3A_174] {strides = array<i32>} : memref<200x64xf32, #tpu.memory_space<vmem>>, vector<1x16xf32>,
      %get3A_176 = vector.shape_cast %get3A_175 : vector<1x16xf32> to vector<16xf32>
      %mul3A_177 = arith.mulf %get3A_176, %get3A_153 : vector<16xf32>
      %swap3A_178 = arith.index_cast %scan3A_150 : i32 to index
      %swap3A_179 = arith.constant 32 : index
      %swap3A_180 = tpu.vector_load %arg16[%swap3A_178, %swap3A_179] {strides = array<i32>} : memref<200x64xf32, #tpu.memory_space<vmem>>, vector<1x16xf32>,
      %swap3A_181 = vector.shape_cast %swap3A_180 : vector<1x16xf32> to vector<16xf32>
      %swap3A_182 = vector.shape_cast %mul3A_177 : vector<16xf32> to vector<1x16xf32>
      tpu.vector_store %arg16[%swap3A_178, %swap3A_179], %swap3A_182 {strides = array<i32>} : memref<200x64xf32, #tpu.memory_space<vmem>>, vector<1x16xf32>,
      %get3A_183 = arith.index_cast %scan3A_150 : i32 to index
      %get3A_184 = arith.constant 48 : index
      %get3A_185 = tpu.vector_load %arg16[%get3A_183, %get3A_184] {strides = array<i32>} : memref<200x64xf32, #tpu.memory_space<vmem>>, vector<1x16xf32>,
      %get3A_186 = vector.shape_cast %get3A_185 : vector<1x16xf32> to vector<16xf32>
      %mul3A_187 = arith.mulf %get3A_186, %get3A_153 : vector<16xf32>
      %swap3A_188 = arith.index_cast %scan3A_150 : i32 to index
      %swap3A_189 = arith.constant 48 : index
      %swap3A_190 = tpu.vector_load %arg16[%swap3A_188, %swap3A_189] {strides = array<i32>} : memref<200x64xf32, #tpu.memory_space<vmem>>, vector<1x16xf32>,
      %swap3A_191 = vector.shape_cast %swap3A_190 : vector<1x16xf32> to vector<16xf32>
      %swap3A_192 = vector.shape_cast %mul3A_187 : vector<16xf32> to vector<1x16xf32>
      tpu.vector_store %arg16[%swap3A_188, %swap3A_189], %swap3A_192 {strides = array<i32>} : memref<200x64xf32, #tpu.memory_space<vmem>>, vector<1x16xf32>,
    }
    %scan3A_66 = arith.constant 200 : i32
    %mul3A_67 = arith.constant 10000 : i32
    %mul3A_68 = arith.muli %arg0, %mul3A_67 : i32
    %add3A_69 = arith.addi %mul3A_68, %mul3A_54 : i32
    "tpu.region"() ({
      %run_scoped3A = tpu.sem_alloc : memref<!tpu.dma_semaphore, #tpu.memory_space<semaphore_mem>>
      %dma_start3A = arith.constant 0 : i32
      %dma_start3A_150 = tpu.memref_slice %arg9[%add3A_69, %dma_start3A] : memref<20000x64xf32, #tpu.memory_space<hbm>> -> memref<200x64xf32, #tpu.memory_space<hbm>>
      %dma_start3A_151 = arith.constant 0 : i32
      %dma_start3A_152 = tpu.memref_slice %arg9[%add3A_69, %dma_start3A_151] : memref<20000x64xf32, #tpu.memory_space<hbm>> -> memref<200x64xf32, #tpu.memory_space<hbm>>
      tpu.enqueue_dma source(%arg16 : memref<200x64xf32, #tpu.memory_space<vmem>>) target(%dma_start3A_152 : memref<200x64xf32, #tpu.memory_space<hbm>>) target_semaphore(%run_scoped3A : memref<!tpu.dma_semaphore, #tpu.memory_space<semaphore_mem>>)
      %dma_wait3A = arith.constant 0 : i32
      %dma_wait3A_153 = tpu.memref_slice %arg9[%add3A_69, %dma_wait3A] : memref<20000x64xf32, #tpu.memory_space<hbm>> -> memref<200x64xf32, #tpu.memory_space<hbm>>
      %dma_wait3A_154 = arith.constant 0 : i32
      %dma_wait3A_155 = tpu.memref_slice %arg9[%add3A_69, %dma_wait3A_154] : memref<20000x64xf32, #tpu.memory_space<hbm>> -> memref<200x64xf32, #tpu.memory_space<hbm>>
      tpu.wait_dma2 semaphore(%run_scoped3A : memref<!tpu.dma_semaphore, #tpu.memory_space<semaphore_mem>>) src(%arg16 : memref<200x64xf32, #tpu.memory_space<vmem>>) dst(%dma_wait3A_155 : memref<200x64xf32, #tpu.memory_space<hbm>>)
      tpu.yield
    }) : () -> ()
    %add3A_70 = arith.constant 32 : i32
    %add3A_71 = arith.addi %arg1, %add3A_70 : i32
    %mul3A_72 = arith.constant 200 : i32
    %mul3A_73 = arith.muli %add3A_71, %mul3A_72 : i32
    "tpu.region"() ({
      %run_scoped3A = tpu.sem_alloc : memref<!tpu.dma_semaphore, #tpu.memory_space<semaphore_mem>>
      %dma_start3A = arith.constant 0 : i32
      %dma_start3A_150 = tpu.memref_slice %arg20[%mul3A_73, %dma_start3A] : memref<10000x64xf32, #tpu.memory_space<vmem_shared>> -> memref<200x64xf32, #tpu.memory_space<vmem_shared>>
      %dma_start3A_151 = arith.constant 0 : i32
      %dma_start3A_152 = tpu.memref_slice %arg20[%mul3A_73, %dma_start3A_151] : memref<10000x64xf32, #tpu.memory_space<vmem_shared>> -> memref<200x64xf32, #tpu.memory_space<vmem_shared>>
      tpu.enqueue_dma source(%dma_start3A_152 : memref<200x64xf32, #tpu.memory_space<vmem_shared>>) target(%arg16 : memref<200x64xf32, #tpu.memory_space<vmem>>) target_semaphore(%run_scoped3A : memref<!tpu.dma_semaphore, #tpu.memory_space<semaphore_mem>>)
      %dma_wait3A = arith.constant 0 : i32
      %dma_wait3A_153 = tpu.memref_slice %arg20[%mul3A_73, %dma_wait3A] : memref<10000x64xf32, #tpu.memory_space<vmem_shared>> -> memref<200x64xf32, #tpu.memory_space<vmem_shared>>
      %dma_wait3A_154 = arith.constant 0 : i32
      %dma_wait3A_155 = tpu.memref_slice %arg20[%mul3A_73, %dma_wait3A_154] : memref<10000x64xf32, #tpu.memory_space<vmem_shared>> -> memref<200x64xf32, #tpu.memory_space<vmem_shared>>
      tpu.wait_dma2 semaphore(%run_scoped3A : memref<!tpu.dma_semaphore, #tpu.memory_space<semaphore_mem>>) src(%dma_wait3A_155 : memref<200x64xf32, #tpu.memory_space<vmem_shared>>) dst(%arg16 : memref<200x64xf32, #tpu.memory_space<vmem>>)
      tpu.yield
    }) : () -> ()
    "tpu.region"() ({
      %run_scoped3A = tpu.sem_alloc : memref<!tpu.dma_semaphore, #tpu.memory_space<semaphore_mem>>
      %dma_start3A = arith.constant 0 : i32
      %dma_start3A_150 = tpu.memref_slice %arg20[%mul3A_73, %dma_start3A] : memref<10000x64xf32, #tpu.memory_space<vmem_shared>> -> memref<200x64xf32, #tpu.memory_space<vmem_shared>>
      %dma_start3A_151 = arith.constant 0 : i32
      %dma_start3A_152 = tpu.memref_slice %arg20[%mul3A_73, %dma_start3A_151] : memref<10000x64xf32, #tpu.memory_space<vmem_shared>> -> memref<200x64xf32, #tpu.memory_space<vmem_shared>>
      tpu.enqueue_dma source(%arg17 : memref<200x64xf32, #tpu.memory_space<vmem>>) target(%dma_start3A_152 : memref<200x64xf32, #tpu.memory_space<vmem_shared>>) target_semaphore(%run_scoped3A : memref<!tpu.dma_semaphore, #tpu.memory_space<semaphore_mem>>)
      %dma_wait3A = arith.constant 0 : i32
      %dma_wait3A_153 = tpu.memref_slice %arg20[%mul3A_73, %dma_wait3A] : memref<10000x64xf32, #tpu.memory_space<vmem_shared>> -> memref<200x64xf32, #tpu.memory_space<vmem_shared>>
      %dma_wait3A_154 = arith.constant 0 : i32
      %dma_wait3A_155 = tpu.memref_slice %arg20[%mul3A_73, %dma_wait3A_154] : memref<10000x64xf32, #tpu.memory_space<vmem_shared>> -> memref<200x64xf32, #tpu.memory_space<vmem_shared>>
      tpu.wait_dma2 semaphore(%run_scoped3A : memref<!tpu.dma_semaphore, #tpu.memory_space<semaphore_mem>>) src(%arg17 : memref<200x64xf32, #tpu.memory_space<vmem>>) dst(%dma_wait3A_155 : memref<200x64xf32, #tpu.memory_space<vmem_shared>>)
      tpu.yield
    }) : () -> ()
    "tpu.region"() ({
      %run_scoped3A = tpu.sem_alloc : memref<!tpu.dma_semaphore, #tpu.memory_space<semaphore_mem>>
      %dma_start3A = arith.constant 0 : i32
      %dma_start3A_150 = tpu.memref_slice %arg21[%mul3A_73, %dma_start3A] : memref<10000x16xf32, #tpu.memory_space<vmem_shared>> -> memref<200x16xf32, #tpu.memory_space<vmem_shared>>
      %dma_start3A_151 = arith.constant 0 : i32
      %dma_start3A_152 = tpu.memref_slice %arg21[%mul3A_73, %dma_start3A_151] : memref<10000x16xf32, #tpu.memory_space<vmem_shared>> -> memref<200x16xf32, #tpu.memory_space<vmem_shared>>
      tpu.enqueue_dma source(%dma_start3A_152 : memref<200x16xf32, #tpu.memory_space<vmem_shared>>) target(%arg18 : memref<200x16xf32, #tpu.memory_space<vmem>>) target_semaphore(%run_scoped3A : memref<!tpu.dma_semaphore, #tpu.memory_space<semaphore_mem>>)
      %dma_wait3A = arith.constant 0 : i32
      %dma_wait3A_153 = tpu.memref_slice %arg21[%mul3A_73, %dma_wait3A] : memref<10000x16xf32, #tpu.memory_space<vmem_shared>> -> memref<200x16xf32, #tpu.memory_space<vmem_shared>>
      %dma_wait3A_154 = arith.constant 0 : i32
      %dma_wait3A_155 = tpu.memref_slice %arg21[%mul3A_73, %dma_wait3A_154] : memref<10000x16xf32, #tpu.memory_space<vmem_shared>> -> memref<200x16xf32, #tpu.memory_space<vmem_shared>>
      tpu.wait_dma2 semaphore(%run_scoped3A : memref<!tpu.dma_semaphore, #tpu.memory_space<semaphore_mem>>) src(%dma_wait3A_155 : memref<200x16xf32, #tpu.memory_space<vmem_shared>>) dst(%arg18 : memref<200x16xf32, #tpu.memory_space<vmem>>)
      tpu.yield
    }) : () -> ()
    %scan3A_74 = arith.constant 0 : i32
    %scan3A_75 = arith.constant 0 : i32
    %scan3A_76 = arith.constant 200 : i32
    %scan3A_77 = arith.addi %scan3A_75, %scan3A_76 : i32
    %scan3A_78 = arith.constant 1 : i32
    scf.for %scan3A_150 = %scan3A_75 to %scan3A_77 step %scan3A_78  : i32 {
      %get3A = arith.index_cast %scan3A_150 : i32 to index
      %get3A_151 = arith.constant 0 : index
      %get3A_152 = tpu.vector_load %arg18[%get3A, %get3A_151] {strides = array<i32>} : memref<200x16xf32, #tpu.memory_space<vmem>>, vector<1x16xf32>,
      %get3A_153 = vector.shape_cast %get3A_152 : vector<1x16xf32> to vector<16xf32>
      %max3A = arith.constant 1.000000e+00 : f32
      %max3A_154 = vector.broadcast %max3A : f32 to vector<16xf32>
      %max3A_155 = arith.maximumf %get3A_153, %max3A_154 : vector<16xf32>
      %div3A = arith.constant 1.000000e+00 : f32
      %div3A_156 = vector.broadcast %div3A : f32 to vector<16xf32>
      %div3A_157 = arith.divf %div3A_156, %max3A_155 : vector<16xf32>
      %swap3A = arith.index_cast %scan3A_150 : i32 to index
      %swap3A_158 = arith.constant 0 : index
      %swap3A_159 = tpu.vector_load %arg18[%swap3A, %swap3A_158] {strides = array<i32>} : memref<200x16xf32, #tpu.memory_space<vmem>>, vector<1x16xf32>,
      %swap3A_160 = vector.shape_cast %swap3A_159 : vector<1x16xf32> to vector<16xf32>
      %swap3A_161 = vector.shape_cast %div3A_157 : vector<16xf32> to vector<1x16xf32>
      tpu.vector_store %arg18[%swap3A, %swap3A_158], %swap3A_161 {strides = array<i32>} : memref<200x16xf32, #tpu.memory_space<vmem>>, vector<1x16xf32>,
    }
    %scan3A_79 = arith.constant 200 : i32
    "tpu.region"() ({
      %run_scoped3A = tpu.sem_alloc : memref<!tpu.dma_semaphore, #tpu.memory_space<semaphore_mem>>
      %dma_start3A = arith.constant 0 : i32
      %dma_start3A_150 = tpu.memref_slice %arg11[%mul3A_73, %dma_start3A] : memref<10000x16xf32, #tpu.memory_space<hbm>> -> memref<200x16xf32, #tpu.memory_space<hbm>>
      %dma_start3A_151 = arith.constant 0 : i32
      %dma_start3A_152 = tpu.memref_slice %arg11[%mul3A_73, %dma_start3A_151] : memref<10000x16xf32, #tpu.memory_space<hbm>> -> memref<200x16xf32, #tpu.memory_space<hbm>>
      tpu.enqueue_dma source(%arg18 : memref<200x16xf32, #tpu.memory_space<vmem>>) target(%dma_start3A_152 : memref<200x16xf32, #tpu.memory_space<hbm>>) target_semaphore(%run_scoped3A : memref<!tpu.dma_semaphore, #tpu.memory_space<semaphore_mem>>)
      %dma_wait3A = arith.constant 0 : i32
      %dma_wait3A_153 = tpu.memref_slice %arg11[%mul3A_73, %dma_wait3A] : memref<10000x16xf32, #tpu.memory_space<hbm>> -> memref<200x16xf32, #tpu.memory_space<hbm>>
      %dma_wait3A_154 = arith.constant 0 : i32
      %dma_wait3A_155 = tpu.memref_slice %arg11[%mul3A_73, %dma_wait3A_154] : memref<10000x16xf32, #tpu.memory_space<hbm>> -> memref<200x16xf32, #tpu.memory_space<hbm>>
      tpu.wait_dma2 semaphore(%run_scoped3A : memref<!tpu.dma_semaphore, #tpu.memory_space<semaphore_mem>>) src(%arg18 : memref<200x16xf32, #tpu.memory_space<vmem>>) dst(%dma_wait3A_155 : memref<200x16xf32, #tpu.memory_space<hbm>>)
      tpu.yield
    }) : () -> ()
    %scan3A_80 = arith.constant 0 : i32
    %scan3A_81 = arith.constant 0 : i32
    %scan3A_82 = arith.constant 200 : i32
    %scan3A_83 = arith.addi %scan3A_81, %scan3A_82 : i32
    %scan3A_84 = arith.constant 1 : i32
    scf.for %scan3A_150 = %scan3A_81 to %scan3A_83 step %scan3A_84  : i32 {
      %get3A = arith.index_cast %scan3A_150 : i32 to index
      %get3A_151 = arith.constant 0 : index
      %get3A_152 = tpu.vector_load %arg18[%get3A, %get3A_151] {strides = array<i32>} : memref<200x16xf32, #tpu.memory_space<vmem>>, vector<1x16xf32>,
      %get3A_153 = vector.shape_cast %get3A_152 : vector<1x16xf32> to vector<16xf32>
      %get3A_154 = arith.index_cast %scan3A_150 : i32 to index
      %get3A_155 = arith.constant 0 : index
      %get3A_156 = tpu.vector_load %arg16[%get3A_154, %get3A_155] {strides = array<i32>} : memref<200x64xf32, #tpu.memory_space<vmem>>, vector<1x16xf32>,
      %get3A_157 = vector.shape_cast %get3A_156 : vector<1x16xf32> to vector<16xf32>
      %mul3A_158 = arith.mulf %get3A_157, %get3A_153 : vector<16xf32>
      %swap3A = arith.index_cast %scan3A_150 : i32 to index
      %swap3A_159 = arith.constant 0 : index
      %swap3A_160 = tpu.vector_load %arg16[%swap3A, %swap3A_159] {strides = array<i32>} : memref<200x64xf32, #tpu.memory_space<vmem>>, vector<1x16xf32>,
      %swap3A_161 = vector.shape_cast %swap3A_160 : vector<1x16xf32> to vector<16xf32>
      %swap3A_162 = vector.shape_cast %mul3A_158 : vector<16xf32> to vector<1x16xf32>
      tpu.vector_store %arg16[%swap3A, %swap3A_159], %swap3A_162 {strides = array<i32>} : memref<200x64xf32, #tpu.memory_space<vmem>>, vector<1x16xf32>,
      %get3A_163 = arith.index_cast %scan3A_150 : i32 to index
      %get3A_164 = arith.constant 16 : index
      %get3A_165 = tpu.vector_load %arg16[%get3A_163, %get3A_164] {strides = array<i32>} : memref<200x64xf32, #tpu.memory_space<vmem>>, vector<1x16xf32>,
      %get3A_166 = vector.shape_cast %get3A_165 : vector<1x16xf32> to vector<16xf32>
      %mul3A_167 = arith.mulf %get3A_166, %get3A_153 : vector<16xf32>
      %swap3A_168 = arith.index_cast %scan3A_150 : i32 to index
      %swap3A_169 = arith.constant 16 : index
      %swap3A_170 = tpu.vector_load %arg16[%swap3A_168, %swap3A_169] {strides = array<i32>} : memref<200x64xf32, #tpu.memory_space<vmem>>, vector<1x16xf32>,
      %swap3A_171 = vector.shape_cast %swap3A_170 : vector<1x16xf32> to vector<16xf32>
      %swap3A_172 = vector.shape_cast %mul3A_167 : vector<16xf32> to vector<1x16xf32>
      tpu.vector_store %arg16[%swap3A_168, %swap3A_169], %swap3A_172 {strides = array<i32>} : memref<200x64xf32, #tpu.memory_space<vmem>>, vector<1x16xf32>,
      %get3A_173 = arith.index_cast %scan3A_150 : i32 to index
      %get3A_174 = arith.constant 32 : index
      %get3A_175 = tpu.vector_load %arg16[%get3A_173, %get3A_174] {strides = array<i32>} : memref<200x64xf32, #tpu.memory_space<vmem>>, vector<1x16xf32>,
      %get3A_176 = vector.shape_cast %get3A_175 : vector<1x16xf32> to vector<16xf32>
      %mul3A_177 = arith.mulf %get3A_176, %get3A_153 : vector<16xf32>
      %swap3A_178 = arith.index_cast %scan3A_150 : i32 to index
      %swap3A_179 = arith.constant 32 : index
      %swap3A_180 = tpu.vector_load %arg16[%swap3A_178, %swap3A_179] {strides = array<i32>} : memref<200x64xf32, #tpu.memory_space<vmem>>, vector<1x16xf32>,
      %swap3A_181 = vector.shape_cast %swap3A_180 : vector<1x16xf32> to vector<16xf32>
      %swap3A_182 = vector.shape_cast %mul3A_177 : vector<16xf32> to vector<1x16xf32>
      tpu.vector_store %arg16[%swap3A_178, %swap3A_179], %swap3A_182 {strides = array<i32>} : memref<200x64xf32, #tpu.memory_space<vmem>>, vector<1x16xf32>,
      %get3A_183 = arith.index_cast %scan3A_150 : i32 to index
      %get3A_184 = arith.constant 48 : index
      %get3A_185 = tpu.vector_load %arg16[%get3A_183, %get3A_184] {strides = array<i32>} : memref<200x64xf32, #tpu.memory_space<vmem>>, vector<1x16xf32>,
      %get3A_186 = vector.shape_cast %get3A_185 : vector<1x16xf32> to vector<16xf32>
      %mul3A_187 = arith.mulf %get3A_186, %get3A_153 : vector<16xf32>
      %swap3A_188 = arith.index_cast %scan3A_150 : i32 to index
      %swap3A_189 = arith.constant 48 : index
      %swap3A_190 = tpu.vector_load %arg16[%swap3A_188, %swap3A_189] {strides = array<i32>} : memref<200x64xf32, #tpu.memory_space<vmem>>, vector<1x16xf32>,
      %swap3A_191 = vector.shape_cast %swap3A_190 : vector<1x16xf32> to vector<16xf32>
      %swap3A_192 = vector.shape_cast %mul3A_187 : vector<16xf32> to vector<1x16xf32>
      tpu.vector_store %arg16[%swap3A_188, %swap3A_189], %swap3A_192 {strides = array<i32>} : memref<200x64xf32, #tpu.memory_space<vmem>>, vector<1x16xf32>,
    }
    %scan3A_85 = arith.constant 200 : i32
    %mul3A_86 = arith.constant 10000 : i32
    %mul3A_87 = arith.muli %arg0, %mul3A_86 : i32
    %add3A_88 = arith.addi %mul3A_87, %mul3A_73 : i32
    "tpu.region"() ({
      %run_scoped3A = tpu.sem_alloc : memref<!tpu.dma_semaphore, #tpu.memory_space<semaphore_mem>>
      %dma_start3A = arith.constant 0 : i32
      %dma_start3A_150 = tpu.memref_slice %arg9[%add3A_88, %dma_start3A] : memref<20000x64xf32, #tpu.memory_space<hbm>> -> memref<200x64xf32, #tpu.memory_space<hbm>>
      %dma_start3A_151 = arith.constant 0 : i32
      %dma_start3A_152 = tpu.memref_slice %arg9[%add3A_88, %dma_start3A_151] : memref<20000x64xf32, #tpu.memory_space<hbm>> -> memref<200x64xf32, #tpu.memory_space<hbm>>
      tpu.enqueue_dma source(%arg16 : memref<200x64xf32, #tpu.memory_space<vmem>>) target(%dma_start3A_152 : memref<200x64xf32, #tpu.memory_space<hbm>>) target_semaphore(%run_scoped3A : memref<!tpu.dma_semaphore, #tpu.memory_space<semaphore_mem>>)
      %dma_wait3A = arith.constant 0 : i32
      %dma_wait3A_153 = tpu.memref_slice %arg9[%add3A_88, %dma_wait3A] : memref<20000x64xf32, #tpu.memory_space<hbm>> -> memref<200x64xf32, #tpu.memory_space<hbm>>
      %dma_wait3A_154 = arith.constant 0 : i32
      %dma_wait3A_155 = tpu.memref_slice %arg9[%add3A_88, %dma_wait3A_154] : memref<20000x64xf32, #tpu.memory_space<hbm>> -> memref<200x64xf32, #tpu.memory_space<hbm>>
      tpu.wait_dma2 semaphore(%run_scoped3A : memref<!tpu.dma_semaphore, #tpu.memory_space<semaphore_mem>>) src(%arg16 : memref<200x64xf32, #tpu.memory_space<vmem>>) dst(%dma_wait3A_155 : memref<200x64xf32, #tpu.memory_space<hbm>>)
      tpu.yield
    }) : () -> ()
    %add3A_89 = arith.constant 48 : i32
    %add3A_90 = arith.addi %arg1, %add3A_89 : i32
    %lt3A_91 = arith.constant 50 : i32
    %lt3A_92 = arith.cmpi slt, %add3A_90, %lt3A_91 : i32
    %convert_element_type3A_93 = arith.extui %lt3A_92 : i1 to i32
    %cond3A_94 = arith.constant 0 : i32
    %cond3A_95 = arith.cmpi ne, %convert_element_type3A_93, %cond3A_94 : i32
    scf.if %cond3A_95 {
      %mul3A_150 = arith.constant 200 : i32
      %mul3A_151 = arith.muli %add3A_90, %mul3A_150 : i32
      "tpu.region"() ({
        %run_scoped3A = tpu.sem_alloc : memref<!tpu.dma_semaphore, #tpu.memory_space<semaphore_mem>>
        %dma_start3A = arith.constant 0 : i32
        %dma_start3A_167 = tpu.memref_slice %arg20[%mul3A_151, %dma_start3A] : memref<10000x64xf32, #tpu.memory_space<vmem_shared>> -> memref<200x64xf32, #tpu.memory_space<vmem_shared>>
        %dma_start3A_168 = arith.constant 0 : i32
        %dma_start3A_169 = tpu.memref_slice %arg20[%mul3A_151, %dma_start3A_168] : memref<10000x64xf32, #tpu.memory_space<vmem_shared>> -> memref<200x64xf32, #tpu.memory_space<vmem_shared>>
        tpu.enqueue_dma source(%dma_start3A_169 : memref<200x64xf32, #tpu.memory_space<vmem_shared>>) target(%arg16 : memref<200x64xf32, #tpu.memory_space<vmem>>) target_semaphore(%run_scoped3A : memref<!tpu.dma_semaphore, #tpu.memory_space<semaphore_mem>>)
        %dma_wait3A = arith.constant 0 : i32
        %dma_wait3A_170 = tpu.memref_slice %arg20[%mul3A_151, %dma_wait3A] : memref<10000x64xf32, #tpu.memory_space<vmem_shared>> -> memref<200x64xf32, #tpu.memory_space<vmem_shared>>
        %dma_wait3A_171 = arith.constant 0 : i32
        %dma_wait3A_172 = tpu.memref_slice %arg20[%mul3A_151, %dma_wait3A_171] : memref<10000x64xf32, #tpu.memory_space<vmem_shared>> -> memref<200x64xf32, #tpu.memory_space<vmem_shared>>
        tpu.wait_dma2 semaphore(%run_scoped3A : memref<!tpu.dma_semaphore, #tpu.memory_space<semaphore_mem>>) src(%dma_wait3A_172 : memref<200x64xf32, #tpu.memory_space<vmem_shared>>) dst(%arg16 : memref<200x64xf32, #tpu.memory_space<vmem>>)
        tpu.yield
      }) : () -> ()
      "tpu.region"() ({
        %run_scoped3A = tpu.sem_alloc : memref<!tpu.dma_semaphore, #tpu.memory_space<semaphore_mem>>
        %dma_start3A = arith.constant 0 : i32
        %dma_start3A_167 = tpu.memref_slice %arg20[%mul3A_151, %dma_start3A] : memref<10000x64xf32, #tpu.memory_space<vmem_shared>> -> memref<200x64xf32, #tpu.memory_space<vmem_shared>>
        %dma_start3A_168 = arith.constant 0 : i32
        %dma_start3A_169 = tpu.memref_slice %arg20[%mul3A_151, %dma_start3A_168] : memref<10000x64xf32, #tpu.memory_space<vmem_shared>> -> memref<200x64xf32, #tpu.memory_space<vmem_shared>>
        tpu.enqueue_dma source(%arg17 : memref<200x64xf32, #tpu.memory_space<vmem>>) target(%dma_start3A_169 : memref<200x64xf32, #tpu.memory_space<vmem_shared>>) target_semaphore(%run_scoped3A : memref<!tpu.dma_semaphore, #tpu.memory_space<semaphore_mem>>)
        %dma_wait3A = arith.constant 0 : i32
        %dma_wait3A_170 = tpu.memref_slice %arg20[%mul3A_151, %dma_wait3A] : memref<10000x64xf32, #tpu.memory_space<vmem_shared>> -> memref<200x64xf32, #tpu.memory_space<vmem_shared>>
        %dma_wait3A_171 = arith.constant 0 : i32
        %dma_wait3A_172 = tpu.memref_slice %arg20[%mul3A_151, %dma_wait3A_171] : memref<10000x64xf32, #tpu.memory_space<vmem_shared>> -> memref<200x64xf32, #tpu.memory_space<vmem_shared>>
        tpu.wait_dma2 semaphore(%run_scoped3A : memref<!tpu.dma_semaphore, #tpu.memory_space<semaphore_mem>>) src(%arg17 : memref<200x64xf32, #tpu.memory_space<vmem>>) dst(%dma_wait3A_172 : memref<200x64xf32, #tpu.memory_space<vmem_shared>>)
        tpu.yield
      }) : () -> ()
      "tpu.region"() ({
        %run_scoped3A = tpu.sem_alloc : memref<!tpu.dma_semaphore, #tpu.memory_space<semaphore_mem>>
        %dma_start3A = arith.constant 0 : i32
        %dma_start3A_167 = tpu.memref_slice %arg21[%mul3A_151, %dma_start3A] : memref<10000x16xf32, #tpu.memory_space<vmem_shared>> -> memref<200x16xf32, #tpu.memory_space<vmem_shared>>
        %dma_start3A_168 = arith.constant 0 : i32
        %dma_start3A_169 = tpu.memref_slice %arg21[%mul3A_151, %dma_start3A_168] : memref<10000x16xf32, #tpu.memory_space<vmem_shared>> -> memref<200x16xf32, #tpu.memory_space<vmem_shared>>
        tpu.enqueue_dma source(%dma_start3A_169 : memref<200x16xf32, #tpu.memory_space<vmem_shared>>) target(%arg18 : memref<200x16xf32, #tpu.memory_space<vmem>>) target_semaphore(%run_scoped3A : memref<!tpu.dma_semaphore, #tpu.memory_space<semaphore_mem>>)
        %dma_wait3A = arith.constant 0 : i32
        %dma_wait3A_170 = tpu.memref_slice %arg21[%mul3A_151, %dma_wait3A] : memref<10000x16xf32, #tpu.memory_space<vmem_shared>> -> memref<200x16xf32, #tpu.memory_space<vmem_shared>>
        %dma_wait3A_171 = arith.constant 0 : i32
        %dma_wait3A_172 = tpu.memref_slice %arg21[%mul3A_151, %dma_wait3A_171] : memref<10000x16xf32, #tpu.memory_space<vmem_shared>> -> memref<200x16xf32, #tpu.memory_space<vmem_shared>>
        tpu.wait_dma2 semaphore(%run_scoped3A : memref<!tpu.dma_semaphore, #tpu.memory_space<semaphore_mem>>) src(%dma_wait3A_172 : memref<200x16xf32, #tpu.memory_space<vmem_shared>>) dst(%arg18 : memref<200x16xf32, #tpu.memory_space<vmem>>)
        tpu.yield
      }) : () -> ()
      %scan3A_152 = arith.constant 0 : i32
      %scan3A_153 = arith.constant 0 : i32
      %scan3A_154 = arith.constant 200 : i32
      %scan3A_155 = arith.addi %scan3A_153, %scan3A_154 : i32
      %scan3A_156 = arith.constant 1 : i32
      scf.for %scan3A_167 = %scan3A_153 to %scan3A_155 step %scan3A_156  : i32 {
        %get3A = arith.index_cast %scan3A_167 : i32 to index
        %get3A_168 = arith.constant 0 : index
        %get3A_169 = tpu.vector_load %arg18[%get3A, %get3A_168] {strides = array<i32>} : memref<200x16xf32, #tpu.memory_space<vmem>>, vector<1x16xf32>,
        %get3A_170 = vector.shape_cast %get3A_169 : vector<1x16xf32> to vector<16xf32>
        %max3A = arith.constant 1.000000e+00 : f32
        %max3A_171 = vector.broadcast %max3A : f32 to vector<16xf32>
        %max3A_172 = arith.maximumf %get3A_170, %max3A_171 : vector<16xf32>
        %div3A = arith.constant 1.000000e+00 : f32
        %div3A_173 = vector.broadcast %div3A : f32 to vector<16xf32>
        %div3A_174 = arith.divf %div3A_173, %max3A_172 : vector<16xf32>
        %swap3A = arith.index_cast %scan3A_167 : i32 to index
        %swap3A_175 = arith.constant 0 : index
        %swap3A_176 = tpu.vector_load %arg18[%swap3A, %swap3A_175] {strides = array<i32>} : memref<200x16xf32, #tpu.memory_space<vmem>>, vector<1x16xf32>,
        %swap3A_177 = vector.shape_cast %swap3A_176 : vector<1x16xf32> to vector<16xf32>
        %swap3A_178 = vector.shape_cast %div3A_174 : vector<16xf32> to vector<1x16xf32>
        tpu.vector_store %arg18[%swap3A, %swap3A_175], %swap3A_178 {strides = array<i32>} : memref<200x16xf32, #tpu.memory_space<vmem>>, vector<1x16xf32>,
      }
      %scan3A_157 = arith.constant 200 : i32
      "tpu.region"() ({
        %run_scoped3A = tpu.sem_alloc : memref<!tpu.dma_semaphore, #tpu.memory_space<semaphore_mem>>
        %dma_start3A = arith.constant 0 : i32
        %dma_start3A_167 = tpu.memref_slice %arg11[%mul3A_151, %dma_start3A] : memref<10000x16xf32, #tpu.memory_space<hbm>> -> memref<200x16xf32, #tpu.memory_space<hbm>>
        %dma_start3A_168 = arith.constant 0 : i32
        %dma_start3A_169 = tpu.memref_slice %arg11[%mul3A_151, %dma_start3A_168] : memref<10000x16xf32, #tpu.memory_space<hbm>> -> memref<200x16xf32, #tpu.memory_space<hbm>>
        tpu.enqueue_dma source(%arg18 : memref<200x16xf32, #tpu.memory_space<vmem>>) target(%dma_start3A_169 : memref<200x16xf32, #tpu.memory_space<hbm>>) target_semaphore(%run_scoped3A : memref<!tpu.dma_semaphore, #tpu.memory_space<semaphore_mem>>)
        %dma_wait3A = arith.constant 0 : i32
        %dma_wait3A_170 = tpu.memref_slice %arg11[%mul3A_151, %dma_wait3A] : memref<10000x16xf32, #tpu.memory_space<hbm>> -> memref<200x16xf32, #tpu.memory_space<hbm>>
        %dma_wait3A_171 = arith.constant 0 : i32
        %dma_wait3A_172 = tpu.memref_slice %arg11[%mul3A_151, %dma_wait3A_171] : memref<10000x16xf32, #tpu.memory_space<hbm>> -> memref<200x16xf32, #tpu.memory_space<hbm>>
        tpu.wait_dma2 semaphore(%run_scoped3A : memref<!tpu.dma_semaphore, #tpu.memory_space<semaphore_mem>>) src(%arg18 : memref<200x16xf32, #tpu.memory_space<vmem>>) dst(%dma_wait3A_172 : memref<200x16xf32, #tpu.memory_space<hbm>>)
        tpu.yield
      }) : () -> ()
      %scan3A_158 = arith.constant 0 : i32
      %scan3A_159 = arith.constant 0 : i32
      %scan3A_160 = arith.constant 200 : i32
      %scan3A_161 = arith.addi %scan3A_159, %scan3A_160 : i32
      %scan3A_162 = arith.constant 1 : i32
      scf.for %scan3A_167 = %scan3A_159 to %scan3A_161 step %scan3A_162  : i32 {
        %get3A = arith.index_cast %scan3A_167 : i32 to index
        %get3A_168 = arith.constant 0 : index
        %get3A_169 = tpu.vector_load %arg18[%get3A, %get3A_168] {strides = array<i32>} : memref<200x16xf32, #tpu.memory_space<vmem>>, vector<1x16xf32>,
        %get3A_170 = vector.shape_cast %get3A_169 : vector<1x16xf32> to vector<16xf32>
        %get3A_171 = arith.index_cast %scan3A_167 : i32 to index
        %get3A_172 = arith.constant 0 : index
        %get3A_173 = tpu.vector_load %arg16[%get3A_171, %get3A_172] {strides = array<i32>} : memref<200x64xf32, #tpu.memory_space<vmem>>, vector<1x16xf32>,
        %get3A_174 = vector.shape_cast %get3A_173 : vector<1x16xf32> to vector<16xf32>
        %mul3A_175 = arith.mulf %get3A_174, %get3A_170 : vector<16xf32>
        %swap3A = arith.index_cast %scan3A_167 : i32 to index
        %swap3A_176 = arith.constant 0 : index
        %swap3A_177 = tpu.vector_load %arg16[%swap3A, %swap3A_176] {strides = array<i32>} : memref<200x64xf32, #tpu.memory_space<vmem>>, vector<1x16xf32>,
        %swap3A_178 = vector.shape_cast %swap3A_177 : vector<1x16xf32> to vector<16xf32>
        %swap3A_179 = vector.shape_cast %mul3A_175 : vector<16xf32> to vector<1x16xf32>
        tpu.vector_store %arg16[%swap3A, %swap3A_176], %swap3A_179 {strides = array<i32>} : memref<200x64xf32, #tpu.memory_space<vmem>>, vector<1x16xf32>,
        %get3A_180 = arith.index_cast %scan3A_167 : i32 to index
        %get3A_181 = arith.constant 16 : index
        %get3A_182 = tpu.vector_load %arg16[%get3A_180, %get3A_181] {strides = array<i32>} : memref<200x64xf32, #tpu.memory_space<vmem>>, vector<1x16xf32>,
        %get3A_183 = vector.shape_cast %get3A_182 : vector<1x16xf32> to vector<16xf32>
        %mul3A_184 = arith.mulf %get3A_183, %get3A_170 : vector<16xf32>
        %swap3A_185 = arith.index_cast %scan3A_167 : i32 to index
        %swap3A_186 = arith.constant 16 : index
        %swap3A_187 = tpu.vector_load %arg16[%swap3A_185, %swap3A_186] {strides = array<i32>} : memref<200x64xf32, #tpu.memory_space<vmem>>, vector<1x16xf32>,
        %swap3A_188 = vector.shape_cast %swap3A_187 : vector<1x16xf32> to vector<16xf32>
        %swap3A_189 = vector.shape_cast %mul3A_184 : vector<16xf32> to vector<1x16xf32>
        tpu.vector_store %arg16[%swap3A_185, %swap3A_186], %swap3A_189 {strides = array<i32>} : memref<200x64xf32, #tpu.memory_space<vmem>>, vector<1x16xf32>,
        %get3A_190 = arith.index_cast %scan3A_167 : i32 to index
        %get3A_191 = arith.constant 32 : index
        %get3A_192 = tpu.vector_load %arg16[%get3A_190, %get3A_191] {strides = array<i32>} : memref<200x64xf32, #tpu.memory_space<vmem>>, vector<1x16xf32>,
        %get3A_193 = vector.shape_cast %get3A_192 : vector<1x16xf32> to vector<16xf32>
        %mul3A_194 = arith.mulf %get3A_193, %get3A_170 : vector<16xf32>
        %swap3A_195 = arith.index_cast %scan3A_167 : i32 to index
        %swap3A_196 = arith.constant 32 : index
        %swap3A_197 = tpu.vector_load %arg16[%swap3A_195, %swap3A_196] {strides = array<i32>} : memref<200x64xf32, #tpu.memory_space<vmem>>, vector<1x16xf32>,
        %swap3A_198 = vector.shape_cast %swap3A_197 : vector<1x16xf32> to vector<16xf32>
        %swap3A_199 = vector.shape_cast %mul3A_194 : vector<16xf32> to vector<1x16xf32>
        tpu.vector_store %arg16[%swap3A_195, %swap3A_196], %swap3A_199 {strides = array<i32>} : memref<200x64xf32, #tpu.memory_space<vmem>>, vector<1x16xf32>,
        %get3A_200 = arith.index_cast %scan3A_167 : i32 to index
        %get3A_201 = arith.constant 48 : index
        %get3A_202 = tpu.vector_load %arg16[%get3A_200, %get3A_201] {strides = array<i32>} : memref<200x64xf32, #tpu.memory_space<vmem>>, vector<1x16xf32>,
        %get3A_203 = vector.shape_cast %get3A_202 : vector<1x16xf32> to vector<16xf32>
        %mul3A_204 = arith.mulf %get3A_203, %get3A_170 : vector<16xf32>
        %swap3A_205 = arith.index_cast %scan3A_167 : i32 to index
        %swap3A_206 = arith.constant 48 : index
        %swap3A_207 = tpu.vector_load %arg16[%swap3A_205, %swap3A_206] {strides = array<i32>} : memref<200x64xf32, #tpu.memory_space<vmem>>, vector<1x16xf32>,
        %swap3A_208 = vector.shape_cast %swap3A_207 : vector<1x16xf32> to vector<16xf32>
        %swap3A_209 = vector.shape_cast %mul3A_204 : vector<16xf32> to vector<1x16xf32>
        tpu.vector_store %arg16[%swap3A_205, %swap3A_206], %swap3A_209 {strides = array<i32>} : memref<200x64xf32, #tpu.memory_space<vmem>>, vector<1x16xf32>,
      }
      %scan3A_163 = arith.constant 200 : i32
      %mul3A_164 = arith.constant 10000 : i32
      %mul3A_165 = arith.muli %arg0, %mul3A_164 : i32
      %add3A_166 = arith.addi %mul3A_165, %mul3A_151 : i32
      "tpu.region"() ({
        %run_scoped3A = tpu.sem_alloc : memref<!tpu.dma_semaphore, #tpu.memory_space<semaphore_mem>>
        %dma_start3A = arith.constant 0 : i32
        %dma_start3A_167 = tpu.memref_slice %arg9[%add3A_166, %dma_start3A] : memref<20000x64xf32, #tpu.memory_space<hbm>> -> memref<200x64xf32, #tpu.memory_space<hbm>>
        %dma_start3A_168 = arith.constant 0 : i32
        %dma_start3A_169 = tpu.memref_slice %arg9[%add3A_166, %dma_start3A_168] : memref<20000x64xf32, #tpu.memory_space<hbm>> -> memref<200x64xf32, #tpu.memory_space<hbm>>
        tpu.enqueue_dma source(%arg16 : memref<200x64xf32, #tpu.memory_space<vmem>>) target(%dma_start3A_169 : memref<200x64xf32, #tpu.memory_space<hbm>>) target_semaphore(%run_scoped3A : memref<!tpu.dma_semaphore, #tpu.memory_space<semaphore_mem>>)
        %dma_wait3A = arith.constant 0 : i32
        %dma_wait3A_170 = tpu.memref_slice %arg9[%add3A_166, %dma_wait3A] : memref<20000x64xf32, #tpu.memory_space<hbm>> -> memref<200x64xf32, #tpu.memory_space<hbm>>
        %dma_wait3A_171 = arith.constant 0 : i32
        %dma_wait3A_172 = tpu.memref_slice %arg9[%add3A_166, %dma_wait3A_171] : memref<20000x64xf32, #tpu.memory_space<hbm>> -> memref<200x64xf32, #tpu.memory_space<hbm>>
        tpu.wait_dma2 semaphore(%run_scoped3A : memref<!tpu.dma_semaphore, #tpu.memory_space<semaphore_mem>>) src(%arg16 : memref<200x64xf32, #tpu.memory_space<vmem>>) dst(%dma_wait3A_172 : memref<200x64xf32, #tpu.memory_space<hbm>>)
        tpu.yield
      }) : () -> ()
    } else {
    }
    %barrier3A_96 = arith.constant 0 : index
    tpu.barrier barrier_id(%barrier3A_96)
    %scan3A_97 = arith.constant 0 : i32
    %scan3A_98 = arith.constant 0 : i32
    %scan3A_99 = arith.constant 125 : i32
    %scan3A_100 = arith.addi %scan3A_98, %scan3A_99 : i32
    %scan3A_101 = arith.constant 1 : i32
    scf.for %scan3A_150 = %scan3A_98 to %scan3A_100 step %scan3A_101  : i32 {
      %mul3A_151 = arith.constant 160000 : i32
      %mul3A_152 = arith.muli %arg0, %mul3A_151 : i32
      %mul3A_153 = arith.constant 10000 : i32
      %mul3A_154 = arith.muli %arg1, %mul3A_153 : i32
      %add3A_155 = arith.addi %mul3A_152, %mul3A_154 : i32
      %mul3A_156 = arith.constant 80 : i32
      %mul3A_157 = arith.muli %scan3A_150, %mul3A_156 : i32
      %add3A_158 = arith.addi %add3A_155, %mul3A_157 : i32
      "tpu.region"() ({
        %run_scoped3A = tpu.sem_alloc : memref<!tpu.dma_semaphore, #tpu.memory_space<semaphore_mem>>
        %dma_start3A_163 = tpu.memref_slice %arg4[%add3A_158] : memref<320000xi32, #tpu.memory_space<hbm>> -> memref<80xi32, #tpu.memory_space<hbm>>
        %dma_start3A_164 = tpu.memref_slice %arg4[%add3A_158] : memref<320000xi32, #tpu.memory_space<hbm>> -> memref<80xi32, #tpu.memory_space<hbm>>
        tpu.enqueue_dma source(%dma_start3A_164 : memref<80xi32, #tpu.memory_space<hbm>>) target(%arg12 : memref<80xi32, #tpu.memory_space<vmem>>) target_semaphore(%run_scoped3A : memref<!tpu.dma_semaphore, #tpu.memory_space<semaphore_mem>>)
        %dma_wait3A_165 = tpu.memref_slice %arg4[%add3A_158] : memref<320000xi32, #tpu.memory_space<hbm>> -> memref<80xi32, #tpu.memory_space<hbm>>
        %dma_wait3A_166 = tpu.memref_slice %arg4[%add3A_158] : memref<320000xi32, #tpu.memory_space<hbm>> -> memref<80xi32, #tpu.memory_space<hbm>>
        tpu.wait_dma2 semaphore(%run_scoped3A : memref<!tpu.dma_semaphore, #tpu.memory_space<semaphore_mem>>) src(%dma_wait3A_166 : memref<80xi32, #tpu.memory_space<hbm>>) dst(%arg12 : memref<80xi32, #tpu.memory_space<vmem>>)
        tpu.yield
      }) : () -> ()
      "tpu.region"() ({
        %run_scoped3A = tpu.sem_alloc : memref<!tpu.dma_semaphore, #tpu.memory_space<semaphore_mem>>
        %dma_start3A_163 = tpu.memref_slice %arg5[%add3A_158] : memref<320000xi32, #tpu.memory_space<hbm>> -> memref<80xi32, #tpu.memory_space<hbm>>
        %dma_start3A_164 = tpu.memref_slice %arg5[%add3A_158] : memref<320000xi32, #tpu.memory_space<hbm>> -> memref<80xi32, #tpu.memory_space<hbm>>
        tpu.enqueue_dma source(%dma_start3A_164 : memref<80xi32, #tpu.memory_space<hbm>>) target(%arg13 : memref<80xi32, #tpu.memory_space<vmem>>) target_semaphore(%run_scoped3A : memref<!tpu.dma_semaphore, #tpu.memory_space<semaphore_mem>>)
        %dma_wait3A_165 = tpu.memref_slice %arg5[%add3A_158] : memref<320000xi32, #tpu.memory_space<hbm>> -> memref<80xi32, #tpu.memory_space<hbm>>
        %dma_wait3A_166 = tpu.memref_slice %arg5[%add3A_158] : memref<320000xi32, #tpu.memory_space<hbm>> -> memref<80xi32, #tpu.memory_space<hbm>>
        tpu.wait_dma2 semaphore(%run_scoped3A : memref<!tpu.dma_semaphore, #tpu.memory_space<semaphore_mem>>) src(%dma_wait3A_166 : memref<80xi32, #tpu.memory_space<hbm>>) dst(%arg13 : memref<80xi32, #tpu.memory_space<vmem>>)
        tpu.yield
      }) : () -> ()
      %dma_start3A = arith.constant 0 : i32
      %dma_start3A_159 = arith.constant 0 : i32
      %dma_start3A_160 = tpu.memref_slice %arg3[%dma_start3A, %dma_start3A_159] : memref<10000x64xf32, #tpu.memory_space<hbm>> -> memref<10000x64xf32, #tpu.memory_space<hbm>>
      tpu.enqueue_indirect_dma source(%dma_start3A_160 : memref<10000x64xf32, #tpu.memory_space<hbm>>) target(%arg14 : memref<80x64xf32, #tpu.memory_space<vmem>>) offsets(%arg12 : memref<80xi32, #tpu.memory_space<vmem>>) semaphore(%arg22 : memref<!tpu.dma_semaphore, #tpu.memory_space<semaphore_mem>>)
      %dma_wait3A = arith.constant 0 : i32
      %dma_wait3A_161 = arith.constant 0 : i32
      %dma_wait3A_162 = tpu.memref_slice %arg3[%dma_wait3A, %dma_wait3A_161] : memref<10000x64xf32, #tpu.memory_space<hbm>> -> memref<10000x64xf32, #tpu.memory_space<hbm>>
      tpu.wait_indirect_dma semaphore(%arg22 : memref<!tpu.dma_semaphore, #tpu.memory_space<semaphore_mem>>) src(%dma_wait3A_162 : memref<10000x64xf32, #tpu.memory_space<hbm>>) dst(%arg14 : memref<80x64xf32, #tpu.memory_space<vmem>>)
      "tpu.region"() ({
        %run_scoped3A = tpu.sem_alloc : memref<!tpu.dma_semaphore, #tpu.memory_space<semaphore_mem>>
        %dma_start3A_163 = arith.constant 0 : i32
        %dma_start3A_164 = arith.constant 0 : i32
        %dma_start3A_165 = tpu.memref_slice %arg20[%dma_start3A_163, %dma_start3A_164] : memref<10000x64xf32, #tpu.memory_space<vmem_shared>> -> memref<10000x64xf32, #tpu.memory_space<vmem_shared>>
        tpu.enqueue_indirect_dma source(%arg14 : memref<80x64xf32, #tpu.memory_space<vmem>>) target(%dma_start3A_165 : memref<10000x64xf32, #tpu.memory_space<vmem_shared>>) offsets(%arg13 : memref<80xi32, #tpu.memory_space<vmem>>) semaphore(%run_scoped3A : memref<!tpu.dma_semaphore, #tpu.memory_space<semaphore_mem>>) {add = true}
        %dma_wait3A_166 = arith.constant 0 : i32
        %dma_wait3A_167 = arith.constant 0 : i32
        %dma_wait3A_168 = tpu.memref_slice %arg20[%dma_wait3A_166, %dma_wait3A_167] : memref<10000x64xf32, #tpu.memory_space<vmem_shared>> -> memref<10000x64xf32, #tpu.memory_space<vmem_shared>>
        tpu.wait_indirect_dma semaphore(%run_scoped3A : memref<!tpu.dma_semaphore, #tpu.memory_space<semaphore_mem>>) src(%arg14 : memref<80x64xf32, #tpu.memory_space<vmem>>) dst(%dma_wait3A_168 : memref<10000x64xf32, #tpu.memory_space<vmem_shared>>)
        tpu.yield
      }) : () -> ()
    }
    %scan3A_102 = arith.constant 125 : i32
    %barrier3A_103 = arith.constant 0 : index
    tpu.barrier barrier_id(%barrier3A_103)
    %add3A_104 = arith.constant 0 : i32
    %add3A_105 = arith.addi %arg1, %add3A_104 : i32
    %mul3A_106 = arith.constant 200 : i32
    %mul3A_107 = arith.muli %add3A_105, %mul3A_106 : i32
    "tpu.region"() ({
      %run_scoped3A = tpu.sem_alloc : memref<!tpu.dma_semaphore, #tpu.memory_space<semaphore_mem>>
      %dma_start3A = arith.constant 0 : i32
      %dma_start3A_150 = tpu.memref_slice %arg20[%mul3A_107, %dma_start3A] : memref<10000x64xf32, #tpu.memory_space<vmem_shared>> -> memref<200x64xf32, #tpu.memory_space<vmem_shared>>
      %dma_start3A_151 = arith.constant 0 : i32
      %dma_start3A_152 = tpu.memref_slice %arg20[%mul3A_107, %dma_start3A_151] : memref<10000x64xf32, #tpu.memory_space<vmem_shared>> -> memref<200x64xf32, #tpu.memory_space<vmem_shared>>
      tpu.enqueue_dma source(%dma_start3A_152 : memref<200x64xf32, #tpu.memory_space<vmem_shared>>) target(%arg16 : memref<200x64xf32, #tpu.memory_space<vmem>>) target_semaphore(%run_scoped3A : memref<!tpu.dma_semaphore, #tpu.memory_space<semaphore_mem>>)
      %dma_wait3A = arith.constant 0 : i32
      %dma_wait3A_153 = tpu.memref_slice %arg20[%mul3A_107, %dma_wait3A] : memref<10000x64xf32, #tpu.memory_space<vmem_shared>> -> memref<200x64xf32, #tpu.memory_space<vmem_shared>>
      %dma_wait3A_154 = arith.constant 0 : i32
      %dma_wait3A_155 = tpu.memref_slice %arg20[%mul3A_107, %dma_wait3A_154] : memref<10000x64xf32, #tpu.memory_space<vmem_shared>> -> memref<200x64xf32, #tpu.memory_space<vmem_shared>>
      tpu.wait_dma2 semaphore(%run_scoped3A : memref<!tpu.dma_semaphore, #tpu.memory_space<semaphore_mem>>) src(%dma_wait3A_155 : memref<200x64xf32, #tpu.memory_space<vmem_shared>>) dst(%arg16 : memref<200x64xf32, #tpu.memory_space<vmem>>)
      tpu.yield
    }) : () -> ()
    "tpu.region"() ({
      %run_scoped3A = tpu.sem_alloc : memref<!tpu.dma_semaphore, #tpu.memory_space<semaphore_mem>>
      %dma_start3A = arith.constant 0 : i32
      %dma_start3A_150 = tpu.memref_slice %arg11[%mul3A_107, %dma_start3A] : memref<10000x16xf32, #tpu.memory_space<hbm>> -> memref<200x16xf32, #tpu.memory_space<hbm>>
      %dma_start3A_151 = arith.constant 0 : i32
      %dma_start3A_152 = tpu.memref_slice %arg11[%mul3A_107, %dma_start3A_151] : memref<10000x16xf32, #tpu.memory_space<hbm>> -> memref<200x16xf32, #tpu.memory_space<hbm>>
      tpu.enqueue_dma source(%dma_start3A_152 : memref<200x16xf32, #tpu.memory_space<hbm>>) target(%arg18 : memref<200x16xf32, #tpu.memory_space<vmem>>) target_semaphore(%run_scoped3A : memref<!tpu.dma_semaphore, #tpu.memory_space<semaphore_mem>>)
      %dma_wait3A = arith.constant 0 : i32
      %dma_wait3A_153 = tpu.memref_slice %arg11[%mul3A_107, %dma_wait3A] : memref<10000x16xf32, #tpu.memory_space<hbm>> -> memref<200x16xf32, #tpu.memory_space<hbm>>
      %dma_wait3A_154 = arith.constant 0 : i32
      %dma_wait3A_155 = tpu.memref_slice %arg11[%mul3A_107, %dma_wait3A_154] : memref<10000x16xf32, #tpu.memory_space<hbm>> -> memref<200x16xf32, #tpu.memory_space<hbm>>
      tpu.wait_dma2 semaphore(%run_scoped3A : memref<!tpu.dma_semaphore, #tpu.memory_space<semaphore_mem>>) src(%dma_wait3A_155 : memref<200x16xf32, #tpu.memory_space<hbm>>) dst(%arg18 : memref<200x16xf32, #tpu.memory_space<vmem>>)
      tpu.yield
    }) : () -> ()
    %scan3A_108 = arith.constant 0 : i32
    %scan3A_109 = arith.constant 0 : i32
    %scan3A_110 = arith.constant 200 : i32
    %scan3A_111 = arith.addi %scan3A_109, %scan3A_110 : i32
    %scan3A_112 = arith.constant 1 : i32
    scf.for %scan3A_150 = %scan3A_109 to %scan3A_111 step %scan3A_112  : i32 {
      %get3A = arith.index_cast %scan3A_150 : i32 to index
      %get3A_151 = arith.constant 0 : index
      %get3A_152 = tpu.vector_load %arg18[%get3A, %get3A_151] {strides = array<i32>} : memref<200x16xf32, #tpu.memory_space<vmem>>, vector<1x16xf32>,
      %get3A_153 = vector.shape_cast %get3A_152 : vector<1x16xf32> to vector<16xf32>
      %get3A_154 = arith.index_cast %scan3A_150 : i32 to index
      %get3A_155 = arith.constant 0 : index
      %get3A_156 = tpu.vector_load %arg16[%get3A_154, %get3A_155] {strides = array<i32>} : memref<200x64xf32, #tpu.memory_space<vmem>>, vector<1x16xf32>,
      %get3A_157 = vector.shape_cast %get3A_156 : vector<1x16xf32> to vector<16xf32>
      %mul3A_158 = arith.mulf %get3A_157, %get3A_153 : vector<16xf32>
      %swap3A = arith.index_cast %scan3A_150 : i32 to index
      %swap3A_159 = arith.constant 0 : index
      %swap3A_160 = tpu.vector_load %arg16[%swap3A, %swap3A_159] {strides = array<i32>} : memref<200x64xf32, #tpu.memory_space<vmem>>, vector<1x16xf32>,
      %swap3A_161 = vector.shape_cast %swap3A_160 : vector<1x16xf32> to vector<16xf32>
      %swap3A_162 = vector.shape_cast %mul3A_158 : vector<16xf32> to vector<1x16xf32>
      tpu.vector_store %arg16[%swap3A, %swap3A_159], %swap3A_162 {strides = array<i32>} : memref<200x64xf32, #tpu.memory_space<vmem>>, vector<1x16xf32>,
      %get3A_163 = arith.index_cast %scan3A_150 : i32 to index
      %get3A_164 = arith.constant 16 : index
      %get3A_165 = tpu.vector_load %arg16[%get3A_163, %get3A_164] {strides = array<i32>} : memref<200x64xf32, #tpu.memory_space<vmem>>, vector<1x16xf32>,
      %get3A_166 = vector.shape_cast %get3A_165 : vector<1x16xf32> to vector<16xf32>
      %mul3A_167 = arith.mulf %get3A_166, %get3A_153 : vector<16xf32>
      %swap3A_168 = arith.index_cast %scan3A_150 : i32 to index
      %swap3A_169 = arith.constant 16 : index
      %swap3A_170 = tpu.vector_load %arg16[%swap3A_168, %swap3A_169] {strides = array<i32>} : memref<200x64xf32, #tpu.memory_space<vmem>>, vector<1x16xf32>,
      %swap3A_171 = vector.shape_cast %swap3A_170 : vector<1x16xf32> to vector<16xf32>
      %swap3A_172 = vector.shape_cast %mul3A_167 : vector<16xf32> to vector<1x16xf32>
      tpu.vector_store %arg16[%swap3A_168, %swap3A_169], %swap3A_172 {strides = array<i32>} : memref<200x64xf32, #tpu.memory_space<vmem>>, vector<1x16xf32>,
      %get3A_173 = arith.index_cast %scan3A_150 : i32 to index
      %get3A_174 = arith.constant 32 : index
      %get3A_175 = tpu.vector_load %arg16[%get3A_173, %get3A_174] {strides = array<i32>} : memref<200x64xf32, #tpu.memory_space<vmem>>, vector<1x16xf32>,
      %get3A_176 = vector.shape_cast %get3A_175 : vector<1x16xf32> to vector<16xf32>
      %mul3A_177 = arith.mulf %get3A_176, %get3A_153 : vector<16xf32>
      %swap3A_178 = arith.index_cast %scan3A_150 : i32 to index
      %swap3A_179 = arith.constant 32 : index
      %swap3A_180 = tpu.vector_load %arg16[%swap3A_178, %swap3A_179] {strides = array<i32>} : memref<200x64xf32, #tpu.memory_space<vmem>>, vector<1x16xf32>,
      %swap3A_181 = vector.shape_cast %swap3A_180 : vector<1x16xf32> to vector<16xf32>
      %swap3A_182 = vector.shape_cast %mul3A_177 : vector<16xf32> to vector<1x16xf32>
      tpu.vector_store %arg16[%swap3A_178, %swap3A_179], %swap3A_182 {strides = array<i32>} : memref<200x64xf32, #tpu.memory_space<vmem>>, vector<1x16xf32>,
      %get3A_183 = arith.index_cast %scan3A_150 : i32 to index
      %get3A_184 = arith.constant 48 : index
      %get3A_185 = tpu.vector_load %arg16[%get3A_183, %get3A_184] {strides = array<i32>} : memref<200x64xf32, #tpu.memory_space<vmem>>, vector<1x16xf32>,
      %get3A_186 = vector.shape_cast %get3A_185 : vector<1x16xf32> to vector<16xf32>
      %mul3A_187 = arith.mulf %get3A_186, %get3A_153 : vector<16xf32>
      %swap3A_188 = arith.index_cast %scan3A_150 : i32 to index
      %swap3A_189 = arith.constant 48 : index
      %swap3A_190 = tpu.vector_load %arg16[%swap3A_188, %swap3A_189] {strides = array<i32>} : memref<200x64xf32, #tpu.memory_space<vmem>>, vector<1x16xf32>,
      %swap3A_191 = vector.shape_cast %swap3A_190 : vector<1x16xf32> to vector<16xf32>
      %swap3A_192 = vector.shape_cast %mul3A_187 : vector<16xf32> to vector<1x16xf32>
      tpu.vector_store %arg16[%swap3A_188, %swap3A_189], %swap3A_192 {strides = array<i32>} : memref<200x64xf32, #tpu.memory_space<vmem>>, vector<1x16xf32>,
    }
    %scan3A_113 = arith.constant 200 : i32
    %mul3A_114 = arith.constant 10000 : i32
    %mul3A_115 = arith.muli %arg0, %mul3A_114 : i32
    %add3A_116 = arith.addi %mul3A_115, %mul3A_107 : i32
    "tpu.region"() ({
      %run_scoped3A = tpu.sem_alloc : memref<!tpu.dma_semaphore, #tpu.memory_space<semaphore_mem>>
      %dma_start3A = arith.constant 0 : i32
      %dma_start3A_150 = tpu.memref_slice %arg10[%add3A_116, %dma_start3A] : memref<20000x64xf32, #tpu.memory_space<hbm>> -> memref<200x64xf32, #tpu.memory_space<hbm>>
      %dma_start3A_151 = arith.constant 0 : i32
      %dma_start3A_152 = tpu.memref_slice %arg10[%add3A_116, %dma_start3A_151] : memref<20000x64xf32, #tpu.memory_space<hbm>> -> memref<200x64xf32, #tpu.memory_space<hbm>>
      tpu.enqueue_dma source(%arg16 : memref<200x64xf32, #tpu.memory_space<vmem>>) target(%dma_start3A_152 : memref<200x64xf32, #tpu.memory_space<hbm>>) target_semaphore(%run_scoped3A : memref<!tpu.dma_semaphore, #tpu.memory_space<semaphore_mem>>)
      %dma_wait3A = arith.constant 0 : i32
      %dma_wait3A_153 = tpu.memref_slice %arg10[%add3A_116, %dma_wait3A] : memref<20000x64xf32, #tpu.memory_space<hbm>> -> memref<200x64xf32, #tpu.memory_space<hbm>>
      %dma_wait3A_154 = arith.constant 0 : i32
      %dma_wait3A_155 = tpu.memref_slice %arg10[%add3A_116, %dma_wait3A_154] : memref<20000x64xf32, #tpu.memory_space<hbm>> -> memref<200x64xf32, #tpu.memory_space<hbm>>
      tpu.wait_dma2 semaphore(%run_scoped3A : memref<!tpu.dma_semaphore, #tpu.memory_space<semaphore_mem>>) src(%arg16 : memref<200x64xf32, #tpu.memory_space<vmem>>) dst(%dma_wait3A_155 : memref<200x64xf32, #tpu.memory_space<hbm>>)
      tpu.yield
    }) : () -> ()
    %add3A_117 = arith.constant 16 : i32
    %add3A_118 = arith.addi %arg1, %add3A_117 : i32
    %mul3A_119 = arith.constant 200 : i32
    %mul3A_120 = arith.muli %add3A_118, %mul3A_119 : i32
    "tpu.region"() ({
      %run_scoped3A = tpu.sem_alloc : memref<!tpu.dma_semaphore, #tpu.memory_space<semaphore_mem>>
      %dma_start3A = arith.constant 0 : i32
      %dma_start3A_150 = tpu.memref_slice %arg20[%mul3A_120, %dma_start3A] : memref<10000x64xf32, #tpu.memory_space<vmem_shared>> -> memref<200x64xf32, #tpu.memory_space<vmem_shared>>
      %dma_start3A_151 = arith.constant 0 : i32
      %dma_start3A_152 = tpu.memref_slice %arg20[%mul3A_120, %dma_start3A_151] : memref<10000x64xf32, #tpu.memory_space<vmem_shared>> -> memref<200x64xf32, #tpu.memory_space<vmem_shared>>
      tpu.enqueue_dma source(%dma_start3A_152 : memref<200x64xf32, #tpu.memory_space<vmem_shared>>) target(%arg16 : memref<200x64xf32, #tpu.memory_space<vmem>>) target_semaphore(%run_scoped3A : memref<!tpu.dma_semaphore, #tpu.memory_space<semaphore_mem>>)
      %dma_wait3A = arith.constant 0 : i32
      %dma_wait3A_153 = tpu.memref_slice %arg20[%mul3A_120, %dma_wait3A] : memref<10000x64xf32, #tpu.memory_space<vmem_shared>> -> memref<200x64xf32, #tpu.memory_space<vmem_shared>>
      %dma_wait3A_154 = arith.constant 0 : i32
      %dma_wait3A_155 = tpu.memref_slice %arg20[%mul3A_120, %dma_wait3A_154] : memref<10000x64xf32, #tpu.memory_space<vmem_shared>> -> memref<200x64xf32, #tpu.memory_space<vmem_shared>>
      tpu.wait_dma2 semaphore(%run_scoped3A : memref<!tpu.dma_semaphore, #tpu.memory_space<semaphore_mem>>) src(%dma_wait3A_155 : memref<200x64xf32, #tpu.memory_space<vmem_shared>>) dst(%arg16 : memref<200x64xf32, #tpu.memory_space<vmem>>)
      tpu.yield
    }) : () -> ()
    "tpu.region"() ({
      %run_scoped3A = tpu.sem_alloc : memref<!tpu.dma_semaphore, #tpu.memory_space<semaphore_mem>>
      %dma_start3A = arith.constant 0 : i32
      %dma_start3A_150 = tpu.memref_slice %arg11[%mul3A_120, %dma_start3A] : memref<10000x16xf32, #tpu.memory_space<hbm>> -> memref<200x16xf32, #tpu.memory_space<hbm>>
      %dma_start3A_151 = arith.constant 0 : i32
      %dma_start3A_152 = tpu.memref_slice %arg11[%mul3A_120, %dma_start3A_151] : memref<10000x16xf32, #tpu.memory_space<hbm>> -> memref<200x16xf32, #tpu.memory_space<hbm>>
      tpu.enqueue_dma source(%dma_start3A_152 : memref<200x16xf32, #tpu.memory_space<hbm>>) target(%arg18 : memref<200x16xf32, #tpu.memory_space<vmem>>) target_semaphore(%run_scoped3A : memref<!tpu.dma_semaphore, #tpu.memory_space<semaphore_mem>>)
      %dma_wait3A = arith.constant 0 : i32
      %dma_wait3A_153 = tpu.memref_slice %arg11[%mul3A_120, %dma_wait3A] : memref<10000x16xf32, #tpu.memory_space<hbm>> -> memref<200x16xf32, #tpu.memory_space<hbm>>
      %dma_wait3A_154 = arith.constant 0 : i32
      %dma_wait3A_155 = tpu.memref_slice %arg11[%mul3A_120, %dma_wait3A_154] : memref<10000x16xf32, #tpu.memory_space<hbm>> -> memref<200x16xf32, #tpu.memory_space<hbm>>
      tpu.wait_dma2 semaphore(%run_scoped3A : memref<!tpu.dma_semaphore, #tpu.memory_space<semaphore_mem>>) src(%dma_wait3A_155 : memref<200x16xf32, #tpu.memory_space<hbm>>) dst(%arg18 : memref<200x16xf32, #tpu.memory_space<vmem>>)
      tpu.yield
    }) : () -> ()
    %scan3A_121 = arith.constant 0 : i32
    %scan3A_122 = arith.constant 0 : i32
    %scan3A_123 = arith.constant 200 : i32
    %scan3A_124 = arith.addi %scan3A_122, %scan3A_123 : i32
    %scan3A_125 = arith.constant 1 : i32
    scf.for %scan3A_150 = %scan3A_122 to %scan3A_124 step %scan3A_125  : i32 {
      %get3A = arith.index_cast %scan3A_150 : i32 to index
      %get3A_151 = arith.constant 0 : index
      %get3A_152 = tpu.vector_load %arg18[%get3A, %get3A_151] {strides = array<i32>} : memref<200x16xf32, #tpu.memory_space<vmem>>, vector<1x16xf32>,
      %get3A_153 = vector.shape_cast %get3A_152 : vector<1x16xf32> to vector<16xf32>
      %get3A_154 = arith.index_cast %scan3A_150 : i32 to index
      %get3A_155 = arith.constant 0 : index
      %get3A_156 = tpu.vector_load %arg16[%get3A_154, %get3A_155] {strides = array<i32>} : memref<200x64xf32, #tpu.memory_space<vmem>>, vector<1x16xf32>,
      %get3A_157 = vector.shape_cast %get3A_156 : vector<1x16xf32> to vector<16xf32>
      %mul3A_158 = arith.mulf %get3A_157, %get3A_153 : vector<16xf32>
      %swap3A = arith.index_cast %scan3A_150 : i32 to index
      %swap3A_159 = arith.constant 0 : index
      %swap3A_160 = tpu.vector_load %arg16[%swap3A, %swap3A_159] {strides = array<i32>} : memref<200x64xf32, #tpu.memory_space<vmem>>, vector<1x16xf32>,
      %swap3A_161 = vector.shape_cast %swap3A_160 : vector<1x16xf32> to vector<16xf32>
      %swap3A_162 = vector.shape_cast %mul3A_158 : vector<16xf32> to vector<1x16xf32>
      tpu.vector_store %arg16[%swap3A, %swap3A_159], %swap3A_162 {strides = array<i32>} : memref<200x64xf32, #tpu.memory_space<vmem>>, vector<1x16xf32>,
      %get3A_163 = arith.index_cast %scan3A_150 : i32 to index
      %get3A_164 = arith.constant 16 : index
      %get3A_165 = tpu.vector_load %arg16[%get3A_163, %get3A_164] {strides = array<i32>} : memref<200x64xf32, #tpu.memory_space<vmem>>, vector<1x16xf32>,
      %get3A_166 = vector.shape_cast %get3A_165 : vector<1x16xf32> to vector<16xf32>
      %mul3A_167 = arith.mulf %get3A_166, %get3A_153 : vector<16xf32>
      %swap3A_168 = arith.index_cast %scan3A_150 : i32 to index
      %swap3A_169 = arith.constant 16 : index
      %swap3A_170 = tpu.vector_load %arg16[%swap3A_168, %swap3A_169] {strides = array<i32>} : memref<200x64xf32, #tpu.memory_space<vmem>>, vector<1x16xf32>,
      %swap3A_171 = vector.shape_cast %swap3A_170 : vector<1x16xf32> to vector<16xf32>
      %swap3A_172 = vector.shape_cast %mul3A_167 : vector<16xf32> to vector<1x16xf32>
      tpu.vector_store %arg16[%swap3A_168, %swap3A_169], %swap3A_172 {strides = array<i32>} : memref<200x64xf32, #tpu.memory_space<vmem>>, vector<1x16xf32>,
      %get3A_173 = arith.index_cast %scan3A_150 : i32 to index
      %get3A_174 = arith.constant 32 : index
      %get3A_175 = tpu.vector_load %arg16[%get3A_173, %get3A_174] {strides = array<i32>} : memref<200x64xf32, #tpu.memory_space<vmem>>, vector<1x16xf32>,
      %get3A_176 = vector.shape_cast %get3A_175 : vector<1x16xf32> to vector<16xf32>
      %mul3A_177 = arith.mulf %get3A_176, %get3A_153 : vector<16xf32>
      %swap3A_178 = arith.index_cast %scan3A_150 : i32 to index
      %swap3A_179 = arith.constant 32 : index
      %swap3A_180 = tpu.vector_load %arg16[%swap3A_178, %swap3A_179] {strides = array<i32>} : memref<200x64xf32, #tpu.memory_space<vmem>>, vector<1x16xf32>,
      %swap3A_181 = vector.shape_cast %swap3A_180 : vector<1x16xf32> to vector<16xf32>
      %swap3A_182 = vector.shape_cast %mul3A_177 : vector<16xf32> to vector<1x16xf32>
      tpu.vector_store %arg16[%swap3A_178, %swap3A_179], %swap3A_182 {strides = array<i32>} : memref<200x64xf32, #tpu.memory_space<vmem>>, vector<1x16xf32>,
      %get3A_183 = arith.index_cast %scan3A_150 : i32 to index
      %get3A_184 = arith.constant 48 : index
      %get3A_185 = tpu.vector_load %arg16[%get3A_183, %get3A_184] {strides = array<i32>} : memref<200x64xf32, #tpu.memory_space<vmem>>, vector<1x16xf32>,
      %get3A_186 = vector.shape_cast %get3A_185 : vector<1x16xf32> to vector<16xf32>
      %mul3A_187 = arith.mulf %get3A_186, %get3A_153 : vector<16xf32>
      %swap3A_188 = arith.index_cast %scan3A_150 : i32 to index
      %swap3A_189 = arith.constant 48 : index
      %swap3A_190 = tpu.vector_load %arg16[%swap3A_188, %swap3A_189] {strides = array<i32>} : memref<200x64xf32, #tpu.memory_space<vmem>>, vector<1x16xf32>,
      %swap3A_191 = vector.shape_cast %swap3A_190 : vector<1x16xf32> to vector<16xf32>
      %swap3A_192 = vector.shape_cast %mul3A_187 : vector<16xf32> to vector<1x16xf32>
      tpu.vector_store %arg16[%swap3A_188, %swap3A_189], %swap3A_192 {strides = array<i32>} : memref<200x64xf32, #tpu.memory_space<vmem>>, vector<1x16xf32>,
    }
    %scan3A_126 = arith.constant 200 : i32
    %mul3A_127 = arith.constant 10000 : i32
    %mul3A_128 = arith.muli %arg0, %mul3A_127 : i32
    %add3A_129 = arith.addi %mul3A_128, %mul3A_120 : i32
    "tpu.region"() ({
      %run_scoped3A = tpu.sem_alloc : memref<!tpu.dma_semaphore, #tpu.memory_space<semaphore_mem>>
      %dma_start3A = arith.constant 0 : i32
      %dma_start3A_150 = tpu.memref_slice %arg10[%add3A_129, %dma_start3A] : memref<20000x64xf32, #tpu.memory_space<hbm>> -> memref<200x64xf32, #tpu.memory_space<hbm>>
      %dma_start3A_151 = arith.constant 0 : i32
      %dma_start3A_152 = tpu.memref_slice %arg10[%add3A_129, %dma_start3A_151] : memref<20000x64xf32, #tpu.memory_space<hbm>> -> memref<200x64xf32, #tpu.memory_space<hbm>>
      tpu.enqueue_dma source(%arg16 : memref<200x64xf32, #tpu.memory_space<vmem>>) target(%dma_start3A_152 : memref<200x64xf32, #tpu.memory_space<hbm>>) target_semaphore(%run_scoped3A : memref<!tpu.dma_semaphore, #tpu.memory_space<semaphore_mem>>)
      %dma_wait3A = arith.constant 0 : i32
      %dma_wait3A_153 = tpu.memref_slice %arg10[%add3A_129, %dma_wait3A] : memref<20000x64xf32, #tpu.memory_space<hbm>> -> memref<200x64xf32, #tpu.memory_space<hbm>>
      %dma_wait3A_154 = arith.constant 0 : i32
      %dma_wait3A_155 = tpu.memref_slice %arg10[%add3A_129, %dma_wait3A_154] : memref<20000x64xf32, #tpu.memory_space<hbm>> -> memref<200x64xf32, #tpu.memory_space<hbm>>
      tpu.wait_dma2 semaphore(%run_scoped3A : memref<!tpu.dma_semaphore, #tpu.memory_space<semaphore_mem>>) src(%arg16 : memref<200x64xf32, #tpu.memory_space<vmem>>) dst(%dma_wait3A_155 : memref<200x64xf32, #tpu.memory_space<hbm>>)
      tpu.yield
    }) : () -> ()
    %add3A_130 = arith.constant 32 : i32
    %add3A_131 = arith.addi %arg1, %add3A_130 : i32
    %mul3A_132 = arith.constant 200 : i32
    %mul3A_133 = arith.muli %add3A_131, %mul3A_132 : i32
    "tpu.region"() ({
      %run_scoped3A = tpu.sem_alloc : memref<!tpu.dma_semaphore, #tpu.memory_space<semaphore_mem>>
      %dma_start3A = arith.constant 0 : i32
      %dma_start3A_150 = tpu.memref_slice %arg20[%mul3A_133, %dma_start3A] : memref<10000x64xf32, #tpu.memory_space<vmem_shared>> -> memref<200x64xf32, #tpu.memory_space<vmem_shared>>
      %dma_start3A_151 = arith.constant 0 : i32
      %dma_start3A_152 = tpu.memref_slice %arg20[%mul3A_133, %dma_start3A_151] : memref<10000x64xf32, #tpu.memory_space<vmem_shared>> -> memref<200x64xf32, #tpu.memory_space<vmem_shared>>
      tpu.enqueue_dma source(%dma_start3A_152 : memref<200x64xf32, #tpu.memory_space<vmem_shared>>) target(%arg16 : memref<200x64xf32, #tpu.memory_space<vmem>>) target_semaphore(%run_scoped3A : memref<!tpu.dma_semaphore, #tpu.memory_space<semaphore_mem>>)
      %dma_wait3A = arith.constant 0 : i32
      %dma_wait3A_153 = tpu.memref_slice %arg20[%mul3A_133, %dma_wait3A] : memref<10000x64xf32, #tpu.memory_space<vmem_shared>> -> memref<200x64xf32, #tpu.memory_space<vmem_shared>>
      %dma_wait3A_154 = arith.constant 0 : i32
      %dma_wait3A_155 = tpu.memref_slice %arg20[%mul3A_133, %dma_wait3A_154] : memref<10000x64xf32, #tpu.memory_space<vmem_shared>> -> memref<200x64xf32, #tpu.memory_space<vmem_shared>>
      tpu.wait_dma2 semaphore(%run_scoped3A : memref<!tpu.dma_semaphore, #tpu.memory_space<semaphore_mem>>) src(%dma_wait3A_155 : memref<200x64xf32, #tpu.memory_space<vmem_shared>>) dst(%arg16 : memref<200x64xf32, #tpu.memory_space<vmem>>)
      tpu.yield
    }) : () -> ()
    "tpu.region"() ({
      %run_scoped3A = tpu.sem_alloc : memref<!tpu.dma_semaphore, #tpu.memory_space<semaphore_mem>>
      %dma_start3A = arith.constant 0 : i32
      %dma_start3A_150 = tpu.memref_slice %arg11[%mul3A_133, %dma_start3A] : memref<10000x16xf32, #tpu.memory_space<hbm>> -> memref<200x16xf32, #tpu.memory_space<hbm>>
      %dma_start3A_151 = arith.constant 0 : i32
      %dma_start3A_152 = tpu.memref_slice %arg11[%mul3A_133, %dma_start3A_151] : memref<10000x16xf32, #tpu.memory_space<hbm>> -> memref<200x16xf32, #tpu.memory_space<hbm>>
      tpu.enqueue_dma source(%dma_start3A_152 : memref<200x16xf32, #tpu.memory_space<hbm>>) target(%arg18 : memref<200x16xf32, #tpu.memory_space<vmem>>) target_semaphore(%run_scoped3A : memref<!tpu.dma_semaphore, #tpu.memory_space<semaphore_mem>>)
      %dma_wait3A = arith.constant 0 : i32
      %dma_wait3A_153 = tpu.memref_slice %arg11[%mul3A_133, %dma_wait3A] : memref<10000x16xf32, #tpu.memory_space<hbm>> -> memref<200x16xf32, #tpu.memory_space<hbm>>
      %dma_wait3A_154 = arith.constant 0 : i32
      %dma_wait3A_155 = tpu.memref_slice %arg11[%mul3A_133, %dma_wait3A_154] : memref<10000x16xf32, #tpu.memory_space<hbm>> -> memref<200x16xf32, #tpu.memory_space<hbm>>
      tpu.wait_dma2 semaphore(%run_scoped3A : memref<!tpu.dma_semaphore, #tpu.memory_space<semaphore_mem>>) src(%dma_wait3A_155 : memref<200x16xf32, #tpu.memory_space<hbm>>) dst(%arg18 : memref<200x16xf32, #tpu.memory_space<vmem>>)
      tpu.yield
    }) : () -> ()
    %scan3A_134 = arith.constant 0 : i32
    %scan3A_135 = arith.constant 0 : i32
    %scan3A_136 = arith.constant 200 : i32
    %scan3A_137 = arith.addi %scan3A_135, %scan3A_136 : i32
    %scan3A_138 = arith.constant 1 : i32
    scf.for %scan3A_150 = %scan3A_135 to %scan3A_137 step %scan3A_138  : i32 {
      %get3A = arith.index_cast %scan3A_150 : i32 to index
      %get3A_151 = arith.constant 0 : index
      %get3A_152 = tpu.vector_load %arg18[%get3A, %get3A_151] {strides = array<i32>} : memref<200x16xf32, #tpu.memory_space<vmem>>, vector<1x16xf32>,
      %get3A_153 = vector.shape_cast %get3A_152 : vector<1x16xf32> to vector<16xf32>
      %get3A_154 = arith.index_cast %scan3A_150 : i32 to index
      %get3A_155 = arith.constant 0 : index
      %get3A_156 = tpu.vector_load %arg16[%get3A_154, %get3A_155] {strides = array<i32>} : memref<200x64xf32, #tpu.memory_space<vmem>>, vector<1x16xf32>,
      %get3A_157 = vector.shape_cast %get3A_156 : vector<1x16xf32> to vector<16xf32>
      %mul3A_158 = arith.mulf %get3A_157, %get3A_153 : vector<16xf32>
      %swap3A = arith.index_cast %scan3A_150 : i32 to index
      %swap3A_159 = arith.constant 0 : index
      %swap3A_160 = tpu.vector_load %arg16[%swap3A, %swap3A_159] {strides = array<i32>} : memref<200x64xf32, #tpu.memory_space<vmem>>, vector<1x16xf32>,
      %swap3A_161 = vector.shape_cast %swap3A_160 : vector<1x16xf32> to vector<16xf32>
      %swap3A_162 = vector.shape_cast %mul3A_158 : vector<16xf32> to vector<1x16xf32>
      tpu.vector_store %arg16[%swap3A, %swap3A_159], %swap3A_162 {strides = array<i32>} : memref<200x64xf32, #tpu.memory_space<vmem>>, vector<1x16xf32>,
      %get3A_163 = arith.index_cast %scan3A_150 : i32 to index
      %get3A_164 = arith.constant 16 : index
      %get3A_165 = tpu.vector_load %arg16[%get3A_163, %get3A_164] {strides = array<i32>} : memref<200x64xf32, #tpu.memory_space<vmem>>, vector<1x16xf32>,
      %get3A_166 = vector.shape_cast %get3A_165 : vector<1x16xf32> to vector<16xf32>
      %mul3A_167 = arith.mulf %get3A_166, %get3A_153 : vector<16xf32>
      %swap3A_168 = arith.index_cast %scan3A_150 : i32 to index
      %swap3A_169 = arith.constant 16 : index
      %swap3A_170 = tpu.vector_load %arg16[%swap3A_168, %swap3A_169] {strides = array<i32>} : memref<200x64xf32, #tpu.memory_space<vmem>>, vector<1x16xf32>,
      %swap3A_171 = vector.shape_cast %swap3A_170 : vector<1x16xf32> to vector<16xf32>
      %swap3A_172 = vector.shape_cast %mul3A_167 : vector<16xf32> to vector<1x16xf32>
      tpu.vector_store %arg16[%swap3A_168, %swap3A_169], %swap3A_172 {strides = array<i32>} : memref<200x64xf32, #tpu.memory_space<vmem>>, vector<1x16xf32>,
      %get3A_173 = arith.index_cast %scan3A_150 : i32 to index
      %get3A_174 = arith.constant 32 : index
      %get3A_175 = tpu.vector_load %arg16[%get3A_173, %get3A_174] {strides = array<i32>} : memref<200x64xf32, #tpu.memory_space<vmem>>, vector<1x16xf32>,
      %get3A_176 = vector.shape_cast %get3A_175 : vector<1x16xf32> to vector<16xf32>
      %mul3A_177 = arith.mulf %get3A_176, %get3A_153 : vector<16xf32>
      %swap3A_178 = arith.index_cast %scan3A_150 : i32 to index
      %swap3A_179 = arith.constant 32 : index
      %swap3A_180 = tpu.vector_load %arg16[%swap3A_178, %swap3A_179] {strides = array<i32>} : memref<200x64xf32, #tpu.memory_space<vmem>>, vector<1x16xf32>,
      %swap3A_181 = vector.shape_cast %swap3A_180 : vector<1x16xf32> to vector<16xf32>
      %swap3A_182 = vector.shape_cast %mul3A_177 : vector<16xf32> to vector<1x16xf32>
      tpu.vector_store %arg16[%swap3A_178, %swap3A_179], %swap3A_182 {strides = array<i32>} : memref<200x64xf32, #tpu.memory_space<vmem>>, vector<1x16xf32>,
      %get3A_183 = arith.index_cast %scan3A_150 : i32 to index
      %get3A_184 = arith.constant 48 : index
      %get3A_185 = tpu.vector_load %arg16[%get3A_183, %get3A_184] {strides = array<i32>} : memref<200x64xf32, #tpu.memory_space<vmem>>, vector<1x16xf32>,
      %get3A_186 = vector.shape_cast %get3A_185 : vector<1x16xf32> to vector<16xf32>
      %mul3A_187 = arith.mulf %get3A_186, %get3A_153 : vector<16xf32>
      %swap3A_188 = arith.index_cast %scan3A_150 : i32 to index
      %swap3A_189 = arith.constant 48 : index
      %swap3A_190 = tpu.vector_load %arg16[%swap3A_188, %swap3A_189] {strides = array<i32>} : memref<200x64xf32, #tpu.memory_space<vmem>>, vector<1x16xf32>,
      %swap3A_191 = vector.shape_cast %swap3A_190 : vector<1x16xf32> to vector<16xf32>
      %swap3A_192 = vector.shape_cast %mul3A_187 : vector<16xf32> to vector<1x16xf32>
      tpu.vector_store %arg16[%swap3A_188, %swap3A_189], %swap3A_192 {strides = array<i32>} : memref<200x64xf32, #tpu.memory_space<vmem>>, vector<1x16xf32>,
    }
    %scan3A_139 = arith.constant 200 : i32
    %mul3A_140 = arith.constant 10000 : i32
    %mul3A_141 = arith.muli %arg0, %mul3A_140 : i32
    %add3A_142 = arith.addi %mul3A_141, %mul3A_133 : i32
    "tpu.region"() ({
      %run_scoped3A = tpu.sem_alloc : memref<!tpu.dma_semaphore, #tpu.memory_space<semaphore_mem>>
      %dma_start3A = arith.constant 0 : i32
      %dma_start3A_150 = tpu.memref_slice %arg10[%add3A_142, %dma_start3A] : memref<20000x64xf32, #tpu.memory_space<hbm>> -> memref<200x64xf32, #tpu.memory_space<hbm>>
      %dma_start3A_151 = arith.constant 0 : i32
      %dma_start3A_152 = tpu.memref_slice %arg10[%add3A_142, %dma_start3A_151] : memref<20000x64xf32, #tpu.memory_space<hbm>> -> memref<200x64xf32, #tpu.memory_space<hbm>>
      tpu.enqueue_dma source(%arg16 : memref<200x64xf32, #tpu.memory_space<vmem>>) target(%dma_start3A_152 : memref<200x64xf32, #tpu.memory_space<hbm>>) target_semaphore(%run_scoped3A : memref<!tpu.dma_semaphore, #tpu.memory_space<semaphore_mem>>)
      %dma_wait3A = arith.constant 0 : i32
      %dma_wait3A_153 = tpu.memref_slice %arg10[%add3A_142, %dma_wait3A] : memref<20000x64xf32, #tpu.memory_space<hbm>> -> memref<200x64xf32, #tpu.memory_space<hbm>>
      %dma_wait3A_154 = arith.constant 0 : i32
      %dma_wait3A_155 = tpu.memref_slice %arg10[%add3A_142, %dma_wait3A_154] : memref<20000x64xf32, #tpu.memory_space<hbm>> -> memref<200x64xf32, #tpu.memory_space<hbm>>
      tpu.wait_dma2 semaphore(%run_scoped3A : memref<!tpu.dma_semaphore, #tpu.memory_space<semaphore_mem>>) src(%arg16 : memref<200x64xf32, #tpu.memory_space<vmem>>) dst(%dma_wait3A_155 : memref<200x64xf32, #tpu.memory_space<hbm>>)
      tpu.yield
    }) : () -> ()
    %add3A_143 = arith.constant 48 : i32
    %add3A_144 = arith.addi %arg1, %add3A_143 : i32
    %lt3A_145 = arith.constant 50 : i32
    %lt3A_146 = arith.cmpi slt, %add3A_144, %lt3A_145 : i32
    %convert_element_type3A_147 = arith.extui %lt3A_146 : i1 to i32
    %cond3A_148 = arith.constant 0 : i32
    %cond3A_149 = arith.cmpi ne, %convert_element_type3A_147, %cond3A_148 : i32
    scf.if %cond3A_149 {
      %mul3A_150 = arith.constant 200 : i32
      %mul3A_151 = arith.muli %add3A_144, %mul3A_150 : i32
      "tpu.region"() ({
        %run_scoped3A = tpu.sem_alloc : memref<!tpu.dma_semaphore, #tpu.memory_space<semaphore_mem>>
        %dma_start3A = arith.constant 0 : i32
        %dma_start3A_161 = tpu.memref_slice %arg20[%mul3A_151, %dma_start3A] : memref<10000x64xf32, #tpu.memory_space<vmem_shared>> -> memref<200x64xf32, #tpu.memory_space<vmem_shared>>
        %dma_start3A_162 = arith.constant 0 : i32
        %dma_start3A_163 = tpu.memref_slice %arg20[%mul3A_151, %dma_start3A_162] : memref<10000x64xf32, #tpu.memory_space<vmem_shared>> -> memref<200x64xf32, #tpu.memory_space<vmem_shared>>
        tpu.enqueue_dma source(%dma_start3A_163 : memref<200x64xf32, #tpu.memory_space<vmem_shared>>) target(%arg16 : memref<200x64xf32, #tpu.memory_space<vmem>>) target_semaphore(%run_scoped3A : memref<!tpu.dma_semaphore, #tpu.memory_space<semaphore_mem>>)
        %dma_wait3A = arith.constant 0 : i32
        %dma_wait3A_164 = tpu.memref_slice %arg20[%mul3A_151, %dma_wait3A] : memref<10000x64xf32, #tpu.memory_space<vmem_shared>> -> memref<200x64xf32, #tpu.memory_space<vmem_shared>>
        %dma_wait3A_165 = arith.constant 0 : i32
        %dma_wait3A_166 = tpu.memref_slice %arg20[%mul3A_151, %dma_wait3A_165] : memref<10000x64xf32, #tpu.memory_space<vmem_shared>> -> memref<200x64xf32, #tpu.memory_space<vmem_shared>>
        tpu.wait_dma2 semaphore(%run_scoped3A : memref<!tpu.dma_semaphore, #tpu.memory_space<semaphore_mem>>) src(%dma_wait3A_166 : memref<200x64xf32, #tpu.memory_space<vmem_shared>>) dst(%arg16 : memref<200x64xf32, #tpu.memory_space<vmem>>)
        tpu.yield
      }) : () -> ()
      "tpu.region"() ({
        %run_scoped3A = tpu.sem_alloc : memref<!tpu.dma_semaphore, #tpu.memory_space<semaphore_mem>>
        %dma_start3A = arith.constant 0 : i32
        %dma_start3A_161 = tpu.memref_slice %arg11[%mul3A_151, %dma_start3A] : memref<10000x16xf32, #tpu.memory_space<hbm>> -> memref<200x16xf32, #tpu.memory_space<hbm>>
        %dma_start3A_162 = arith.constant 0 : i32
        %dma_start3A_163 = tpu.memref_slice %arg11[%mul3A_151, %dma_start3A_162] : memref<10000x16xf32, #tpu.memory_space<hbm>> -> memref<200x16xf32, #tpu.memory_space<hbm>>
        tpu.enqueue_dma source(%dma_start3A_163 : memref<200x16xf32, #tpu.memory_space<hbm>>) target(%arg18 : memref<200x16xf32, #tpu.memory_space<vmem>>) target_semaphore(%run_scoped3A : memref<!tpu.dma_semaphore, #tpu.memory_space<semaphore_mem>>)
        %dma_wait3A = arith.constant 0 : i32
        %dma_wait3A_164 = tpu.memref_slice %arg11[%mul3A_151, %dma_wait3A] : memref<10000x16xf32, #tpu.memory_space<hbm>> -> memref<200x16xf32, #tpu.memory_space<hbm>>
        %dma_wait3A_165 = arith.constant 0 : i32
        %dma_wait3A_166 = tpu.memref_slice %arg11[%mul3A_151, %dma_wait3A_165] : memref<10000x16xf32, #tpu.memory_space<hbm>> -> memref<200x16xf32, #tpu.memory_space<hbm>>
        tpu.wait_dma2 semaphore(%run_scoped3A : memref<!tpu.dma_semaphore, #tpu.memory_space<semaphore_mem>>) src(%dma_wait3A_166 : memref<200x16xf32, #tpu.memory_space<hbm>>) dst(%arg18 : memref<200x16xf32, #tpu.memory_space<vmem>>)
        tpu.yield
      }) : () -> ()
      %scan3A_152 = arith.constant 0 : i32
      %scan3A_153 = arith.constant 0 : i32
      %scan3A_154 = arith.constant 200 : i32
      %scan3A_155 = arith.addi %scan3A_153, %scan3A_154 : i32
      %scan3A_156 = arith.constant 1 : i32
      scf.for %scan3A_161 = %scan3A_153 to %scan3A_155 step %scan3A_156  : i32 {
        %get3A = arith.index_cast %scan3A_161 : i32 to index
        %get3A_162 = arith.constant 0 : index
        %get3A_163 = tpu.vector_load %arg18[%get3A, %get3A_162] {strides = array<i32>} : memref<200x16xf32, #tpu.memory_space<vmem>>, vector<1x16xf32>,
        %get3A_164 = vector.shape_cast %get3A_163 : vector<1x16xf32> to vector<16xf32>
        %get3A_165 = arith.index_cast %scan3A_161 : i32 to index
        %get3A_166 = arith.constant 0 : index
        %get3A_167 = tpu.vector_load %arg16[%get3A_165, %get3A_166] {strides = array<i32>} : memref<200x64xf32, #tpu.memory_space<vmem>>, vector<1x16xf32>,
        %get3A_168 = vector.shape_cast %get3A_167 : vector<1x16xf32> to vector<16xf32>
        %mul3A_169 = arith.mulf %get3A_168, %get3A_164 : vector<16xf32>
        %swap3A = arith.index_cast %scan3A_161 : i32 to index
        %swap3A_170 = arith.constant 0 : index
        %swap3A_171 = tpu.vector_load %arg16[%swap3A, %swap3A_170] {strides = array<i32>} : memref<200x64xf32, #tpu.memory_space<vmem>>, vector<1x16xf32>,
        %swap3A_172 = vector.shape_cast %swap3A_171 : vector<1x16xf32> to vector<16xf32>
        %swap3A_173 = vector.shape_cast %mul3A_169 : vector<16xf32> to vector<1x16xf32>
        tpu.vector_store %arg16[%swap3A, %swap3A_170], %swap3A_173 {strides = array<i32>} : memref<200x64xf32, #tpu.memory_space<vmem>>, vector<1x16xf32>,
        %get3A_174 = arith.index_cast %scan3A_161 : i32 to index
        %get3A_175 = arith.constant 16 : index
        %get3A_176 = tpu.vector_load %arg16[%get3A_174, %get3A_175] {strides = array<i32>} : memref<200x64xf32, #tpu.memory_space<vmem>>, vector<1x16xf32>,
        %get3A_177 = vector.shape_cast %get3A_176 : vector<1x16xf32> to vector<16xf32>
        %mul3A_178 = arith.mulf %get3A_177, %get3A_164 : vector<16xf32>
        %swap3A_179 = arith.index_cast %scan3A_161 : i32 to index
        %swap3A_180 = arith.constant 16 : index
        %swap3A_181 = tpu.vector_load %arg16[%swap3A_179, %swap3A_180] {strides = array<i32>} : memref<200x64xf32, #tpu.memory_space<vmem>>, vector<1x16xf32>,
        %swap3A_182 = vector.shape_cast %swap3A_181 : vector<1x16xf32> to vector<16xf32>
        %swap3A_183 = vector.shape_cast %mul3A_178 : vector<16xf32> to vector<1x16xf32>
        tpu.vector_store %arg16[%swap3A_179, %swap3A_180], %swap3A_183 {strides = array<i32>} : memref<200x64xf32, #tpu.memory_space<vmem>>, vector<1x16xf32>,
        %get3A_184 = arith.index_cast %scan3A_161 : i32 to index
        %get3A_185 = arith.constant 32 : index
        %get3A_186 = tpu.vector_load %arg16[%get3A_184, %get3A_185] {strides = array<i32>} : memref<200x64xf32, #tpu.memory_space<vmem>>, vector<1x16xf32>,
        %get3A_187 = vector.shape_cast %get3A_186 : vector<1x16xf32> to vector<16xf32>
        %mul3A_188 = arith.mulf %get3A_187, %get3A_164 : vector<16xf32>
        %swap3A_189 = arith.index_cast %scan3A_161 : i32 to index
        %swap3A_190 = arith.constant 32 : index
        %swap3A_191 = tpu.vector_load %arg16[%swap3A_189, %swap3A_190] {strides = array<i32>} : memref<200x64xf32, #tpu.memory_space<vmem>>, vector<1x16xf32>,
        %swap3A_192 = vector.shape_cast %swap3A_191 : vector<1x16xf32> to vector<16xf32>
        %swap3A_193 = vector.shape_cast %mul3A_188 : vector<16xf32> to vector<1x16xf32>
        tpu.vector_store %arg16[%swap3A_189, %swap3A_190], %swap3A_193 {strides = array<i32>} : memref<200x64xf32, #tpu.memory_space<vmem>>, vector<1x16xf32>,
        %get3A_194 = arith.index_cast %scan3A_161 : i32 to index
        %get3A_195 = arith.constant 48 : index
        %get3A_196 = tpu.vector_load %arg16[%get3A_194, %get3A_195] {strides = array<i32>} : memref<200x64xf32, #tpu.memory_space<vmem>>, vector<1x16xf32>,
        %get3A_197 = vector.shape_cast %get3A_196 : vector<1x16xf32> to vector<16xf32>
        %mul3A_198 = arith.mulf %get3A_197, %get3A_164 : vector<16xf32>
        %swap3A_199 = arith.index_cast %scan3A_161 : i32 to index
        %swap3A_200 = arith.constant 48 : index
        %swap3A_201 = tpu.vector_load %arg16[%swap3A_199, %swap3A_200] {strides = array<i32>} : memref<200x64xf32, #tpu.memory_space<vmem>>, vector<1x16xf32>,
        %swap3A_202 = vector.shape_cast %swap3A_201 : vector<1x16xf32> to vector<16xf32>
        %swap3A_203 = vector.shape_cast %mul3A_198 : vector<16xf32> to vector<1x16xf32>
        tpu.vector_store %arg16[%swap3A_199, %swap3A_200], %swap3A_203 {strides = array<i32>} : memref<200x64xf32, #tpu.memory_space<vmem>>, vector<1x16xf32>,
      }
      %scan3A_157 = arith.constant 200 : i32
      %mul3A_158 = arith.constant 10000 : i32
      %mul3A_159 = arith.muli %arg0, %mul3A_158 : i32
      %add3A_160 = arith.addi %mul3A_159, %mul3A_151 : i32
      "tpu.region"() ({
        %run_scoped3A = tpu.sem_alloc : memref<!tpu.dma_semaphore, #tpu.memory_space<semaphore_mem>>
        %dma_start3A = arith.constant 0 : i32
        %dma_start3A_161 = tpu.memref_slice %arg10[%add3A_160, %dma_start3A] : memref<20000x64xf32, #tpu.memory_space<hbm>> -> memref<200x64xf32, #tpu.memory_space<hbm>>
        %dma_start3A_162 = arith.constant 0 : i32
        %dma_start3A_163 = tpu.memref_slice %arg10[%add3A_160, %dma_start3A_162] : memref<20000x64xf32, #tpu.memory_space<hbm>> -> memref<200x64xf32, #tpu.memory_space<hbm>>
        tpu.enqueue_dma source(%arg16 : memref<200x64xf32, #tpu.memory_space<vmem>>) target(%dma_start3A_163 : memref<200x64xf32, #tpu.memory_space<hbm>>) target_semaphore(%run_scoped3A : memref<!tpu.dma_semaphore, #tpu.memory_space<semaphore_mem>>)
        %dma_wait3A = arith.constant 0 : i32
        %dma_wait3A_164 = tpu.memref_slice %arg10[%add3A_160, %dma_wait3A] : memref<20000x64xf32, #tpu.memory_space<hbm>> -> memref<200x64xf32, #tpu.memory_space<hbm>>
        %dma_wait3A_165 = arith.constant 0 : i32
        %dma_wait3A_166 = tpu.memref_slice %arg10[%add3A_160, %dma_wait3A_165] : memref<20000x64xf32, #tpu.memory_space<hbm>> -> memref<200x64xf32, #tpu.memory_space<hbm>>
        tpu.wait_dma2 semaphore(%run_scoped3A : memref<!tpu.dma_semaphore, #tpu.memory_space<semaphore_mem>>) src(%arg16 : memref<200x64xf32, #tpu.memory_space<vmem>>) dst(%dma_wait3A_166 : memref<200x64xf32, #tpu.memory_space<hbm>>)
        tpu.yield
      }) : () -> ()
    } else {
    }
    return
  }
}

#map = affine_map<(d0, d1) -> (0, 0)>
#map1 = affine_map<(d0, d1) -> (0)>
module attributes {stable_mosaic.version = 14 : i64} {
  func.func @seg(%arg0: i32, %arg1: i32, %arg2: memref<10000x64xf32, #tpu.memory_space<hbm>>, %arg3: memref<320000xi32, #tpu.memory_space<hbm>>, %arg4: memref<320000xi32, #tpu.memory_space<hbm>>, %arg5: memref<200x64xf32, #tpu.memory_space<hbm>>, %arg6: memref<10000x16xf32, #tpu.memory_space<hbm>>, %arg7: memref<20000x64xf32, #tpu.memory_space<hbm>>, %arg8: memref<80xi32, #tpu.memory_space<vmem>>, %arg9: memref<80xi32, #tpu.memory_space<vmem>>, %arg10: memref<80x64xf32, #tpu.memory_space<vmem>>, %arg11: memref<200x64xf32, #tpu.memory_space<vmem>>, %arg12: memref<200x64xf32, #tpu.memory_space<vmem>>, %arg13: memref<200x16xf32, #tpu.memory_space<vmem>>, %arg14: memref<10000x64xf32, #tpu.memory_space<vmem_shared>>, %arg15: memref<!tpu.dma_semaphore, #tpu.memory_space<semaphore_mem>>) attributes {dimension_semantics = [#tpu.dimension_semantics<core_parallel>, #tpu.dimension_semantics<subcore_parallel>], iteration_bounds = array<i64: 2, 16>, scalar_prefetch = 0 : i64, scratch_operands = 8 : i64, tpu.core_type = #tpu.core_type<sc_vector_subcore>, window_params = [{transform_indices = #map}, {transform_indices = #map1}, {transform_indices = #map1}, {transform_indices = #map}, {transform_indices = #map}, {transform_indices = #map}]} {
    "tpu.region"() ({
      %run_scoped3A = tpu.sem_alloc : memref<!tpu.dma_semaphore, #tpu.memory_space<semaphore_mem>>
      tpu.enqueue_dma source(%arg5 : memref<200x64xf32, #tpu.memory_space<hbm>>) target(%arg12 : memref<200x64xf32, #tpu.memory_space<vmem>>) target_semaphore(%run_scoped3A : memref<!tpu.dma_semaphore, #tpu.memory_space<semaphore_mem>>)
      tpu.wait_dma2 semaphore(%run_scoped3A : memref<!tpu.dma_semaphore, #tpu.memory_space<semaphore_mem>>) src(%arg5 : memref<200x64xf32, #tpu.memory_space<hbm>>) dst(%arg12 : memref<200x64xf32, #tpu.memory_space<vmem>>)
      tpu.yield
    }) : () -> ()
    %add3A = arith.constant 0 : i32
    %add3A_0 = arith.addi %arg1, %add3A : i32
    %mul3A = arith.constant 200 : i32
    %mul3A_1 = arith.muli %add3A_0, %mul3A : i32
    "tpu.region"() ({
      %run_scoped3A = tpu.sem_alloc : memref<!tpu.dma_semaphore, #tpu.memory_space<semaphore_mem>>
      %dma_start3A = arith.constant 0 : i32
      %dma_start3A_66 = tpu.memref_slice %arg14[%mul3A_1, %dma_start3A] : memref<10000x64xf32, #tpu.memory_space<vmem_shared>> -> memref<200x64xf32, #tpu.memory_space<vmem_shared>>
      %dma_start3A_67 = arith.constant 0 : i32
      %dma_start3A_68 = tpu.memref_slice %arg14[%mul3A_1, %dma_start3A_67] : memref<10000x64xf32, #tpu.memory_space<vmem_shared>> -> memref<200x64xf32, #tpu.memory_space<vmem_shared>>
      tpu.enqueue_dma source(%arg12 : memref<200x64xf32, #tpu.memory_space<vmem>>) target(%dma_start3A_68 : memref<200x64xf32, #tpu.memory_space<vmem_shared>>) target_semaphore(%run_scoped3A : memref<!tpu.dma_semaphore, #tpu.memory_space<semaphore_mem>>)
      %dma_wait3A = arith.constant 0 : i32
      %dma_wait3A_69 = tpu.memref_slice %arg14[%mul3A_1, %dma_wait3A] : memref<10000x64xf32, #tpu.memory_space<vmem_shared>> -> memref<200x64xf32, #tpu.memory_space<vmem_shared>>
      %dma_wait3A_70 = arith.constant 0 : i32
      %dma_wait3A_71 = tpu.memref_slice %arg14[%mul3A_1, %dma_wait3A_70] : memref<10000x64xf32, #tpu.memory_space<vmem_shared>> -> memref<200x64xf32, #tpu.memory_space<vmem_shared>>
      tpu.wait_dma2 semaphore(%run_scoped3A : memref<!tpu.dma_semaphore, #tpu.memory_space<semaphore_mem>>) src(%arg12 : memref<200x64xf32, #tpu.memory_space<vmem>>) dst(%dma_wait3A_71 : memref<200x64xf32, #tpu.memory_space<vmem_shared>>)
      tpu.yield
    }) : () -> ()
    %add3A_2 = arith.constant 16 : i32
    %add3A_3 = arith.addi %arg1, %add3A_2 : i32
    %mul3A_4 = arith.constant 200 : i32
    %mul3A_5 = arith.muli %add3A_3, %mul3A_4 : i32
    "tpu.region"() ({
      %run_scoped3A = tpu.sem_alloc : memref<!tpu.dma_semaphore, #tpu.memory_space<semaphore_mem>>
      %dma_start3A = arith.constant 0 : i32
      %dma_start3A_66 = tpu.memref_slice %arg14[%mul3A_5, %dma_start3A] : memref<10000x64xf32, #tpu.memory_space<vmem_shared>> -> memref<200x64xf32, #tpu.memory_space<vmem_shared>>
      %dma_start3A_67 = arith.constant 0 : i32
      %dma_start3A_68 = tpu.memref_slice %arg14[%mul3A_5, %dma_start3A_67] : memref<10000x64xf32, #tpu.memory_space<vmem_shared>> -> memref<200x64xf32, #tpu.memory_space<vmem_shared>>
      tpu.enqueue_dma source(%arg12 : memref<200x64xf32, #tpu.memory_space<vmem>>) target(%dma_start3A_68 : memref<200x64xf32, #tpu.memory_space<vmem_shared>>) target_semaphore(%run_scoped3A : memref<!tpu.dma_semaphore, #tpu.memory_space<semaphore_mem>>)
      %dma_wait3A = arith.constant 0 : i32
      %dma_wait3A_69 = tpu.memref_slice %arg14[%mul3A_5, %dma_wait3A] : memref<10000x64xf32, #tpu.memory_space<vmem_shared>> -> memref<200x64xf32, #tpu.memory_space<vmem_shared>>
      %dma_wait3A_70 = arith.constant 0 : i32
      %dma_wait3A_71 = tpu.memref_slice %arg14[%mul3A_5, %dma_wait3A_70] : memref<10000x64xf32, #tpu.memory_space<vmem_shared>> -> memref<200x64xf32, #tpu.memory_space<vmem_shared>>
      tpu.wait_dma2 semaphore(%run_scoped3A : memref<!tpu.dma_semaphore, #tpu.memory_space<semaphore_mem>>) src(%arg12 : memref<200x64xf32, #tpu.memory_space<vmem>>) dst(%dma_wait3A_71 : memref<200x64xf32, #tpu.memory_space<vmem_shared>>)
      tpu.yield
    }) : () -> ()
    %add3A_6 = arith.constant 32 : i32
    %add3A_7 = arith.addi %arg1, %add3A_6 : i32
    %mul3A_8 = arith.constant 200 : i32
    %mul3A_9 = arith.muli %add3A_7, %mul3A_8 : i32
    "tpu.region"() ({
      %run_scoped3A = tpu.sem_alloc : memref<!tpu.dma_semaphore, #tpu.memory_space<semaphore_mem>>
      %dma_start3A = arith.constant 0 : i32
      %dma_start3A_66 = tpu.memref_slice %arg14[%mul3A_9, %dma_start3A] : memref<10000x64xf32, #tpu.memory_space<vmem_shared>> -> memref<200x64xf32, #tpu.memory_space<vmem_shared>>
      %dma_start3A_67 = arith.constant 0 : i32
      %dma_start3A_68 = tpu.memref_slice %arg14[%mul3A_9, %dma_start3A_67] : memref<10000x64xf32, #tpu.memory_space<vmem_shared>> -> memref<200x64xf32, #tpu.memory_space<vmem_shared>>
      tpu.enqueue_dma source(%arg12 : memref<200x64xf32, #tpu.memory_space<vmem>>) target(%dma_start3A_68 : memref<200x64xf32, #tpu.memory_space<vmem_shared>>) target_semaphore(%run_scoped3A : memref<!tpu.dma_semaphore, #tpu.memory_space<semaphore_mem>>)
      %dma_wait3A = arith.constant 0 : i32
      %dma_wait3A_69 = tpu.memref_slice %arg14[%mul3A_9, %dma_wait3A] : memref<10000x64xf32, #tpu.memory_space<vmem_shared>> -> memref<200x64xf32, #tpu.memory_space<vmem_shared>>
      %dma_wait3A_70 = arith.constant 0 : i32
      %dma_wait3A_71 = tpu.memref_slice %arg14[%mul3A_9, %dma_wait3A_70] : memref<10000x64xf32, #tpu.memory_space<vmem_shared>> -> memref<200x64xf32, #tpu.memory_space<vmem_shared>>
      tpu.wait_dma2 semaphore(%run_scoped3A : memref<!tpu.dma_semaphore, #tpu.memory_space<semaphore_mem>>) src(%arg12 : memref<200x64xf32, #tpu.memory_space<vmem>>) dst(%dma_wait3A_71 : memref<200x64xf32, #tpu.memory_space<vmem_shared>>)
      tpu.yield
    }) : () -> ()
    %add3A_10 = arith.constant 48 : i32
    %add3A_11 = arith.addi %arg1, %add3A_10 : i32
    %lt3A = arith.constant 50 : i32
    %lt3A_12 = arith.cmpi slt, %add3A_11, %lt3A : i32
    %convert_element_type3A = arith.extui %lt3A_12 : i1 to i32
    %cond3A = arith.constant 0 : i32
    %cond3A_13 = arith.cmpi ne, %convert_element_type3A, %cond3A : i32
    scf.if %cond3A_13 {
      %mul3A_66 = arith.constant 200 : i32
      %mul3A_67 = arith.muli %add3A_11, %mul3A_66 : i32
      "tpu.region"() ({
        %run_scoped3A = tpu.sem_alloc : memref<!tpu.dma_semaphore, #tpu.memory_space<semaphore_mem>>
        %dma_start3A = arith.constant 0 : i32
        %dma_start3A_68 = tpu.memref_slice %arg14[%mul3A_67, %dma_start3A] : memref<10000x64xf32, #tpu.memory_space<vmem_shared>> -> memref<200x64xf32, #tpu.memory_space<vmem_shared>>
        %dma_start3A_69 = arith.constant 0 : i32
        %dma_start3A_70 = tpu.memref_slice %arg14[%mul3A_67, %dma_start3A_69] : memref<10000x64xf32, #tpu.memory_space<vmem_shared>> -> memref<200x64xf32, #tpu.memory_space<vmem_shared>>
        tpu.enqueue_dma source(%arg12 : memref<200x64xf32, #tpu.memory_space<vmem>>) target(%dma_start3A_70 : memref<200x64xf32, #tpu.memory_space<vmem_shared>>) target_semaphore(%run_scoped3A : memref<!tpu.dma_semaphore, #tpu.memory_space<semaphore_mem>>)
        %dma_wait3A = arith.constant 0 : i32
        %dma_wait3A_71 = tpu.memref_slice %arg14[%mul3A_67, %dma_wait3A] : memref<10000x64xf32, #tpu.memory_space<vmem_shared>> -> memref<200x64xf32, #tpu.memory_space<vmem_shared>>
        %dma_wait3A_72 = arith.constant 0 : i32
        %dma_wait3A_73 = tpu.memref_slice %arg14[%mul3A_67, %dma_wait3A_72] : memref<10000x64xf32, #tpu.memory_space<vmem_shared>> -> memref<200x64xf32, #tpu.memory_space<vmem_shared>>
        tpu.wait_dma2 semaphore(%run_scoped3A : memref<!tpu.dma_semaphore, #tpu.memory_space<semaphore_mem>>) src(%arg12 : memref<200x64xf32, #tpu.memory_space<vmem>>) dst(%dma_wait3A_73 : memref<200x64xf32, #tpu.memory_space<vmem_shared>>)
        tpu.yield
      }) : () -> ()
    } else {
    }
    %barrier3A = arith.constant 0 : index
    tpu.barrier barrier_id(%barrier3A)
    %scan3A = arith.constant 0 : i32
    %scan3A_14 = arith.constant 0 : i32
    %scan3A_15 = arith.constant 125 : i32
    %scan3A_16 = arith.addi %scan3A_14, %scan3A_15 : i32
    %scan3A_17 = arith.constant 1 : i32
    scf.for %scan3A_66 = %scan3A_14 to %scan3A_16 step %scan3A_17  : i32 {
      %mul3A_67 = arith.constant 160000 : i32
      %mul3A_68 = arith.muli %arg0, %mul3A_67 : i32
      %mul3A_69 = arith.constant 10000 : i32
      %mul3A_70 = arith.muli %arg1, %mul3A_69 : i32
      %add3A_71 = arith.addi %mul3A_68, %mul3A_70 : i32
      %mul3A_72 = arith.constant 80 : i32
      %mul3A_73 = arith.muli %scan3A_66, %mul3A_72 : i32
      %add3A_74 = arith.addi %add3A_71, %mul3A_73 : i32
      "tpu.region"() ({
        %run_scoped3A = tpu.sem_alloc : memref<!tpu.dma_semaphore, #tpu.memory_space<semaphore_mem>>
        %dma_start3A_79 = tpu.memref_slice %arg3[%add3A_74] : memref<320000xi32, #tpu.memory_space<hbm>> -> memref<80xi32, #tpu.memory_space<hbm>>
        %dma_start3A_80 = tpu.memref_slice %arg3[%add3A_74] : memref<320000xi32, #tpu.memory_space<hbm>> -> memref<80xi32, #tpu.memory_space<hbm>>
        tpu.enqueue_dma source(%dma_start3A_80 : memref<80xi32, #tpu.memory_space<hbm>>) target(%arg8 : memref<80xi32, #tpu.memory_space<vmem>>) target_semaphore(%run_scoped3A : memref<!tpu.dma_semaphore, #tpu.memory_space<semaphore_mem>>)
        %dma_wait3A_81 = tpu.memref_slice %arg3[%add3A_74] : memref<320000xi32, #tpu.memory_space<hbm>> -> memref<80xi32, #tpu.memory_space<hbm>>
        %dma_wait3A_82 = tpu.memref_slice %arg3[%add3A_74] : memref<320000xi32, #tpu.memory_space<hbm>> -> memref<80xi32, #tpu.memory_space<hbm>>
        tpu.wait_dma2 semaphore(%run_scoped3A : memref<!tpu.dma_semaphore, #tpu.memory_space<semaphore_mem>>) src(%dma_wait3A_82 : memref<80xi32, #tpu.memory_space<hbm>>) dst(%arg8 : memref<80xi32, #tpu.memory_space<vmem>>)
        tpu.yield
      }) : () -> ()
      "tpu.region"() ({
        %run_scoped3A = tpu.sem_alloc : memref<!tpu.dma_semaphore, #tpu.memory_space<semaphore_mem>>
        %dma_start3A_79 = tpu.memref_slice %arg4[%add3A_74] : memref<320000xi32, #tpu.memory_space<hbm>> -> memref<80xi32, #tpu.memory_space<hbm>>
        %dma_start3A_80 = tpu.memref_slice %arg4[%add3A_74] : memref<320000xi32, #tpu.memory_space<hbm>> -> memref<80xi32, #tpu.memory_space<hbm>>
        tpu.enqueue_dma source(%dma_start3A_80 : memref<80xi32, #tpu.memory_space<hbm>>) target(%arg9 : memref<80xi32, #tpu.memory_space<vmem>>) target_semaphore(%run_scoped3A : memref<!tpu.dma_semaphore, #tpu.memory_space<semaphore_mem>>)
        %dma_wait3A_81 = tpu.memref_slice %arg4[%add3A_74] : memref<320000xi32, #tpu.memory_space<hbm>> -> memref<80xi32, #tpu.memory_space<hbm>>
        %dma_wait3A_82 = tpu.memref_slice %arg4[%add3A_74] : memref<320000xi32, #tpu.memory_space<hbm>> -> memref<80xi32, #tpu.memory_space<hbm>>
        tpu.wait_dma2 semaphore(%run_scoped3A : memref<!tpu.dma_semaphore, #tpu.memory_space<semaphore_mem>>) src(%dma_wait3A_82 : memref<80xi32, #tpu.memory_space<hbm>>) dst(%arg9 : memref<80xi32, #tpu.memory_space<vmem>>)
        tpu.yield
      }) : () -> ()
      %dma_start3A = arith.constant 0 : i32
      %dma_start3A_75 = arith.constant 0 : i32
      %dma_start3A_76 = tpu.memref_slice %arg2[%dma_start3A, %dma_start3A_75] : memref<10000x64xf32, #tpu.memory_space<hbm>> -> memref<10000x64xf32, #tpu.memory_space<hbm>>
      tpu.enqueue_indirect_dma source(%dma_start3A_76 : memref<10000x64xf32, #tpu.memory_space<hbm>>) target(%arg10 : memref<80x64xf32, #tpu.memory_space<vmem>>) offsets(%arg8 : memref<80xi32, #tpu.memory_space<vmem>>) semaphore(%arg15 : memref<!tpu.dma_semaphore, #tpu.memory_space<semaphore_mem>>)
      %dma_wait3A = arith.constant 0 : i32
      %dma_wait3A_77 = arith.constant 0 : i32
      %dma_wait3A_78 = tpu.memref_slice %arg2[%dma_wait3A, %dma_wait3A_77] : memref<10000x64xf32, #tpu.memory_space<hbm>> -> memref<10000x64xf32, #tpu.memory_space<hbm>>
      tpu.wait_indirect_dma semaphore(%arg15 : memref<!tpu.dma_semaphore, #tpu.memory_space<semaphore_mem>>) src(%dma_wait3A_78 : memref<10000x64xf32, #tpu.memory_space<hbm>>) dst(%arg10 : memref<80x64xf32, #tpu.memory_space<vmem>>)
      "tpu.region"() ({
        %run_scoped3A = tpu.sem_alloc : memref<!tpu.dma_semaphore, #tpu.memory_space<semaphore_mem>>
        %dma_start3A_79 = arith.constant 0 : i32
        %dma_start3A_80 = arith.constant 0 : i32
        %dma_start3A_81 = tpu.memref_slice %arg14[%dma_start3A_79, %dma_start3A_80] : memref<10000x64xf32, #tpu.memory_space<vmem_shared>> -> memref<10000x64xf32, #tpu.memory_space<vmem_shared>>
        tpu.enqueue_indirect_dma source(%arg10 : memref<80x64xf32, #tpu.memory_space<vmem>>) target(%dma_start3A_81 : memref<10000x64xf32, #tpu.memory_space<vmem_shared>>) offsets(%arg9 : memref<80xi32, #tpu.memory_space<vmem>>) semaphore(%run_scoped3A : memref<!tpu.dma_semaphore, #tpu.memory_space<semaphore_mem>>) {add = true}
        %dma_wait3A_82 = arith.constant 0 : i32
        %dma_wait3A_83 = arith.constant 0 : i32
        %dma_wait3A_84 = tpu.memref_slice %arg14[%dma_wait3A_82, %dma_wait3A_83] : memref<10000x64xf32, #tpu.memory_space<vmem_shared>> -> memref<10000x64xf32, #tpu.memory_space<vmem_shared>>
        tpu.wait_indirect_dma semaphore(%run_scoped3A : memref<!tpu.dma_semaphore, #tpu.memory_space<semaphore_mem>>) src(%arg10 : memref<80x64xf32, #tpu.memory_space<vmem>>) dst(%dma_wait3A_84 : memref<10000x64xf32, #tpu.memory_space<vmem_shared>>)
        tpu.yield
      }) : () -> ()
    }
    %scan3A_18 = arith.constant 125 : i32
    %barrier3A_19 = arith.constant 0 : index
    tpu.barrier barrier_id(%barrier3A_19)
    %add3A_20 = arith.constant 0 : i32
    %add3A_21 = arith.addi %arg1, %add3A_20 : i32
    %mul3A_22 = arith.constant 200 : i32
    %mul3A_23 = arith.muli %add3A_21, %mul3A_22 : i32
    "tpu.region"() ({
      %run_scoped3A = tpu.sem_alloc : memref<!tpu.dma_semaphore, #tpu.memory_space<semaphore_mem>>
      %dma_start3A = arith.constant 0 : i32
      %dma_start3A_66 = tpu.memref_slice %arg14[%mul3A_23, %dma_start3A] : memref<10000x64xf32, #tpu.memory_space<vmem_shared>> -> memref<200x64xf32, #tpu.memory_space<vmem_shared>>
      %dma_start3A_67 = arith.constant 0 : i32
      %dma_start3A_68 = tpu.memref_slice %arg14[%mul3A_23, %dma_start3A_67] : memref<10000x64xf32, #tpu.memory_space<vmem_shared>> -> memref<200x64xf32, #tpu.memory_space<vmem_shared>>
      tpu.enqueue_dma source(%dma_start3A_68 : memref<200x64xf32, #tpu.memory_space<vmem_shared>>) target(%arg11 : memref<200x64xf32, #tpu.memory_space<vmem>>) target_semaphore(%run_scoped3A : memref<!tpu.dma_semaphore, #tpu.memory_space<semaphore_mem>>)
      %dma_wait3A = arith.constant 0 : i32
      %dma_wait3A_69 = tpu.memref_slice %arg14[%mul3A_23, %dma_wait3A] : memref<10000x64xf32, #tpu.memory_space<vmem_shared>> -> memref<200x64xf32, #tpu.memory_space<vmem_shared>>
      %dma_wait3A_70 = arith.constant 0 : i32
      %dma_wait3A_71 = tpu.memref_slice %arg14[%mul3A_23, %dma_wait3A_70] : memref<10000x64xf32, #tpu.memory_space<vmem_shared>> -> memref<200x64xf32, #tpu.memory_space<vmem_shared>>
      tpu.wait_dma2 semaphore(%run_scoped3A : memref<!tpu.dma_semaphore, #tpu.memory_space<semaphore_mem>>) src(%dma_wait3A_71 : memref<200x64xf32, #tpu.memory_space<vmem_shared>>) dst(%arg11 : memref<200x64xf32, #tpu.memory_space<vmem>>)
      tpu.yield
    }) : () -> ()
    "tpu.region"() ({
      %run_scoped3A = tpu.sem_alloc : memref<!tpu.dma_semaphore, #tpu.memory_space<semaphore_mem>>
      %dma_start3A = arith.constant 0 : i32
      %dma_start3A_66 = tpu.memref_slice %arg6[%mul3A_23, %dma_start3A] : memref<10000x16xf32, #tpu.memory_space<hbm>> -> memref<200x16xf32, #tpu.memory_space<hbm>>
      %dma_start3A_67 = arith.constant 0 : i32
      %dma_start3A_68 = tpu.memref_slice %arg6[%mul3A_23, %dma_start3A_67] : memref<10000x16xf32, #tpu.memory_space<hbm>> -> memref<200x16xf32, #tpu.memory_space<hbm>>
      tpu.enqueue_dma source(%dma_start3A_68 : memref<200x16xf32, #tpu.memory_space<hbm>>) target(%arg13 : memref<200x16xf32, #tpu.memory_space<vmem>>) target_semaphore(%run_scoped3A : memref<!tpu.dma_semaphore, #tpu.memory_space<semaphore_mem>>)
      %dma_wait3A = arith.constant 0 : i32
      %dma_wait3A_69 = tpu.memref_slice %arg6[%mul3A_23, %dma_wait3A] : memref<10000x16xf32, #tpu.memory_space<hbm>> -> memref<200x16xf32, #tpu.memory_space<hbm>>
      %dma_wait3A_70 = arith.constant 0 : i32
      %dma_wait3A_71 = tpu.memref_slice %arg6[%mul3A_23, %dma_wait3A_70] : memref<10000x16xf32, #tpu.memory_space<hbm>> -> memref<200x16xf32, #tpu.memory_space<hbm>>
      tpu.wait_dma2 semaphore(%run_scoped3A : memref<!tpu.dma_semaphore, #tpu.memory_space<semaphore_mem>>) src(%dma_wait3A_71 : memref<200x16xf32, #tpu.memory_space<hbm>>) dst(%arg13 : memref<200x16xf32, #tpu.memory_space<vmem>>)
      tpu.yield
    }) : () -> ()
    %scan3A_24 = arith.constant 0 : i32
    %scan3A_25 = arith.constant 0 : i32
    %scan3A_26 = arith.constant 200 : i32
    %scan3A_27 = arith.addi %scan3A_25, %scan3A_26 : i32
    %scan3A_28 = arith.constant 1 : i32
    scf.for %scan3A_66 = %scan3A_25 to %scan3A_27 step %scan3A_28  : i32 {
      %get3A = arith.index_cast %scan3A_66 : i32 to index
      %get3A_67 = arith.constant 0 : index
      %get3A_68 = tpu.vector_load %arg13[%get3A, %get3A_67] {strides = array<i32>} : memref<200x16xf32, #tpu.memory_space<vmem>>, vector<1x16xf32>,
      %get3A_69 = vector.shape_cast %get3A_68 : vector<1x16xf32> to vector<16xf32>
      %get3A_70 = arith.index_cast %scan3A_66 : i32 to index
      %get3A_71 = arith.constant 0 : index
      %get3A_72 = tpu.vector_load %arg11[%get3A_70, %get3A_71] {strides = array<i32>} : memref<200x64xf32, #tpu.memory_space<vmem>>, vector<1x16xf32>,
      %get3A_73 = vector.shape_cast %get3A_72 : vector<1x16xf32> to vector<16xf32>
      %mul3A_74 = arith.mulf %get3A_73, %get3A_69 : vector<16xf32>
      %swap3A = arith.index_cast %scan3A_66 : i32 to index
      %swap3A_75 = arith.constant 0 : index
      %swap3A_76 = tpu.vector_load %arg11[%swap3A, %swap3A_75] {strides = array<i32>} : memref<200x64xf32, #tpu.memory_space<vmem>>, vector<1x16xf32>,
      %swap3A_77 = vector.shape_cast %swap3A_76 : vector<1x16xf32> to vector<16xf32>
      %swap3A_78 = vector.shape_cast %mul3A_74 : vector<16xf32> to vector<1x16xf32>
      tpu.vector_store %arg11[%swap3A, %swap3A_75], %swap3A_78 {strides = array<i32>} : memref<200x64xf32, #tpu.memory_space<vmem>>, vector<1x16xf32>,
      %get3A_79 = arith.index_cast %scan3A_66 : i32 to index
      %get3A_80 = arith.constant 16 : index
      %get3A_81 = tpu.vector_load %arg11[%get3A_79, %get3A_80] {strides = array<i32>} : memref<200x64xf32, #tpu.memory_space<vmem>>, vector<1x16xf32>,
      %get3A_82 = vector.shape_cast %get3A_81 : vector<1x16xf32> to vector<16xf32>
      %mul3A_83 = arith.mulf %get3A_82, %get3A_69 : vector<16xf32>
      %swap3A_84 = arith.index_cast %scan3A_66 : i32 to index
      %swap3A_85 = arith.constant 16 : index
      %swap3A_86 = tpu.vector_load %arg11[%swap3A_84, %swap3A_85] {strides = array<i32>} : memref<200x64xf32, #tpu.memory_space<vmem>>, vector<1x16xf32>,
      %swap3A_87 = vector.shape_cast %swap3A_86 : vector<1x16xf32> to vector<16xf32>
      %swap3A_88 = vector.shape_cast %mul3A_83 : vector<16xf32> to vector<1x16xf32>
      tpu.vector_store %arg11[%swap3A_84, %swap3A_85], %swap3A_88 {strides = array<i32>} : memref<200x64xf32, #tpu.memory_space<vmem>>, vector<1x16xf32>,
      %get3A_89 = arith.index_cast %scan3A_66 : i32 to index
      %get3A_90 = arith.constant 32 : index
      %get3A_91 = tpu.vector_load %arg11[%get3A_89, %get3A_90] {strides = array<i32>} : memref<200x64xf32, #tpu.memory_space<vmem>>, vector<1x16xf32>,
      %get3A_92 = vector.shape_cast %get3A_91 : vector<1x16xf32> to vector<16xf32>
      %mul3A_93 = arith.mulf %get3A_92, %get3A_69 : vector<16xf32>
      %swap3A_94 = arith.index_cast %scan3A_66 : i32 to index
      %swap3A_95 = arith.constant 32 : index
      %swap3A_96 = tpu.vector_load %arg11[%swap3A_94, %swap3A_95] {strides = array<i32>} : memref<200x64xf32, #tpu.memory_space<vmem>>, vector<1x16xf32>,
      %swap3A_97 = vector.shape_cast %swap3A_96 : vector<1x16xf32> to vector<16xf32>
      %swap3A_98 = vector.shape_cast %mul3A_93 : vector<16xf32> to vector<1x16xf32>
      tpu.vector_store %arg11[%swap3A_94, %swap3A_95], %swap3A_98 {strides = array<i32>} : memref<200x64xf32, #tpu.memory_space<vmem>>, vector<1x16xf32>,
      %get3A_99 = arith.index_cast %scan3A_66 : i32 to index
      %get3A_100 = arith.constant 48 : index
      %get3A_101 = tpu.vector_load %arg11[%get3A_99, %get3A_100] {strides = array<i32>} : memref<200x64xf32, #tpu.memory_space<vmem>>, vector<1x16xf32>,
      %get3A_102 = vector.shape_cast %get3A_101 : vector<1x16xf32> to vector<16xf32>
      %mul3A_103 = arith.mulf %get3A_102, %get3A_69 : vector<16xf32>
      %swap3A_104 = arith.index_cast %scan3A_66 : i32 to index
      %swap3A_105 = arith.constant 48 : index
      %swap3A_106 = tpu.vector_load %arg11[%swap3A_104, %swap3A_105] {strides = array<i32>} : memref<200x64xf32, #tpu.memory_space<vmem>>, vector<1x16xf32>,
      %swap3A_107 = vector.shape_cast %swap3A_106 : vector<1x16xf32> to vector<16xf32>
      %swap3A_108 = vector.shape_cast %mul3A_103 : vector<16xf32> to vector<1x16xf32>
      tpu.vector_store %arg11[%swap3A_104, %swap3A_105], %swap3A_108 {strides = array<i32>} : memref<200x64xf32, #tpu.memory_space<vmem>>, vector<1x16xf32>,
    }
    %scan3A_29 = arith.constant 200 : i32
    %mul3A_30 = arith.constant 10000 : i32
    %mul3A_31 = arith.muli %arg0, %mul3A_30 : i32
    %add3A_32 = arith.addi %mul3A_31, %mul3A_23 : i32
    "tpu.region"() ({
      %run_scoped3A = tpu.sem_alloc : memref<!tpu.dma_semaphore, #tpu.memory_space<semaphore_mem>>
      %dma_start3A = arith.constant 0 : i32
      %dma_start3A_66 = tpu.memref_slice %arg7[%add3A_32, %dma_start3A] : memref<20000x64xf32, #tpu.memory_space<hbm>> -> memref<200x64xf32, #tpu.memory_space<hbm>>
      %dma_start3A_67 = arith.constant 0 : i32
      %dma_start3A_68 = tpu.memref_slice %arg7[%add3A_32, %dma_start3A_67] : memref<20000x64xf32, #tpu.memory_space<hbm>> -> memref<200x64xf32, #tpu.memory_space<hbm>>
      tpu.enqueue_dma source(%arg11 : memref<200x64xf32, #tpu.memory_space<vmem>>) target(%dma_start3A_68 : memref<200x64xf32, #tpu.memory_space<hbm>>) target_semaphore(%run_scoped3A : memref<!tpu.dma_semaphore, #tpu.memory_space<semaphore_mem>>)
      %dma_wait3A = arith.constant 0 : i32
      %dma_wait3A_69 = tpu.memref_slice %arg7[%add3A_32, %dma_wait3A] : memref<20000x64xf32, #tpu.memory_space<hbm>> -> memref<200x64xf32, #tpu.memory_space<hbm>>
      %dma_wait3A_70 = arith.constant 0 : i32
      %dma_wait3A_71 = tpu.memref_slice %arg7[%add3A_32, %dma_wait3A_70] : memref<20000x64xf32, #tpu.memory_space<hbm>> -> memref<200x64xf32, #tpu.memory_space<hbm>>
      tpu.wait_dma2 semaphore(%run_scoped3A : memref<!tpu.dma_semaphore, #tpu.memory_space<semaphore_mem>>) src(%arg11 : memref<200x64xf32, #tpu.memory_space<vmem>>) dst(%dma_wait3A_71 : memref<200x64xf32, #tpu.memory_space<hbm>>)
      tpu.yield
    }) : () -> ()
    %add3A_33 = arith.constant 16 : i32
    %add3A_34 = arith.addi %arg1, %add3A_33 : i32
    %mul3A_35 = arith.constant 200 : i32
    %mul3A_36 = arith.muli %add3A_34, %mul3A_35 : i32
    "tpu.region"() ({
      %run_scoped3A = tpu.sem_alloc : memref<!tpu.dma_semaphore, #tpu.memory_space<semaphore_mem>>
      %dma_start3A = arith.constant 0 : i32
      %dma_start3A_66 = tpu.memref_slice %arg14[%mul3A_36, %dma_start3A] : memref<10000x64xf32, #tpu.memory_space<vmem_shared>> -> memref<200x64xf32, #tpu.memory_space<vmem_shared>>
      %dma_start3A_67 = arith.constant 0 : i32
      %dma_start3A_68 = tpu.memref_slice %arg14[%mul3A_36, %dma_start3A_67] : memref<10000x64xf32, #tpu.memory_space<vmem_shared>> -> memref<200x64xf32, #tpu.memory_space<vmem_shared>>
      tpu.enqueue_dma source(%dma_start3A_68 : memref<200x64xf32, #tpu.memory_space<vmem_shared>>) target(%arg11 : memref<200x64xf32, #tpu.memory_space<vmem>>) target_semaphore(%run_scoped3A : memref<!tpu.dma_semaphore, #tpu.memory_space<semaphore_mem>>)
      %dma_wait3A = arith.constant 0 : i32
      %dma_wait3A_69 = tpu.memref_slice %arg14[%mul3A_36, %dma_wait3A] : memref<10000x64xf32, #tpu.memory_space<vmem_shared>> -> memref<200x64xf32, #tpu.memory_space<vmem_shared>>
      %dma_wait3A_70 = arith.constant 0 : i32
      %dma_wait3A_71 = tpu.memref_slice %arg14[%mul3A_36, %dma_wait3A_70] : memref<10000x64xf32, #tpu.memory_space<vmem_shared>> -> memref<200x64xf32, #tpu.memory_space<vmem_shared>>
      tpu.wait_dma2 semaphore(%run_scoped3A : memref<!tpu.dma_semaphore, #tpu.memory_space<semaphore_mem>>) src(%dma_wait3A_71 : memref<200x64xf32, #tpu.memory_space<vmem_shared>>) dst(%arg11 : memref<200x64xf32, #tpu.memory_space<vmem>>)
      tpu.yield
    }) : () -> ()
    "tpu.region"() ({
      %run_scoped3A = tpu.sem_alloc : memref<!tpu.dma_semaphore, #tpu.memory_space<semaphore_mem>>
      %dma_start3A = arith.constant 0 : i32
      %dma_start3A_66 = tpu.memref_slice %arg6[%mul3A_36, %dma_start3A] : memref<10000x16xf32, #tpu.memory_space<hbm>> -> memref<200x16xf32, #tpu.memory_space<hbm>>
      %dma_start3A_67 = arith.constant 0 : i32
      %dma_start3A_68 = tpu.memref_slice %arg6[%mul3A_36, %dma_start3A_67] : memref<10000x16xf32, #tpu.memory_space<hbm>> -> memref<200x16xf32, #tpu.memory_space<hbm>>
      tpu.enqueue_dma source(%dma_start3A_68 : memref<200x16xf32, #tpu.memory_space<hbm>>) target(%arg13 : memref<200x16xf32, #tpu.memory_space<vmem>>) target_semaphore(%run_scoped3A : memref<!tpu.dma_semaphore, #tpu.memory_space<semaphore_mem>>)
      %dma_wait3A = arith.constant 0 : i32
      %dma_wait3A_69 = tpu.memref_slice %arg6[%mul3A_36, %dma_wait3A] : memref<10000x16xf32, #tpu.memory_space<hbm>> -> memref<200x16xf32, #tpu.memory_space<hbm>>
      %dma_wait3A_70 = arith.constant 0 : i32
      %dma_wait3A_71 = tpu.memref_slice %arg6[%mul3A_36, %dma_wait3A_70] : memref<10000x16xf32, #tpu.memory_space<hbm>> -> memref<200x16xf32, #tpu.memory_space<hbm>>
      tpu.wait_dma2 semaphore(%run_scoped3A : memref<!tpu.dma_semaphore, #tpu.memory_space<semaphore_mem>>) src(%dma_wait3A_71 : memref<200x16xf32, #tpu.memory_space<hbm>>) dst(%arg13 : memref<200x16xf32, #tpu.memory_space<vmem>>)
      tpu.yield
    }) : () -> ()
    %scan3A_37 = arith.constant 0 : i32
    %scan3A_38 = arith.constant 0 : i32
    %scan3A_39 = arith.constant 200 : i32
    %scan3A_40 = arith.addi %scan3A_38, %scan3A_39 : i32
    %scan3A_41 = arith.constant 1 : i32
    scf.for %scan3A_66 = %scan3A_38 to %scan3A_40 step %scan3A_41  : i32 {
      %get3A = arith.index_cast %scan3A_66 : i32 to index
      %get3A_67 = arith.constant 0 : index
      %get3A_68 = tpu.vector_load %arg13[%get3A, %get3A_67] {strides = array<i32>} : memref<200x16xf32, #tpu.memory_space<vmem>>, vector<1x16xf32>,
      %get3A_69 = vector.shape_cast %get3A_68 : vector<1x16xf32> to vector<16xf32>
      %get3A_70 = arith.index_cast %scan3A_66 : i32 to index
      %get3A_71 = arith.constant 0 : index
      %get3A_72 = tpu.vector_load %arg11[%get3A_70, %get3A_71] {strides = array<i32>} : memref<200x64xf32, #tpu.memory_space<vmem>>, vector<1x16xf32>,
      %get3A_73 = vector.shape_cast %get3A_72 : vector<1x16xf32> to vector<16xf32>
      %mul3A_74 = arith.mulf %get3A_73, %get3A_69 : vector<16xf32>
      %swap3A = arith.index_cast %scan3A_66 : i32 to index
      %swap3A_75 = arith.constant 0 : index
      %swap3A_76 = tpu.vector_load %arg11[%swap3A, %swap3A_75] {strides = array<i32>} : memref<200x64xf32, #tpu.memory_space<vmem>>, vector<1x16xf32>,
      %swap3A_77 = vector.shape_cast %swap3A_76 : vector<1x16xf32> to vector<16xf32>
      %swap3A_78 = vector.shape_cast %mul3A_74 : vector<16xf32> to vector<1x16xf32>
      tpu.vector_store %arg11[%swap3A, %swap3A_75], %swap3A_78 {strides = array<i32>} : memref<200x64xf32, #tpu.memory_space<vmem>>, vector<1x16xf32>,
      %get3A_79 = arith.index_cast %scan3A_66 : i32 to index
      %get3A_80 = arith.constant 16 : index
      %get3A_81 = tpu.vector_load %arg11[%get3A_79, %get3A_80] {strides = array<i32>} : memref<200x64xf32, #tpu.memory_space<vmem>>, vector<1x16xf32>,
      %get3A_82 = vector.shape_cast %get3A_81 : vector<1x16xf32> to vector<16xf32>
      %mul3A_83 = arith.mulf %get3A_82, %get3A_69 : vector<16xf32>
      %swap3A_84 = arith.index_cast %scan3A_66 : i32 to index
      %swap3A_85 = arith.constant 16 : index
      %swap3A_86 = tpu.vector_load %arg11[%swap3A_84, %swap3A_85] {strides = array<i32>} : memref<200x64xf32, #tpu.memory_space<vmem>>, vector<1x16xf32>,
      %swap3A_87 = vector.shape_cast %swap3A_86 : vector<1x16xf32> to vector<16xf32>
      %swap3A_88 = vector.shape_cast %mul3A_83 : vector<16xf32> to vector<1x16xf32>
      tpu.vector_store %arg11[%swap3A_84, %swap3A_85], %swap3A_88 {strides = array<i32>} : memref<200x64xf32, #tpu.memory_space<vmem>>, vector<1x16xf32>,
      %get3A_89 = arith.index_cast %scan3A_66 : i32 to index
      %get3A_90 = arith.constant 32 : index
      %get3A_91 = tpu.vector_load %arg11[%get3A_89, %get3A_90] {strides = array<i32>} : memref<200x64xf32, #tpu.memory_space<vmem>>, vector<1x16xf32>,
      %get3A_92 = vector.shape_cast %get3A_91 : vector<1x16xf32> to vector<16xf32>
      %mul3A_93 = arith.mulf %get3A_92, %get3A_69 : vector<16xf32>
      %swap3A_94 = arith.index_cast %scan3A_66 : i32 to index
      %swap3A_95 = arith.constant 32 : index
      %swap3A_96 = tpu.vector_load %arg11[%swap3A_94, %swap3A_95] {strides = array<i32>} : memref<200x64xf32, #tpu.memory_space<vmem>>, vector<1x16xf32>,
      %swap3A_97 = vector.shape_cast %swap3A_96 : vector<1x16xf32> to vector<16xf32>
      %swap3A_98 = vector.shape_cast %mul3A_93 : vector<16xf32> to vector<1x16xf32>
      tpu.vector_store %arg11[%swap3A_94, %swap3A_95], %swap3A_98 {strides = array<i32>} : memref<200x64xf32, #tpu.memory_space<vmem>>, vector<1x16xf32>,
      %get3A_99 = arith.index_cast %scan3A_66 : i32 to index
      %get3A_100 = arith.constant 48 : index
      %get3A_101 = tpu.vector_load %arg11[%get3A_99, %get3A_100] {strides = array<i32>} : memref<200x64xf32, #tpu.memory_space<vmem>>, vector<1x16xf32>,
      %get3A_102 = vector.shape_cast %get3A_101 : vector<1x16xf32> to vector<16xf32>
      %mul3A_103 = arith.mulf %get3A_102, %get3A_69 : vector<16xf32>
      %swap3A_104 = arith.index_cast %scan3A_66 : i32 to index
      %swap3A_105 = arith.constant 48 : index
      %swap3A_106 = tpu.vector_load %arg11[%swap3A_104, %swap3A_105] {strides = array<i32>} : memref<200x64xf32, #tpu.memory_space<vmem>>, vector<1x16xf32>,
      %swap3A_107 = vector.shape_cast %swap3A_106 : vector<1x16xf32> to vector<16xf32>
      %swap3A_108 = vector.shape_cast %mul3A_103 : vector<16xf32> to vector<1x16xf32>
      tpu.vector_store %arg11[%swap3A_104, %swap3A_105], %swap3A_108 {strides = array<i32>} : memref<200x64xf32, #tpu.memory_space<vmem>>, vector<1x16xf32>,
    }
    %scan3A_42 = arith.constant 200 : i32
    %mul3A_43 = arith.constant 10000 : i32
    %mul3A_44 = arith.muli %arg0, %mul3A_43 : i32
    %add3A_45 = arith.addi %mul3A_44, %mul3A_36 : i32
    "tpu.region"() ({
      %run_scoped3A = tpu.sem_alloc : memref<!tpu.dma_semaphore, #tpu.memory_space<semaphore_mem>>
      %dma_start3A = arith.constant 0 : i32
      %dma_start3A_66 = tpu.memref_slice %arg7[%add3A_45, %dma_start3A] : memref<20000x64xf32, #tpu.memory_space<hbm>> -> memref<200x64xf32, #tpu.memory_space<hbm>>
      %dma_start3A_67 = arith.constant 0 : i32
      %dma_start3A_68 = tpu.memref_slice %arg7[%add3A_45, %dma_start3A_67] : memref<20000x64xf32, #tpu.memory_space<hbm>> -> memref<200x64xf32, #tpu.memory_space<hbm>>
      tpu.enqueue_dma source(%arg11 : memref<200x64xf32, #tpu.memory_space<vmem>>) target(%dma_start3A_68 : memref<200x64xf32, #tpu.memory_space<hbm>>) target_semaphore(%run_scoped3A : memref<!tpu.dma_semaphore, #tpu.memory_space<semaphore_mem>>)
      %dma_wait3A = arith.constant 0 : i32
      %dma_wait3A_69 = tpu.memref_slice %arg7[%add3A_45, %dma_wait3A] : memref<20000x64xf32, #tpu.memory_space<hbm>> -> memref<200x64xf32, #tpu.memory_space<hbm>>
      %dma_wait3A_70 = arith.constant 0 : i32
      %dma_wait3A_71 = tpu.memref_slice %arg7[%add3A_45, %dma_wait3A_70] : memref<20000x64xf32, #tpu.memory_space<hbm>> -> memref<200x64xf32, #tpu.memory_space<hbm>>
      tpu.wait_dma2 semaphore(%run_scoped3A : memref<!tpu.dma_semaphore, #tpu.memory_space<semaphore_mem>>) src(%arg11 : memref<200x64xf32, #tpu.memory_space<vmem>>) dst(%dma_wait3A_71 : memref<200x64xf32, #tpu.memory_space<hbm>>)
      tpu.yield
    }) : () -> ()
    %add3A_46 = arith.constant 32 : i32
    %add3A_47 = arith.addi %arg1, %add3A_46 : i32
    %mul3A_48 = arith.constant 200 : i32
    %mul3A_49 = arith.muli %add3A_47, %mul3A_48 : i32
    "tpu.region"() ({
      %run_scoped3A = tpu.sem_alloc : memref<!tpu.dma_semaphore, #tpu.memory_space<semaphore_mem>>
      %dma_start3A = arith.constant 0 : i32
      %dma_start3A_66 = tpu.memref_slice %arg14[%mul3A_49, %dma_start3A] : memref<10000x64xf32, #tpu.memory_space<vmem_shared>> -> memref<200x64xf32, #tpu.memory_space<vmem_shared>>
      %dma_start3A_67 = arith.constant 0 : i32
      %dma_start3A_68 = tpu.memref_slice %arg14[%mul3A_49, %dma_start3A_67] : memref<10000x64xf32, #tpu.memory_space<vmem_shared>> -> memref<200x64xf32, #tpu.memory_space<vmem_shared>>
      tpu.enqueue_dma source(%dma_start3A_68 : memref<200x64xf32, #tpu.memory_space<vmem_shared>>) target(%arg11 : memref<200x64xf32, #tpu.memory_space<vmem>>) target_semaphore(%run_scoped3A : memref<!tpu.dma_semaphore, #tpu.memory_space<semaphore_mem>>)
      %dma_wait3A = arith.constant 0 : i32
      %dma_wait3A_69 = tpu.memref_slice %arg14[%mul3A_49, %dma_wait3A] : memref<10000x64xf32, #tpu.memory_space<vmem_shared>> -> memref<200x64xf32, #tpu.memory_space<vmem_shared>>
      %dma_wait3A_70 = arith.constant 0 : i32
      %dma_wait3A_71 = tpu.memref_slice %arg14[%mul3A_49, %dma_wait3A_70] : memref<10000x64xf32, #tpu.memory_space<vmem_shared>> -> memref<200x64xf32, #tpu.memory_space<vmem_shared>>
      tpu.wait_dma2 semaphore(%run_scoped3A : memref<!tpu.dma_semaphore, #tpu.memory_space<semaphore_mem>>) src(%dma_wait3A_71 : memref<200x64xf32, #tpu.memory_space<vmem_shared>>) dst(%arg11 : memref<200x64xf32, #tpu.memory_space<vmem>>)
      tpu.yield
    }) : () -> ()
    "tpu.region"() ({
      %run_scoped3A = tpu.sem_alloc : memref<!tpu.dma_semaphore, #tpu.memory_space<semaphore_mem>>
      %dma_start3A = arith.constant 0 : i32
      %dma_start3A_66 = tpu.memref_slice %arg6[%mul3A_49, %dma_start3A] : memref<10000x16xf32, #tpu.memory_space<hbm>> -> memref<200x16xf32, #tpu.memory_space<hbm>>
      %dma_start3A_67 = arith.constant 0 : i32
      %dma_start3A_68 = tpu.memref_slice %arg6[%mul3A_49, %dma_start3A_67] : memref<10000x16xf32, #tpu.memory_space<hbm>> -> memref<200x16xf32, #tpu.memory_space<hbm>>
      tpu.enqueue_dma source(%dma_start3A_68 : memref<200x16xf32, #tpu.memory_space<hbm>>) target(%arg13 : memref<200x16xf32, #tpu.memory_space<vmem>>) target_semaphore(%run_scoped3A : memref<!tpu.dma_semaphore, #tpu.memory_space<semaphore_mem>>)
      %dma_wait3A = arith.constant 0 : i32
      %dma_wait3A_69 = tpu.memref_slice %arg6[%mul3A_49, %dma_wait3A] : memref<10000x16xf32, #tpu.memory_space<hbm>> -> memref<200x16xf32, #tpu.memory_space<hbm>>
      %dma_wait3A_70 = arith.constant 0 : i32
      %dma_wait3A_71 = tpu.memref_slice %arg6[%mul3A_49, %dma_wait3A_70] : memref<10000x16xf32, #tpu.memory_space<hbm>> -> memref<200x16xf32, #tpu.memory_space<hbm>>
      tpu.wait_dma2 semaphore(%run_scoped3A : memref<!tpu.dma_semaphore, #tpu.memory_space<semaphore_mem>>) src(%dma_wait3A_71 : memref<200x16xf32, #tpu.memory_space<hbm>>) dst(%arg13 : memref<200x16xf32, #tpu.memory_space<vmem>>)
      tpu.yield
    }) : () -> ()
    %scan3A_50 = arith.constant 0 : i32
    %scan3A_51 = arith.constant 0 : i32
    %scan3A_52 = arith.constant 200 : i32
    %scan3A_53 = arith.addi %scan3A_51, %scan3A_52 : i32
    %scan3A_54 = arith.constant 1 : i32
    scf.for %scan3A_66 = %scan3A_51 to %scan3A_53 step %scan3A_54  : i32 {
      %get3A = arith.index_cast %scan3A_66 : i32 to index
      %get3A_67 = arith.constant 0 : index
      %get3A_68 = tpu.vector_load %arg13[%get3A, %get3A_67] {strides = array<i32>} : memref<200x16xf32, #tpu.memory_space<vmem>>, vector<1x16xf32>,
      %get3A_69 = vector.shape_cast %get3A_68 : vector<1x16xf32> to vector<16xf32>
      %get3A_70 = arith.index_cast %scan3A_66 : i32 to index
      %get3A_71 = arith.constant 0 : index
      %get3A_72 = tpu.vector_load %arg11[%get3A_70, %get3A_71] {strides = array<i32>} : memref<200x64xf32, #tpu.memory_space<vmem>>, vector<1x16xf32>,
      %get3A_73 = vector.shape_cast %get3A_72 : vector<1x16xf32> to vector<16xf32>
      %mul3A_74 = arith.mulf %get3A_73, %get3A_69 : vector<16xf32>
      %swap3A = arith.index_cast %scan3A_66 : i32 to index
      %swap3A_75 = arith.constant 0 : index
      %swap3A_76 = tpu.vector_load %arg11[%swap3A, %swap3A_75] {strides = array<i32>} : memref<200x64xf32, #tpu.memory_space<vmem>>, vector<1x16xf32>,
      %swap3A_77 = vector.shape_cast %swap3A_76 : vector<1x16xf32> to vector<16xf32>
      %swap3A_78 = vector.shape_cast %mul3A_74 : vector<16xf32> to vector<1x16xf32>
      tpu.vector_store %arg11[%swap3A, %swap3A_75], %swap3A_78 {strides = array<i32>} : memref<200x64xf32, #tpu.memory_space<vmem>>, vector<1x16xf32>,
      %get3A_79 = arith.index_cast %scan3A_66 : i32 to index
      %get3A_80 = arith.constant 16 : index
      %get3A_81 = tpu.vector_load %arg11[%get3A_79, %get3A_80] {strides = array<i32>} : memref<200x64xf32, #tpu.memory_space<vmem>>, vector<1x16xf32>,
      %get3A_82 = vector.shape_cast %get3A_81 : vector<1x16xf32> to vector<16xf32>
      %mul3A_83 = arith.mulf %get3A_82, %get3A_69 : vector<16xf32>
      %swap3A_84 = arith.index_cast %scan3A_66 : i32 to index
      %swap3A_85 = arith.constant 16 : index
      %swap3A_86 = tpu.vector_load %arg11[%swap3A_84, %swap3A_85] {strides = array<i32>} : memref<200x64xf32, #tpu.memory_space<vmem>>, vector<1x16xf32>,
      %swap3A_87 = vector.shape_cast %swap3A_86 : vector<1x16xf32> to vector<16xf32>
      %swap3A_88 = vector.shape_cast %mul3A_83 : vector<16xf32> to vector<1x16xf32>
      tpu.vector_store %arg11[%swap3A_84, %swap3A_85], %swap3A_88 {strides = array<i32>} : memref<200x64xf32, #tpu.memory_space<vmem>>, vector<1x16xf32>,
      %get3A_89 = arith.index_cast %scan3A_66 : i32 to index
      %get3A_90 = arith.constant 32 : index
      %get3A_91 = tpu.vector_load %arg11[%get3A_89, %get3A_90] {strides = array<i32>} : memref<200x64xf32, #tpu.memory_space<vmem>>, vector<1x16xf32>,
      %get3A_92 = vector.shape_cast %get3A_91 : vector<1x16xf32> to vector<16xf32>
      %mul3A_93 = arith.mulf %get3A_92, %get3A_69 : vector<16xf32>
      %swap3A_94 = arith.index_cast %scan3A_66 : i32 to index
      %swap3A_95 = arith.constant 32 : index
      %swap3A_96 = tpu.vector_load %arg11[%swap3A_94, %swap3A_95] {strides = array<i32>} : memref<200x64xf32, #tpu.memory_space<vmem>>, vector<1x16xf32>,
      %swap3A_97 = vector.shape_cast %swap3A_96 : vector<1x16xf32> to vector<16xf32>
      %swap3A_98 = vector.shape_cast %mul3A_93 : vector<16xf32> to vector<1x16xf32>
      tpu.vector_store %arg11[%swap3A_94, %swap3A_95], %swap3A_98 {strides = array<i32>} : memref<200x64xf32, #tpu.memory_space<vmem>>, vector<1x16xf32>,
      %get3A_99 = arith.index_cast %scan3A_66 : i32 to index
      %get3A_100 = arith.constant 48 : index
      %get3A_101 = tpu.vector_load %arg11[%get3A_99, %get3A_100] {strides = array<i32>} : memref<200x64xf32, #tpu.memory_space<vmem>>, vector<1x16xf32>,
      %get3A_102 = vector.shape_cast %get3A_101 : vector<1x16xf32> to vector<16xf32>
      %mul3A_103 = arith.mulf %get3A_102, %get3A_69 : vector<16xf32>
      %swap3A_104 = arith.index_cast %scan3A_66 : i32 to index
      %swap3A_105 = arith.constant 48 : index
      %swap3A_106 = tpu.vector_load %arg11[%swap3A_104, %swap3A_105] {strides = array<i32>} : memref<200x64xf32, #tpu.memory_space<vmem>>, vector<1x16xf32>,
      %swap3A_107 = vector.shape_cast %swap3A_106 : vector<1x16xf32> to vector<16xf32>
      %swap3A_108 = vector.shape_cast %mul3A_103 : vector<16xf32> to vector<1x16xf32>
      tpu.vector_store %arg11[%swap3A_104, %swap3A_105], %swap3A_108 {strides = array<i32>} : memref<200x64xf32, #tpu.memory_space<vmem>>, vector<1x16xf32>,
    }
    %scan3A_55 = arith.constant 200 : i32
    %mul3A_56 = arith.constant 10000 : i32
    %mul3A_57 = arith.muli %arg0, %mul3A_56 : i32
    %add3A_58 = arith.addi %mul3A_57, %mul3A_49 : i32
    "tpu.region"() ({
      %run_scoped3A = tpu.sem_alloc : memref<!tpu.dma_semaphore, #tpu.memory_space<semaphore_mem>>
      %dma_start3A = arith.constant 0 : i32
      %dma_start3A_66 = tpu.memref_slice %arg7[%add3A_58, %dma_start3A] : memref<20000x64xf32, #tpu.memory_space<hbm>> -> memref<200x64xf32, #tpu.memory_space<hbm>>
      %dma_start3A_67 = arith.constant 0 : i32
      %dma_start3A_68 = tpu.memref_slice %arg7[%add3A_58, %dma_start3A_67] : memref<20000x64xf32, #tpu.memory_space<hbm>> -> memref<200x64xf32, #tpu.memory_space<hbm>>
      tpu.enqueue_dma source(%arg11 : memref<200x64xf32, #tpu.memory_space<vmem>>) target(%dma_start3A_68 : memref<200x64xf32, #tpu.memory_space<hbm>>) target_semaphore(%run_scoped3A : memref<!tpu.dma_semaphore, #tpu.memory_space<semaphore_mem>>)
      %dma_wait3A = arith.constant 0 : i32
      %dma_wait3A_69 = tpu.memref_slice %arg7[%add3A_58, %dma_wait3A] : memref<20000x64xf32, #tpu.memory_space<hbm>> -> memref<200x64xf32, #tpu.memory_space<hbm>>
      %dma_wait3A_70 = arith.constant 0 : i32
      %dma_wait3A_71 = tpu.memref_slice %arg7[%add3A_58, %dma_wait3A_70] : memref<20000x64xf32, #tpu.memory_space<hbm>> -> memref<200x64xf32, #tpu.memory_space<hbm>>
      tpu.wait_dma2 semaphore(%run_scoped3A : memref<!tpu.dma_semaphore, #tpu.memory_space<semaphore_mem>>) src(%arg11 : memref<200x64xf32, #tpu.memory_space<vmem>>) dst(%dma_wait3A_71 : memref<200x64xf32, #tpu.memory_space<hbm>>)
      tpu.yield
    }) : () -> ()
    %add3A_59 = arith.constant 48 : i32
    %add3A_60 = arith.addi %arg1, %add3A_59 : i32
    %lt3A_61 = arith.constant 50 : i32
    %lt3A_62 = arith.cmpi slt, %add3A_60, %lt3A_61 : i32
    %convert_element_type3A_63 = arith.extui %lt3A_62 : i1 to i32
    %cond3A_64 = arith.constant 0 : i32
    %cond3A_65 = arith.cmpi ne, %convert_element_type3A_63, %cond3A_64 : i32
    scf.if %cond3A_65 {
      %mul3A_66 = arith.constant 200 : i32
      %mul3A_67 = arith.muli %add3A_60, %mul3A_66 : i32
      "tpu.region"() ({
        %run_scoped3A = tpu.sem_alloc : memref<!tpu.dma_semaphore, #tpu.memory_space<semaphore_mem>>
        %dma_start3A = arith.constant 0 : i32
        %dma_start3A_77 = tpu.memref_slice %arg14[%mul3A_67, %dma_start3A] : memref<10000x64xf32, #tpu.memory_space<vmem_shared>> -> memref<200x64xf32, #tpu.memory_space<vmem_shared>>
        %dma_start3A_78 = arith.constant 0 : i32
        %dma_start3A_79 = tpu.memref_slice %arg14[%mul3A_67, %dma_start3A_78] : memref<10000x64xf32, #tpu.memory_space<vmem_shared>> -> memref<200x64xf32, #tpu.memory_space<vmem_shared>>
        tpu.enqueue_dma source(%dma_start3A_79 : memref<200x64xf32, #tpu.memory_space<vmem_shared>>) target(%arg11 : memref<200x64xf32, #tpu.memory_space<vmem>>) target_semaphore(%run_scoped3A : memref<!tpu.dma_semaphore, #tpu.memory_space<semaphore_mem>>)
        %dma_wait3A = arith.constant 0 : i32
        %dma_wait3A_80 = tpu.memref_slice %arg14[%mul3A_67, %dma_wait3A] : memref<10000x64xf32, #tpu.memory_space<vmem_shared>> -> memref<200x64xf32, #tpu.memory_space<vmem_shared>>
        %dma_wait3A_81 = arith.constant 0 : i32
        %dma_wait3A_82 = tpu.memref_slice %arg14[%mul3A_67, %dma_wait3A_81] : memref<10000x64xf32, #tpu.memory_space<vmem_shared>> -> memref<200x64xf32, #tpu.memory_space<vmem_shared>>
        tpu.wait_dma2 semaphore(%run_scoped3A : memref<!tpu.dma_semaphore, #tpu.memory_space<semaphore_mem>>) src(%dma_wait3A_82 : memref<200x64xf32, #tpu.memory_space<vmem_shared>>) dst(%arg11 : memref<200x64xf32, #tpu.memory_space<vmem>>)
        tpu.yield
      }) : () -> ()
      "tpu.region"() ({
        %run_scoped3A = tpu.sem_alloc : memref<!tpu.dma_semaphore, #tpu.memory_space<semaphore_mem>>
        %dma_start3A = arith.constant 0 : i32
        %dma_start3A_77 = tpu.memref_slice %arg6[%mul3A_67, %dma_start3A] : memref<10000x16xf32, #tpu.memory_space<hbm>> -> memref<200x16xf32, #tpu.memory_space<hbm>>
        %dma_start3A_78 = arith.constant 0 : i32
        %dma_start3A_79 = tpu.memref_slice %arg6[%mul3A_67, %dma_start3A_78] : memref<10000x16xf32, #tpu.memory_space<hbm>> -> memref<200x16xf32, #tpu.memory_space<hbm>>
        tpu.enqueue_dma source(%dma_start3A_79 : memref<200x16xf32, #tpu.memory_space<hbm>>) target(%arg13 : memref<200x16xf32, #tpu.memory_space<vmem>>) target_semaphore(%run_scoped3A : memref<!tpu.dma_semaphore, #tpu.memory_space<semaphore_mem>>)
        %dma_wait3A = arith.constant 0 : i32
        %dma_wait3A_80 = tpu.memref_slice %arg6[%mul3A_67, %dma_wait3A] : memref<10000x16xf32, #tpu.memory_space<hbm>> -> memref<200x16xf32, #tpu.memory_space<hbm>>
        %dma_wait3A_81 = arith.constant 0 : i32
        %dma_wait3A_82 = tpu.memref_slice %arg6[%mul3A_67, %dma_wait3A_81] : memref<10000x16xf32, #tpu.memory_space<hbm>> -> memref<200x16xf32, #tpu.memory_space<hbm>>
        tpu.wait_dma2 semaphore(%run_scoped3A : memref<!tpu.dma_semaphore, #tpu.memory_space<semaphore_mem>>) src(%dma_wait3A_82 : memref<200x16xf32, #tpu.memory_space<hbm>>) dst(%arg13 : memref<200x16xf32, #tpu.memory_space<vmem>>)
        tpu.yield
      }) : () -> ()
      %scan3A_68 = arith.constant 0 : i32
      %scan3A_69 = arith.constant 0 : i32
      %scan3A_70 = arith.constant 200 : i32
      %scan3A_71 = arith.addi %scan3A_69, %scan3A_70 : i32
      %scan3A_72 = arith.constant 1 : i32
      scf.for %scan3A_77 = %scan3A_69 to %scan3A_71 step %scan3A_72  : i32 {
        %get3A = arith.index_cast %scan3A_77 : i32 to index
        %get3A_78 = arith.constant 0 : index
        %get3A_79 = tpu.vector_load %arg13[%get3A, %get3A_78] {strides = array<i32>} : memref<200x16xf32, #tpu.memory_space<vmem>>, vector<1x16xf32>,
        %get3A_80 = vector.shape_cast %get3A_79 : vector<1x16xf32> to vector<16xf32>
        %get3A_81 = arith.index_cast %scan3A_77 : i32 to index
        %get3A_82 = arith.constant 0 : index
        %get3A_83 = tpu.vector_load %arg11[%get3A_81, %get3A_82] {strides = array<i32>} : memref<200x64xf32, #tpu.memory_space<vmem>>, vector<1x16xf32>,
        %get3A_84 = vector.shape_cast %get3A_83 : vector<1x16xf32> to vector<16xf32>
        %mul3A_85 = arith.mulf %get3A_84, %get3A_80 : vector<16xf32>
        %swap3A = arith.index_cast %scan3A_77 : i32 to index
        %swap3A_86 = arith.constant 0 : index
        %swap3A_87 = tpu.vector_load %arg11[%swap3A, %swap3A_86] {strides = array<i32>} : memref<200x64xf32, #tpu.memory_space<vmem>>, vector<1x16xf32>,
        %swap3A_88 = vector.shape_cast %swap3A_87 : vector<1x16xf32> to vector<16xf32>
        %swap3A_89 = vector.shape_cast %mul3A_85 : vector<16xf32> to vector<1x16xf32>
        tpu.vector_store %arg11[%swap3A, %swap3A_86], %swap3A_89 {strides = array<i32>} : memref<200x64xf32, #tpu.memory_space<vmem>>, vector<1x16xf32>,
        %get3A_90 = arith.index_cast %scan3A_77 : i32 to index
        %get3A_91 = arith.constant 16 : index
        %get3A_92 = tpu.vector_load %arg11[%get3A_90, %get3A_91] {strides = array<i32>} : memref<200x64xf32, #tpu.memory_space<vmem>>, vector<1x16xf32>,
        %get3A_93 = vector.shape_cast %get3A_92 : vector<1x16xf32> to vector<16xf32>
        %mul3A_94 = arith.mulf %get3A_93, %get3A_80 : vector<16xf32>
        %swap3A_95 = arith.index_cast %scan3A_77 : i32 to index
        %swap3A_96 = arith.constant 16 : index
        %swap3A_97 = tpu.vector_load %arg11[%swap3A_95, %swap3A_96] {strides = array<i32>} : memref<200x64xf32, #tpu.memory_space<vmem>>, vector<1x16xf32>,
        %swap3A_98 = vector.shape_cast %swap3A_97 : vector<1x16xf32> to vector<16xf32>
        %swap3A_99 = vector.shape_cast %mul3A_94 : vector<16xf32> to vector<1x16xf32>
        tpu.vector_store %arg11[%swap3A_95, %swap3A_96], %swap3A_99 {strides = array<i32>} : memref<200x64xf32, #tpu.memory_space<vmem>>, vector<1x16xf32>,
        %get3A_100 = arith.index_cast %scan3A_77 : i32 to index
        %get3A_101 = arith.constant 32 : index
        %get3A_102 = tpu.vector_load %arg11[%get3A_100, %get3A_101] {strides = array<i32>} : memref<200x64xf32, #tpu.memory_space<vmem>>, vector<1x16xf32>,
        %get3A_103 = vector.shape_cast %get3A_102 : vector<1x16xf32> to vector<16xf32>
        %mul3A_104 = arith.mulf %get3A_103, %get3A_80 : vector<16xf32>
        %swap3A_105 = arith.index_cast %scan3A_77 : i32 to index
        %swap3A_106 = arith.constant 32 : index
        %swap3A_107 = tpu.vector_load %arg11[%swap3A_105, %swap3A_106] {strides = array<i32>} : memref<200x64xf32, #tpu.memory_space<vmem>>, vector<1x16xf32>,
        %swap3A_108 = vector.shape_cast %swap3A_107 : vector<1x16xf32> to vector<16xf32>
        %swap3A_109 = vector.shape_cast %mul3A_104 : vector<16xf32> to vector<1x16xf32>
        tpu.vector_store %arg11[%swap3A_105, %swap3A_106], %swap3A_109 {strides = array<i32>} : memref<200x64xf32, #tpu.memory_space<vmem>>, vector<1x16xf32>,
        %get3A_110 = arith.index_cast %scan3A_77 : i32 to index
        %get3A_111 = arith.constant 48 : index
        %get3A_112 = tpu.vector_load %arg11[%get3A_110, %get3A_111] {strides = array<i32>} : memref<200x64xf32, #tpu.memory_space<vmem>>, vector<1x16xf32>,
        %get3A_113 = vector.shape_cast %get3A_112 : vector<1x16xf32> to vector<16xf32>
        %mul3A_114 = arith.mulf %get3A_113, %get3A_80 : vector<16xf32>
        %swap3A_115 = arith.index_cast %scan3A_77 : i32 to index
        %swap3A_116 = arith.constant 48 : index
        %swap3A_117 = tpu.vector_load %arg11[%swap3A_115, %swap3A_116] {strides = array<i32>} : memref<200x64xf32, #tpu.memory_space<vmem>>, vector<1x16xf32>,
        %swap3A_118 = vector.shape_cast %swap3A_117 : vector<1x16xf32> to vector<16xf32>
        %swap3A_119 = vector.shape_cast %mul3A_114 : vector<16xf32> to vector<1x16xf32>
        tpu.vector_store %arg11[%swap3A_115, %swap3A_116], %swap3A_119 {strides = array<i32>} : memref<200x64xf32, #tpu.memory_space<vmem>>, vector<1x16xf32>,
      }
      %scan3A_73 = arith.constant 200 : i32
      %mul3A_74 = arith.constant 10000 : i32
      %mul3A_75 = arith.muli %arg0, %mul3A_74 : i32
      %add3A_76 = arith.addi %mul3A_75, %mul3A_67 : i32
      "tpu.region"() ({
        %run_scoped3A = tpu.sem_alloc : memref<!tpu.dma_semaphore, #tpu.memory_space<semaphore_mem>>
        %dma_start3A = arith.constant 0 : i32
        %dma_start3A_77 = tpu.memref_slice %arg7[%add3A_76, %dma_start3A] : memref<20000x64xf32, #tpu.memory_space<hbm>> -> memref<200x64xf32, #tpu.memory_space<hbm>>
        %dma_start3A_78 = arith.constant 0 : i32
        %dma_start3A_79 = tpu.memref_slice %arg7[%add3A_76, %dma_start3A_78] : memref<20000x64xf32, #tpu.memory_space<hbm>> -> memref<200x64xf32, #tpu.memory_space<hbm>>
        tpu.enqueue_dma source(%arg11 : memref<200x64xf32, #tpu.memory_space<vmem>>) target(%dma_start3A_79 : memref<200x64xf32, #tpu.memory_space<hbm>>) target_semaphore(%run_scoped3A : memref<!tpu.dma_semaphore, #tpu.memory_space<semaphore_mem>>)
        %dma_wait3A = arith.constant 0 : i32
        %dma_wait3A_80 = tpu.memref_slice %arg7[%add3A_76, %dma_wait3A] : memref<20000x64xf32, #tpu.memory_space<hbm>> -> memref<200x64xf32, #tpu.memory_space<hbm>>
        %dma_wait3A_81 = arith.constant 0 : i32
        %dma_wait3A_82 = tpu.memref_slice %arg7[%add3A_76, %dma_wait3A_81] : memref<20000x64xf32, #tpu.memory_space<hbm>> -> memref<200x64xf32, #tpu.memory_space<hbm>>
        tpu.wait_dma2 semaphore(%run_scoped3A : memref<!tpu.dma_semaphore, #tpu.memory_space<semaphore_mem>>) src(%arg11 : memref<200x64xf32, #tpu.memory_space<vmem>>) dst(%dma_wait3A_82 : memref<200x64xf32, #tpu.memory_space<hbm>>)
        tpu.yield
      }) : () -> ()
    } else {
    }
    return
  }
}

module attributes {stable_mosaic.version = 14 : i64} {
  func.func @body(%arg0: i32, %arg1: memref<1000x128xf32, #tpu.memory_space<vmem>>, %arg2: memref<128x128xf32, #tpu.memory_space<vmem>>, %arg3: memref<128x128xf32, #tpu.memory_space<vmem>>, %arg4: memref<1x128xf32, #tpu.memory_space<vmem>>, %arg5: memref<1000x128xf32, #tpu.memory_space<vmem>>, %arg6: memref<1000x128xf32, #tpu.memory_space<vmem>>) attributes {dimension_semantics = [#tpu.dimension_semantics<arbitrary>], iteration_bounds = array<i64: 10>, scalar_prefetch = 0 : i64, scratch_operands = 0 : i64, tpu.core_type = #tpu.core_type<tc>, window_params = [{transform_indices = @transform_0, window_bounds = array<i64: 1000, 128>}, {pipeline_mode = #tpu.pipeline_mode<synchronous>, transform_indices = @transform_1, window_bounds = array<i64: 128, 128>}, {pipeline_mode = #tpu.pipeline_mode<synchronous>, transform_indices = @transform_2, window_bounds = array<i64: 128, 128>}, {pipeline_mode = #tpu.pipeline_mode<synchronous>, transform_indices = @transform_3, window_bounds = array<i64: 1, 128>}, {transform_indices = @transform_4, window_bounds = array<i64: 1000, 128>}, {transform_indices = @transform_5, window_bounds = array<i64: 1000, 128>}]} {
    %get3A = arith.constant 0 : index
    %get3A_0 = arith.constant 0 : index
    %get3A_1 = vector.load %arg1[%get3A, %get3A_0] : memref<1000x128xf32, #tpu.memory_space<vmem>>, vector<1000x128xf32>
    %get3A_2 = arith.constant 0 : index
    %get3A_3 = arith.constant 0 : index
    %get3A_4 = vector.load %arg2[%get3A_2, %get3A_3] : memref<128x128xf32, #tpu.memory_space<vmem>>, vector<128x128xf32>
    %dot_general3A = arith.constant dense<0.000000e+00> : vector<1000x128xf32>
    %dot_general3A_5 = tpu.matmul %get3A_1, %get3A_4, %dot_general3A {dimension_numbers = #tpu.dot_dimension_numbers<[1], [0], [0], [1], [0, 0, 1, 1], [], []>, transpose_lhs_hint = false} : vector<1000x128xf32>, vector<128x128xf32>, vector<1000x128xf32> -> vector<1000x128xf32>
    %get3A_6 = arith.constant 0 : index
    %get3A_7 = arith.constant 0 : index
    %get3A_8 = vector.load %arg4[%get3A_6, %get3A_7] : memref<1x128xf32, #tpu.memory_space<vmem>>, vector<1x128xf32>
    %add3A = vector.broadcast %get3A_8 : vector<1x128xf32> to vector<1000x128xf32>
    %add3A_9 = arith.addf %dot_general3A_5, %add3A : vector<1000x128xf32>
    %swap3A = arith.constant 0 : index
    %swap3A_10 = arith.constant 0 : index
    %swap3A_11 = vector.load %arg5[%swap3A, %swap3A_10] : memref<1000x128xf32, #tpu.memory_space<vmem>>, vector<1000x128xf32>
    tpu.vector_store %arg5[%swap3A, %swap3A_10], %add3A_9 {strides = array<i32>} : memref<1000x128xf32, #tpu.memory_space<vmem>>, vector<1000x128xf32>,
    %get3A_12 = arith.constant 0 : index
    %get3A_13 = arith.constant 0 : index
    %get3A_14 = vector.load %arg3[%get3A_12, %get3A_13] : memref<128x128xf32, #tpu.memory_space<vmem>>, vector<128x128xf32>
    %dot_general3A_15 = arith.constant dense<0.000000e+00> : vector<1000x128xf32>
    %dot_general3A_16 = tpu.matmul %get3A_1, %get3A_14, %dot_general3A_15 {dimension_numbers = #tpu.dot_dimension_numbers<[1], [0], [0], [1], [0, 0, 1, 1], [], []>, transpose_lhs_hint = false} : vector<1000x128xf32>, vector<128x128xf32>, vector<1000x128xf32> -> vector<1000x128xf32>
    %swap3A_17 = arith.constant 0 : index
    %swap3A_18 = arith.constant 0 : index
    %swap3A_19 = vector.load %arg6[%swap3A_17, %swap3A_18] : memref<1000x128xf32, #tpu.memory_space<vmem>>, vector<1000x128xf32>
    tpu.vector_store %arg6[%swap3A_17, %swap3A_18], %dot_general3A_16 {strides = array<i32>} : memref<1000x128xf32, #tpu.memory_space<vmem>>, vector<1000x128xf32>,
    return
  }
  func.func @transform_0(%arg0: i32) -> (i32, i32) {
    %c0_i32 = arith.constant 0 : i32
    %c0_i32_0 = arith.constant 0 : i32
    return %arg0, %c0_i32 : i32, i32
  }
  func.func @transform_1(%arg0: i32) -> (i32, i32) {
    %c0_i32 = arith.constant 0 : i32
    %c0_i32_0 = arith.constant 0 : i32
    %c0_i32_1 = arith.constant 0 : i32
    return %c0_i32, %c0_i32_0 : i32, i32
  }
  func.func @transform_2(%arg0: i32) -> (i32, i32) {
    %c0_i32 = arith.constant 0 : i32
    %c0_i32_0 = arith.constant 0 : i32
    %c0_i32_1 = arith.constant 0 : i32
    return %c0_i32, %c0_i32_0 : i32, i32
  }
  func.func @transform_3(%arg0: i32) -> (i32, i32) {
    %c0_i32 = arith.constant 0 : i32
    %c0_i32_0 = arith.constant 0 : i32
    %c0_i32_1 = arith.constant 0 : i32
    return %c0_i32, %c0_i32_0 : i32, i32
  }
  func.func @transform_4(%arg0: i32) -> (i32, i32) {
    %c0_i32 = arith.constant 0 : i32
    %c0_i32_0 = arith.constant 0 : i32
    return %arg0, %c0_i32 : i32, i32
  }
  func.func @transform_5(%arg0: i32) -> (i32, i32) {
    %c0_i32 = arith.constant 0 : i32
    %c0_i32_0 = arith.constant 0 : i32
    return %arg0, %c0_i32 : i32, i32
  }
}

module attributes {stable_mosaic.version = 14 : i64} {
  func.func @body(%arg0: i32, %arg1: memref<1000x128xf32, #tpu.memory_space<vmem>>, %arg2: memref<1000x64xf32, #tpu.memory_space<vmem>>, %arg3: memref<1000x64xf32, #tpu.memory_space<vmem>>, %arg4: memref<1000x64xf32, #tpu.memory_space<vmem>>, %arg5: memref<1000x64xf32, #tpu.memory_space<vmem>>, %arg6: memref<128x64xf32, #tpu.memory_space<vmem>>, %arg7: memref<128x64xf32, #tpu.memory_space<vmem>>, %arg8: memref<1x64xf32, #tpu.memory_space<vmem>>, %arg9: memref<1000x64xf32, #tpu.memory_space<vmem>>, %arg10: memref<1000x64xf32, #tpu.memory_space<vmem>>) attributes {dimension_semantics = [#tpu.dimension_semantics<arbitrary>], iteration_bounds = array<i64: 10>, scalar_prefetch = 0 : i64, scratch_operands = 0 : i64, tpu.core_type = #tpu.core_type<tc>, window_params = [{transform_indices = @transform_0, window_bounds = array<i64: 1000, 128>}, {transform_indices = @transform_1, window_bounds = array<i64: 1000, 64>}, {transform_indices = @transform_2, window_bounds = array<i64: 1000, 64>}, {transform_indices = @transform_3, window_bounds = array<i64: 1000, 64>}, {transform_indices = @transform_4, window_bounds = array<i64: 1000, 64>}, {pipeline_mode = #tpu.pipeline_mode<synchronous>, transform_indices = @transform_5, window_bounds = array<i64: 128, 64>}, {pipeline_mode = #tpu.pipeline_mode<synchronous>, transform_indices = @transform_6, window_bounds = array<i64: 128, 64>}, {pipeline_mode = #tpu.pipeline_mode<synchronous>, transform_indices = @transform_7, window_bounds = array<i64: 1, 64>}, {transform_indices = @transform_8, window_bounds = array<i64: 1000, 64>}, {transform_indices = @transform_9, window_bounds = array<i64: 1000, 64>}]} {
    %get3A = arith.constant 0 : index
    %get3A_0 = arith.constant 0 : index
    %get3A_1 = vector.load %arg2[%get3A, %get3A_0] : memref<1000x64xf32, #tpu.memory_space<vmem>>, vector<1000x64xf32>
    %get3A_2 = arith.constant 0 : index
    %get3A_3 = arith.constant 0 : index
    %get3A_4 = vector.load %arg3[%get3A_2, %get3A_3] : memref<1000x64xf32, #tpu.memory_space<vmem>>, vector<1000x64xf32>
    %add3A = arith.addf %get3A_1, %get3A_4 : vector<1000x64xf32>
    %get3A_5 = arith.constant 0 : index
    %get3A_6 = arith.constant 0 : index
    %get3A_7 = vector.load %arg4[%get3A_5, %get3A_6] : memref<1000x64xf32, #tpu.memory_space<vmem>>, vector<1000x64xf32>
    %get3A_8 = arith.constant 0 : index
    %get3A_9 = arith.constant 0 : index
    %get3A_10 = vector.load %arg5[%get3A_8, %get3A_9] : memref<1000x64xf32, #tpu.memory_space<vmem>>, vector<1000x64xf32>
    %add3A_11 = arith.addf %get3A_7, %get3A_10 : vector<1000x64xf32>
    %concatenate3A = tpu.concatenate %add3A, %add3A_11 in 1 : vector<1000x64xf32>, vector<1000x64xf32> -> vector<1000x128xf32>
    %get3A_12 = arith.constant 0 : index
    %get3A_13 = arith.constant 0 : index
    %get3A_14 = vector.load %arg1[%get3A_12, %get3A_13] : memref<1000x128xf32, #tpu.memory_space<vmem>>, vector<1000x128xf32>
    %add3A_15 = arith.addf %get3A_14, %concatenate3A : vector<1000x128xf32>
    %max3A = arith.constant 0.000000e+00 : f32
    %max3A_16 = vector.broadcast %max3A : f32 to vector<1000x128xf32>
    %max3A_17 = arith.maximumf %add3A_15, %max3A_16 : vector<1000x128xf32>
    %get3A_18 = arith.constant 0 : index
    %get3A_19 = arith.constant 0 : index
    %get3A_20 = vector.load %arg6[%get3A_18, %get3A_19] : memref<128x64xf32, #tpu.memory_space<vmem>>, vector<128x64xf32>
    %dot_general3A = arith.constant dense<0.000000e+00> : vector<1000x64xf32>
    %dot_general3A_21 = tpu.matmul %max3A_17, %get3A_20, %dot_general3A {dimension_numbers = #tpu.dot_dimension_numbers<[1], [0], [0], [1], [0, 0, 1, 1], [], []>, transpose_lhs_hint = false} : vector<1000x128xf32>, vector<128x64xf32>, vector<1000x64xf32> -> vector<1000x64xf32>
    %get3A_22 = arith.constant 0 : index
    %get3A_23 = arith.constant 0 : index
    %get3A_24 = vector.load %arg8[%get3A_22, %get3A_23] : memref<1x64xf32, #tpu.memory_space<vmem>>, vector<1x64xf32>
    %add3A_25 = vector.broadcast %get3A_24 : vector<1x64xf32> to vector<1000x64xf32>
    %add3A_26 = arith.addf %dot_general3A_21, %add3A_25 : vector<1000x64xf32>
    %swap3A = arith.constant 0 : index
    %swap3A_27 = arith.constant 0 : index
    %swap3A_28 = vector.load %arg9[%swap3A, %swap3A_27] : memref<1000x64xf32, #tpu.memory_space<vmem>>, vector<1000x64xf32>
    tpu.vector_store %arg9[%swap3A, %swap3A_27], %add3A_26 {strides = array<i32>} : memref<1000x64xf32, #tpu.memory_space<vmem>>, vector<1000x64xf32>,
    %get3A_29 = arith.constant 0 : index
    %get3A_30 = arith.constant 0 : index
    %get3A_31 = vector.load %arg7[%get3A_29, %get3A_30] : memref<128x64xf32, #tpu.memory_space<vmem>>, vector<128x64xf32>
    %dot_general3A_32 = arith.constant dense<0.000000e+00> : vector<1000x64xf32>
    %dot_general3A_33 = tpu.matmul %max3A_17, %get3A_31, %dot_general3A_32 {dimension_numbers = #tpu.dot_dimension_numbers<[1], [0], [0], [1], [0, 0, 1, 1], [], []>, transpose_lhs_hint = false} : vector<1000x128xf32>, vector<128x64xf32>, vector<1000x64xf32> -> vector<1000x64xf32>
    %swap3A_34 = arith.constant 0 : index
    %swap3A_35 = arith.constant 0 : index
    %swap3A_36 = vector.load %arg10[%swap3A_34, %swap3A_35] : memref<1000x64xf32, #tpu.memory_space<vmem>>, vector<1000x64xf32>
    tpu.vector_store %arg10[%swap3A_34, %swap3A_35], %dot_general3A_33 {strides = array<i32>} : memref<1000x64xf32, #tpu.memory_space<vmem>>, vector<1000x64xf32>,
    return
  }
  func.func @transform_0(%arg0: i32) -> (i32, i32) {
    %c0_i32 = arith.constant 0 : i32
    %c0_i32_0 = arith.constant 0 : i32
    return %arg0, %c0_i32 : i32, i32
  }
  func.func @transform_1(%arg0: i32) -> (i32, i32) {
    %c0_i32 = arith.constant 0 : i32
    %c0_i32_0 = arith.constant 0 : i32
    return %arg0, %c0_i32 : i32, i32
  }
  func.func @transform_2(%arg0: i32) -> (i32, i32) {
    %c0_i32 = arith.constant 0 : i32
    %c0_i32_0 = arith.constant 0 : i32
    return %arg0, %c0_i32 : i32, i32
  }
  func.func @transform_3(%arg0: i32) -> (i32, i32) {
    %c0_i32 = arith.constant 0 : i32
    %c0_i32_0 = arith.constant 0 : i32
    return %arg0, %c0_i32 : i32, i32
  }
  func.func @transform_4(%arg0: i32) -> (i32, i32) {
    %c0_i32 = arith.constant 0 : i32
    %c0_i32_0 = arith.constant 0 : i32
    return %arg0, %c0_i32 : i32, i32
  }
  func.func @transform_5(%arg0: i32) -> (i32, i32) {
    %c0_i32 = arith.constant 0 : i32
    %c0_i32_0 = arith.constant 0 : i32
    %c0_i32_1 = arith.constant 0 : i32
    return %c0_i32, %c0_i32_0 : i32, i32
  }
  func.func @transform_6(%arg0: i32) -> (i32, i32) {
    %c0_i32 = arith.constant 0 : i32
    %c0_i32_0 = arith.constant 0 : i32
    %c0_i32_1 = arith.constant 0 : i32
    return %c0_i32, %c0_i32_0 : i32, i32
  }
  func.func @transform_7(%arg0: i32) -> (i32, i32) {
    %c0_i32 = arith.constant 0 : i32
    %c0_i32_0 = arith.constant 0 : i32
    %c0_i32_1 = arith.constant 0 : i32
    return %c0_i32, %c0_i32_0 : i32, i32
  }
  func.func @transform_8(%arg0: i32) -> (i32, i32) {
    %c0_i32 = arith.constant 0 : i32
    %c0_i32_0 = arith.constant 0 : i32
    return %arg0, %c0_i32 : i32, i32
  }
  func.func @transform_9(%arg0: i32) -> (i32, i32) {
    %c0_i32 = arith.constant 0 : i32
    %c0_i32_0 = arith.constant 0 : i32
    return %arg0, %c0_i32 : i32, i32
  }
}

module attributes {stable_mosaic.version = 14 : i64} {
  func.func @body(%arg0: i32, %arg1: memref<1000x64xf32, #tpu.memory_space<vmem>>, %arg2: memref<1000x64xf32, #tpu.memory_space<vmem>>, %arg3: memref<1000x64xf32, #tpu.memory_space<vmem>>, %arg4: memref<1000x64xf32, #tpu.memory_space<vmem>>) attributes {dimension_semantics = [#tpu.dimension_semantics<arbitrary>], iteration_bounds = array<i64: 10>, scalar_prefetch = 0 : i64, scratch_operands = 0 : i64, tpu.core_type = #tpu.core_type<tc>, window_params = [{transform_indices = @transform_0, window_bounds = array<i64: 1000, 64>}, {transform_indices = @transform_1, window_bounds = array<i64: 1000, 64>}, {transform_indices = @transform_2, window_bounds = array<i64: 1000, 64>}, {transform_indices = @transform_3, window_bounds = array<i64: 1000, 64>}]} {
    %get3A = arith.constant 0 : index
    %get3A_0 = arith.constant 0 : index
    %get3A_1 = vector.load %arg1[%get3A, %get3A_0] : memref<1000x64xf32, #tpu.memory_space<vmem>>, vector<1000x64xf32>
    %get3A_2 = arith.constant 0 : index
    %get3A_3 = arith.constant 0 : index
    %get3A_4 = vector.load %arg2[%get3A_2, %get3A_3] : memref<1000x64xf32, #tpu.memory_space<vmem>>, vector<1000x64xf32>
    %add3A = arith.addf %get3A_1, %get3A_4 : vector<1000x64xf32>
    %get3A_5 = arith.constant 0 : index
    %get3A_6 = arith.constant 0 : index
    %get3A_7 = vector.load %arg3[%get3A_5, %get3A_6] : memref<1000x64xf32, #tpu.memory_space<vmem>>, vector<1000x64xf32>
    %add3A_8 = arith.addf %add3A, %get3A_7 : vector<1000x64xf32>
    %swap3A = arith.constant 0 : index
    %swap3A_9 = arith.constant 0 : index
    %swap3A_10 = vector.load %arg4[%swap3A, %swap3A_9] : memref<1000x64xf32, #tpu.memory_space<vmem>>, vector<1000x64xf32>
    tpu.vector_store %arg4[%swap3A, %swap3A_9], %add3A_8 {strides = array<i32>} : memref<1000x64xf32, #tpu.memory_space<vmem>>, vector<1000x64xf32>,
    return
  }
  func.func @transform_0(%arg0: i32) -> (i32, i32) {
    %c0_i32 = arith.constant 0 : i32
    %c0_i32_0 = arith.constant 0 : i32
    return %arg0, %c0_i32 : i32, i32
  }
  func.func @transform_1(%arg0: i32) -> (i32, i32) {
    %c0_i32 = arith.constant 0 : i32
    %c0_i32_0 = arith.constant 0 : i32
    return %arg0, %c0_i32 : i32, i32
  }
  func.func @transform_2(%arg0: i32) -> (i32, i32) {
    %c0_i32 = arith.constant 0 : i32
    %c0_i32_0 = arith.constant 0 : i32
    return %arg0, %c0_i32 : i32, i32
  }
  func.func @transform_3(%arg0: i32) -> (i32, i32) {
    %c0_i32 = arith.constant 0 : i32
    %c0_i32_0 = arith.constant 0 : i32
    return %arg0, %c0_i32 : i32, i32
  }
}

</mosaic_0001>

<sc_bundles>
// kernel: kernel.10.cloned.1.call-start
scs
__scs_entry_jumppad:
0x0: {  	(pc) =	sbr.rel $0x88, $3  }
0x1: {  	(tag) =	ssettag $0x0;
	lr =	simm.s32 $0x1  }
0x2: {  	[smem:$0x3F99] =	sst lr;
	_ =	strace $0xD0000000  }
0x3: {  	_ = 	snop  }
0x4: {  	_ = 	snop  }
0x5: {  	_ = 	snop  }
0x6: {  	_ = 	snop  }
0x7: {  	_ = 	snop  }
__scs_overlays_trampoline_lowered:
0x8: {  	[smem:$0x3FA8] =	sst s0  }
0x9: {  	[smem:$0x3FA9] =	sst s1  }
0xa: {  	[smem:$0x3FAA] =	sst s2  }
0xb: {  	[smem:$0x3FAB] =	sst s3  }
0xc: {  	[smem:$0x3FAC] =	sst s4  }
0xd: {  	[smem:$0x3FAD] =	sst s5  }
0xe: {  	[smem:$0x3FAE] =	sst s6  }
0xf: {  	[smem:$0x3FAF] =	sst s7  }
0x10: {  	[smem:$0x3FB0] =	sst s8  }
0x11: {  	[smem:$0x3FB1] =	sst s9;
	s0 =	simm.s32 @!p0 $0x0  }
0x12: {  	s1 =	sld [smem:$0x3F97];
	s0 =	simm.s32 @p0 $0x1  }
0x13: {  	[smem:$0x3FB2] =	sst s0;
	s0 =	simm.s32 @!p1 $0x0  }
0x14: {  	s2 =	sld [smem:$0x3F96];
	s0 =	simm.s32 @p1 $0x1  }
0x15: {  	[smem:$0x3FB3] =	sst s0;
	s0 =	simm.s32 @!p2 $0x0  }
0x16: {  	s3 =	sld [smem:$0x3FDB];
	s0 =	simm.s32 @p2 $0x1  }
0x17: {  	s4 =	simm.s32 $0x1BF5;
	[smem:$0x3FB5] =	sst s0  }
0x18: {  	s0 =	sld [smem:$0x3F98];
	_ =	swait.ge [sflag:s4], $0x0  }
0x19: {  	s7 =	sld [smem:$0x3F99]  }
0x1a: {  	s8 =	sadd.s32 $0xFFFFE003, lr  }
0x1b: {  	s9 =	sadd.s32 $0xFFFFFEF7, lr;
	s5 =	simm.s32 $0xFFFFFFFF;
	p2 =	slt.u32 s8, $0xFFFFF086  }
0x1c: {  	p1 =	slt.u32 s9, $0xF7A;
	s5 =	simm.s32 @!p2 $0x0  }
0x1d: {  	s5 =	simm.s32 @p1 $0x1;
	p0 =	seq.s32 s7, s2  }
0x1e: {  	s7 =	smul.u32 @!p0 $0xF7A, s2;
	p2 =	seq.s32 @!p0 s5, $0x0  }
0x1f: {  	s9 =	smul.u32 $0xF7A, s1;
	s8 =	simm.s32 @!p0 $0x1BF5;
	p2 =	por !p2, p0  }
0x20: {  	[sflag:s8] =	ssyncset.s32 @!p0 $0xFFFFF086;
	s6 =	sadd.s32 @!p0 s3, s7;
	s7 =	simm.s32 @!p0 $0x108  }
0x21: {  	s3 =	sadd.s32 s3, s9;
	s6 =	sadd.s32 @!p0 $0x88, s6;
	s7 =	simm.s32 @p2 $0x1082  }
0x22: {  	[simem:s7], [sflag:s8] =	dma.local @!p0 [hbm:s6], $0xF7A  }
0x23: {  	s9 =	sor.u32 $0xD0000000, s2;
	s6 =	simm.s32 $0x108;
	_ =	swait.ge @!p0 [sflag:s8], $0x0  }
0x24: {  	s3 =	sadd.s32 $0x88, s3;
	s6 =	simm.s32 @!p1 $0x1082;
	[sflag:s4] =	ssyncset.s32 $0xFFFFF086  }
0x25: {  	[simem:s6], [sflag:s4] =	dma.local [hbm:s3], $0xF7A  }
0x26: {  	[smem:$0x3F99] =	sst s1;
	(tag) =	ssettag s2;
	_ =	strace s9  }
0x27: {  	s1 =	sld [smem:$0x3FA9]  }
0x28: {  	s2 =	sld [smem:$0x3FAA]  }
0x29: {  	s4 =	sld [smem:$0x3FAC]  }
0x2a: {  	p0 =	seq.s32 s5, $0x0;
	s5 =	sld [smem:$0x3FAD]  }
0x2b: {  	s6 =	sld [smem:$0x3FAE]  }
0x2c: {  	s7 =	sld [smem:$0x3FAF]  }
0x2d: {  	s3 =	simm.s32 $0x108;
	s8 =	sld [smem:$0x3FB0]  }
0x2e: {  	s3 =	simm.s32 @!p0 $0x1082;
	s9 =	sld [smem:$0x3FB1]  }
0x2f: {  	lr =	sadd.s32 s0, s3;
	s0 =	sld [smem:$0x3FA8]  }
0x30: {  	s3 =	sld [smem:$0x3FAB]  }
0x31: {  	[smem:$0x3FB4] =	sst s10  }
0x32: {  	s10 =	sld [smem:$0x3FB2];
	_ =	sdelay $0x3  }
0x33: {  	p0 =	seq.s32 s10, $0x1;
	s10 =	sld [smem:$0x3FB4];
	_ =	sdelay $0x3  }
0x34: {  	[smem:$0x3FB4] =	sst s10  }
0x35: {  	s10 =	sld [smem:$0x3FB3];
	_ =	sdelay $0x3  }
0x36: {  	p1 =	seq.s32 s10, $0x1;
	s10 =	sld [smem:$0x3FB4];
	_ =	sdelay $0x3  }
0x37: {  	[smem:$0x3FB4] =	sst s10  }
0x38: {  	s10 =	sld [smem:$0x3FB5]  }
0x39: {  	_ = 	snop;
	(pc) =	sbr.ind lr, $3  }
0x3a: {  	_ = 	snop  }
0x3b: {  	_ = 	snop  }
0x3c: {  	p2 =	seq.s32 s10, $0x1;
	s10 =	sld [smem:$0x3FB4]  }
0x3d: {  	_ =	shalt  }
0x3e: {  	_ =	shalt  }
0x3f: {  	_ =	shalt  }
0x40: {  	_ =	shalt  }
0x41: {  	_ =	shalt  }
0x42: {  	_ =	shalt  }
0x43: {  	_ =	shalt  }
0x44: {  	_ =	shalt  }
0x45: {  	_ =	shalt  }
0x46: {  	_ =	shalt  }
0x47: {  	_ =	shalt  }
0x48: {  	_ =	shalt  }
0x49: {  	_ =	shalt  }
0x4a: {  	_ =	shalt  }
0x4b: {  	_ =	shalt  }
0x4c: {  	_ =	shalt  }
0x4d: {  	_ =	shalt  }
0x4e: {  	_ =	shalt  }
0x4f: {  	_ =	shalt  }
0x50: {  	_ =	shalt  }
0x51: {  	_ =	shalt  }
0x52: {  	_ =	shalt  }
0x53: {  	_ =	shalt  }
0x54: {  	_ =	shalt  }
0x55: {  	_ =	shalt  }
0x56: {  	_ =	shalt  }
0x57: {  	_ =	shalt  }
0x58: {  	_ =	shalt  }
0x59: {  	_ =	shalt  }
0x5a: {  	_ =	shalt  }
0x5b: {  	_ =	shalt  }
0x5c: {  	_ =	shalt  }
0x5d: {  	_ =	shalt  }
0x5e: {  	_ =	shalt  }
0x5f: {  	_ =	shalt  }
0x60: {  	_ =	shalt  }
0x61: {  	_ =	shalt  }
0x62: {  	_ =	shalt  }
0x63: {  	_ =	shalt  }
0x64: {  	_ =	shalt  }
0x65: {  	_ =	shalt  }
0x66: {  	_ =	shalt  }
0x67: {  	_ =	shalt  }
0x68: {  	_ =	shalt  }
0x69: {  	_ =	shalt  }
0x6a: {  	_ =	shalt  }
0x6b: {  	_ =	shalt  }
0x6c: {  	_ =	shalt  }
0x6d: {  	_ =	shalt  }
0x6e: {  	_ =	shalt  }
0x6f: {  	_ =	shalt  }
0x70: {  	_ =	shalt  }
0x71: {  	_ =	shalt  }
0x72: {  	_ =	shalt  }
0x73: {  	_ =	shalt  }
0x74: {  	_ =	shalt  }
0x75: {  	_ =	shalt  }
0x76: {  	_ =	shalt  }
0x77: {  	_ =	shalt  }
0x78: {  	_ =	shalt  }
0x79: {  	_ =	shalt  }
0x7a: {  	_ =	shalt  }
0x7b: {  	_ =	shalt  }
0x7c: {  	_ =	shalt  }
0x7d: {  	_ =	shalt  }
0x7e: {  	_ =	shalt  }
0x7f: {  	_ =	shalt  }
0x80: {  	_ =	shalt  }
0x81: {  	_ =	shalt  }
0x82: {  	_ =	shalt  }
0x83: {  	_ =	shalt  }
0x84: {  	_ =	shalt  }
0x85: {  	_ =	shalt  }
0x86: {  	_ =	shalt  }
0x87: {  	_ =	shalt  }
.Lfunc_end0:
.L_simem_size_0:
called_computation.1_lowered:
.L_overlay_start_0:
0x88: {  	s2 =	sld [smem:$0x3FD9]  }
0x89: {  	s3 =	sld [smem:$0x3FFE];
	_ =	sdelay $0x1  }
0x8a: {  	s1 =	srdreg.scid  }
0x8b: {  	s0 =	sand.u32 $0x1, s1  }
0x8c: {  	s17 =	sshll.u32 s0, $0xA;
	s2 =	sadd.s32 s3, s2  }
0x8d: {  	s2 =	sadd.s32 s2, s17  }
0x8e: {  	[smem:$0x3FC0] =	sst s2  }
0x8f: {  	_ = 	snop  }
0x90: {  	s2 =	sld [smem:$0x3FD0];
	(tm) =	ssettm $0x1  }
0x91: {  	s18 =	sld [smem:$0x3FFB];
	_ =	sdelay $0x3  }
0x92: {  	_ =	strace s18  }
0x93: {  	s3 =	sld [smem:$0x3FFC];
	_ =	sdelay $0x3  }
0x94: {  	_ =	strace s3  }
0x95: {  	s3 =	sld [smem:$0x3FFD];
	_ =	sdelay $0x3  }
0x96: {  	_ =	strace s3  }
0x97: {  	_ =	strace $0x8FFFFFFF  }
0x98: {  	s19 =	sld [smem:$0x3FDB];
	_ =	sdelay $0x1  }
0x99: {  	s4 =	simm.s32 $_scs_section_size  }
0x9a: {  	s5 =	simm.s32 $_size__tile_overlayer_lowered;
	s6 =	simm.s32 $_tile_overlayer_lowered  }
0x9b: {  	s22 =	simm.s32 $0x1BFF;
	s21 =	sshll.u32 s6, $0x1;
	s3 =	sadd.s32 s4, s19  }
0x9c: {  	s7 =	simm.s32 $0x0;
	s20 =	sshll.u32 s5, $0x1;
	s5 =	sadd.s32 s21, s3  }
0x9d: {  	[timem:s7], [sflag:s22] =	dma.local [hbm:s5], s20  }
0x9e: {  	_ =	swait.ge [sflag:s22], s20  }
0x9f: {  	s4 =	ssub.s32 $0x0, s20;
	[sflag:s22] =	ssyncset.done $0x0  }
0xa0: {  	[sflag:s22] =	ssyncadd.s32 s4;
	_ =	sdelay $0x1  }
0xa1: {  	s23 =	simm.s32 $0x1B8B  }
0xa2: {  	_ =	swait.ge [sflag:s23], $0x1  }
0xa3: {  	[sflag:s23] =	ssyncset.done $0x0  }
0xa4: {  	s25 =	simm.s32 $0x1B8E;
	s24 =	sld [smem:$0x3FFE];
	[sflag:s23] =	ssyncadd.s32 $0xFFFFFFFF  }
0xa5: {  	s26 =	simm.s32 $execute0_lowered;
	[smem:$0x3FD2] =	sst s25  }
0xa6: {  	s5 =	sshll.u32 s26, $0x1;
	_ =	strace $0x80000049;
	[dreg:$0x1] =	wrdreg $0xFFFFFFFF  }
0xa7: {  	s28 =	simm.s32 $_size_execute0_lowered;
	s3 =	sadd.s32 s3, s5;
	[dreg:$0x0] =	wrdreg $0x0  }
0xa8: {  	s5 =	sshll.u32 s28, $0x1;
	[dreg:$0x2] =	wrdreg s3  }
0xa9: {  	[dreg:$0x3] =	wrdreg s5  }
0xaa: {  	[dreg:$0x4] =	wrdreg $0xC0  }
0xab: {  	_ =	task [dreg:s7], $0x5FFFF  }
0xac: {  	[dreg:$0x1] =	wrdreg $0xFFFFFFFF  }
0xad: {  	[dreg:$0x0] =	wrdreg $0x60  }
0xae: {  	[dreg:$0x2] =	wrdreg s2  }
0xaf: {  	[dreg:$0x3] =	wrdreg s24  }
0xb0: {  	[dreg:$0x4] =	wrdreg $0x85200  }
0xb1: {  	[dreg:$0x5] =	wrdreg $0x9  }
0xb2: {  	_ =	task.clear_ibuf [dreg:s7], $0x6FFFF;
	_ =	strace $0x90000049  }
0xb3: {  	s29 =	simm.s32 $0x9;
	_ =	strace $0x8000004B  }
0xb4: {  	_ =	swait.ge [sflag:s29], $0x1  }
0xb5: {  	[sflag:s29] =	ssyncadd.s32 $0xFFFFFFFF  }
0xb6: {  	_ =	strace $0x9000004B  }
0xb7: {  	_ =	sfence  }
0xb8: {  	s30 =	sld [smem:$0x0];
	_ =	sdelay $0x2  }
0xb9: {  	s31 =	sshll.u32 s1, $0xD;
	s1 =	sshrl.u32 s1, $0x2  }
0xba: {  	s3 =	sand.u32 $0x4000, s31;
	s1 =	sadd.s32 s1, s30  }
0xbb: {  	s0 =	sor.u32 s3, s0;
	s1 =	sshll.u32 s1, $0x11  }
0xbc: {  	s0 =	sor.u32 s1, s0  }
0xbd: {  	s0 =	sadd.s32 $0x8F2B, s0  }
0xbe: {  	[sflag:s0] =	ssyncadd.remote.s32 $0x1  }
0xbf: {  	_ =	sfence.sel $0xFFFF  }
0xc0: {  	[dreg:$0x0] =	wrdreg $0xFFFFFFFF;
	(pc) =	sbr.abs _section_cstart, $3  }
0xc1: {  	[dreg:$0x1] =	wrdreg $0xFFFFFFFF  }
0xc2: {  	_ =	task.clear_ibuf [dreg:s7], $0x2FFFF;
	_ =	strace $0x9FFFFFFF  }
0xc3: {  	(tm) =	ssettm $0x7FFFFFFF  }
tec
execute0_lowered:
.L_overlay_start_1:
0x0: {  	(tag) =	ssettag $0x1  }
0x1: {  	s0 =	srdreg.scid  }
0x2: {  	s1 =	rddreg [dreg:$0x0];
	s2 =	sand.u32 $0x1, s0  }
0x3: {  	s0 =	stileid.u32;
	s5 =	smul.u32 $0x27100, s2  }
0x4: {  	s6 =	rddreg [dreg:$0x1];
	s7 =	smul.u32 $0x2710, s0  }
0x5: {  	s3 =	rddreg [dreg:$0x2];
	s4 =	simm.s32 $0x0;
	s8 =	smul.u32 $0xC8, s0  }
0x6: {  	s28 =	simm.s32 $0x78A0;
	s29 =	simm.s32 $0x0;
	s10 =	smul.u32 $0xC800, s0  }
0x7: {  	[smem:$0x7FF] =	sst s4;
	s23 =	ssub.s32 $0x2, s2;
	s2 =	smul.u32 $0x2710, s2  }
0x8: {  	s16 =	sadd.s32 $0x78600, s6;
	s14 =	sor.u32 $0x30, s0;
	s11 =	smul.u32 $0x190, s0  }
0x9: {  	s17 =	sadd.s32 $0x29E00, s6;
	_ =	strace $0x8000004A;
	s25 =	smul.u32 $0xC800, s14  }
0xa: {  	p0 =	sgt.u32 s0, $0x1;
	s9 =	sshrl.u32 s23, $0x1;
	s19 =	smul.u32 $0xC8, s14  }
0xb: {  	s22 =	smul.u32 $0x190, s14;
	s5 =	sadd.s32 s7, s5;
	s18 =	ssub.s32 s23, s9  }
0xc: {  	s24 =	sshrl.u32 s10, $0x2;
	s12 =	sadd.s32 $0xC80, s8;
	s15 =	sadd.s32 $0x1900, s8  }
0xd: {  	s13 =	sadd.s32 s8, s2;
	s10 =	sadd.s32 s16, s11;
	s23 =	simm.s32 $0x50  }
0xe: {  	s5 =	sshrl.u32 s5, $0x3;
	s26 =	sshll.u32 s12, $0x6;
	s30 =	sshll.u32 s15, $0x6  }
0xf: {  	s9 =	sshrl.u32 s25, $0x2;
	s13 =	sshll.u32 s13, $0x3;
	s31 =	sadd.s32 s2, s12  }
0x10: {  	s12 =	sshll.u32 s12, $0x1;
	s21 =	sshll.u32 s15, $0x1;
	s15 =	sadd.s32 s2, s15  }
0x11: {  	s2 =	sadd.s32 s2, s19;
	s18 =	smax.u32 s18, $0x1;
	s25 =	simm.s32 $0x1  }
0x12: {  	s20 =	sadd.s32 s5, s6;
	s5 =	sadd.s32 $0x29600, s6;
	s6 =	sadd.s32 s24, s3  }
0x13: {  	s7 =	sadd.s32 s26, s3;
	s8 =	sadd.s32 s30, s3;
	s9 =	sadd.s32 s9, s3  }
0x14: {  	s11 =	sadd.s32 s17, s13;
	s13 =	sshll.u32 s31, $0x3;
	s12 =	sadd.s32 s16, s12  }
.Ltmp0:
0x15: {  	s14 =	sadd.s32 s16, s21;
	s15 =	sshll.u32 s15, $0x3;
	(pc) =	sbr.rel .LBB2_1-.Ltmp0, $4  }
0x16: {  	s2 =	sshll.u32 s2, $0x3;
	s16 =	sadd.s32 s16, s22;
	s21 =	simm.s32 $0x46A0  }
0x17: {  	s22 =	simm.s32 $0x2;
	s24 =	simm.s32 $0xA0;
	s26 =	simm.s32 $0x14A0  }
0x18: {  	s13 =	sadd.s32 s17, s13;
	s15 =	sadd.s32 s17, s15;
	[dreg:$0x4] =	wrdreg s16  }
0x19: {  	s17 =	sadd.s32 s17, s2;
	s19 =	sadd.s32 $0x15A00, s20;
	s20 =	sadd.s32 $0x1F800, s20  }
.LBB2_12:
0x1a: {  	[tilespmem:s30+$0x10] =	vst v3  }
0x1b: {  	[tilespmem:s30+$0xFFFFFFE0] =	vst v1  }
0x1c: {  	[tilespmem:s30+$0xFFFFFFF0] =	vst v2  }
0x1d: {  	[tilespmem:s30+$0x0] =	vst v0  }
0x1e: {  	[hbm4b:s17+s4] =	stream.linear.scatter [tilespmem:s26], [sflag:$0x2], $0x3200, $0x38;
	[tilespmem:$0x12160] =	vst v63  }
0x1f: {  	_ =	swait.ge [sflag:s22], $0x3200  }
0x20: {  	[sflag:s22] =	ssyncset.done $0x0  }
0x21: {  	[sflag:s22] =	ssyncadd.s32 $0xFFFFCE00  }
.LBB2_13:
0x22: {  	s29 =	sadd.s32 $0x1, s29  }
0x23: {  	p1 =	sne.s32 s29, s18  }
.Ltmp1:
0x24: {  	_ = 	snop;
	(pc) =	sbr.rel @!p1 .LBB2_14-.Ltmp1, $1  }
0x25: {  	_ =	sdelay $0x3  }
.LBB2_1:
0x26: {  	[tilespmem:s21], [sflag:$0x2] =	stream.linear.gather [hbm4b:s5+s4], $0x3200, $0x38;
	[tilespmem:$0x12160] =	vst v63  }
0x27: {  	_ =	swait.ge [sflag:s22], $0x3200  }
0x28: {  	[sflag:s22] =	ssyncset.done $0x0  }
0x29: {  	[sflag:s22] =	ssyncadd.s32 $0xFFFFCE00  }
0x2a: {  	[spmem:s6] =	stream.linear.scatter [tilespmem:s21], [sflag:$0x2], $0x3200, $0x38;
	[tilespmem:$0x12160] =	vst v63  }
0x2b: {  	_ =	swait.ge [sflag:s22], $0x3200  }
0x2c: {  	[sflag:s22] =	ssyncset.done $0x0  }
0x2d: {  	[sflag:s22] =	ssyncadd.s32 $0xFFFFCE00  }
0x2e: {  	[spmem:s7] =	stream.linear.scatter [tilespmem:s21], [sflag:$0x2], $0x3200, $0x38;
	[tilespmem:$0x12160] =	vst v63  }
0x2f: {  	_ =	swait.ge [sflag:s22], $0x3200  }
0x30: {  	[sflag:s22] =	ssyncset.done $0x0  }
0x31: {  	[sflag:s22] =	ssyncadd.s32 $0xFFFFCE00  }
0x32: {  	[spmem:s8] =	stream.linear.scatter [tilespmem:s21], [sflag:$0x2], $0x3200, $0x38;
	[tilespmem:$0x12160] =	vst v63  }
0x33: {  	_ =	swait.ge [sflag:s22], $0x3200  }
0x34: {  	[sflag:s22] =	ssyncset.done $0x0  }
0x35: {  	s2 =	simm.s32 @!p0 $0x46A0;
	[sflag:s22] =	ssyncadd.s32 $0xFFFFCE00  }
0x36: {  	[spmem:s9] =	stream.linear.scatter @!p0 [tilespmem:s2], [sflag:$0x2], $0x3200, $0x38;
	[tilespmem:$0x12160] =	vst v63  }
0x37: {  	s2 =	simm.s32 @!p0 $0x2  }
0x38: {  	_ =	swait.ge @!p0 [sflag:s2], $0x3200  }
0x39: {  	[sflag:s2] =	ssyncset.done @!p0 $0x0  }
0x3a: {  	[sflag:s2] =	ssyncadd.s32 @!p0 $0xFFFFCE00  }
0x3b: {  	s16 =	sadd.s32 $0x0, s20;
	[bflag:$0x0] =	sbarrier.arrive $0xFFFF  }
0x3c: {  	[tilespmem:s4], [sflag:$0x2] =	stream.linear.gather [hbm4b:s16+s4], $0x50, $0x38;
	[tilespmem:$0x12160] =	vst v63  }
0x3d: {  	_ =	swait.ge [sflag:s22], $0x50  }
0x3e: {  	[sflag:s22] =	ssyncset.done $0x0  }
0x3f: {  	s31 =	sadd.s32 $0x0, s19;
	[sflag:s22] =	ssyncadd.s32 $0xFFFFFFB0  }
0x40: {  	[tilespmem:s23], [sflag:$0x2] =	stream.linear.gather [hbm4b:s31+s4], $0x50, $0x38;
	[tilespmem:$0x12160] =	vst v63  }
0x41: {  	_ =	swait.ge [sflag:s22], $0x50  }
0x42: {  	[sflag:s22] =	ssyncset.done $0x0  }
0x43: {  	[sflag:s22] =	ssyncadd.s32 $0xFFFFFFB0  }
0x44: {  	[tilespmem:s24], [sflag:$0x1] =	stream.indirect.gather [hbm4b:s1+s23], $0x40, s4, s23, $0xb8;
	[tilespmem:$0x12160] =	vst v63  }
0x45: {  	_ =	swait.ge [sflag:s25], $0x1400  }
0x46: {  	[sflag:s25] =	ssyncset.done $0x0  }
0x47: {  	[sflag:s25] =	ssyncadd.s32 $0xFFFFEC00  }
0x48: {  	[spmem:s3] =	stream.indirect.scatter.add.f32 [tilespmem:s24], [sflag:$0x2], $0x40, s23, s23, $0xb8;
	[tilespmem:$0x12160] =	vst v63  }
0x49: {  	_ =	swait.ge [sflag:s22], $0x1400  }
0x4a: {  	s30 =	simm.s32 $0xA;
	s2 =	simm.s32 $0x14;
	[sflag:s22] =	ssyncset.done $0x0  }
.LBB2_2:
0x4b: {  	s31 =	sadd.s32 s30, s20  }
0x4c: {  	[sflag:s22] =	ssyncadd.s32 $0xFFFFEC00;
	s0 =	smov.u32 s2;
	s16 =	sadd.s32 $0xA, s2  }
0x4d: {  	[tilespmem:s4], [sflag:$0x2] =	stream.linear.gather [hbm4b:s31+s4], $0x50, $0x38;
	[tilespmem:$0x12160] =	vst v63  }
0x4e: {  	p1 =	sne.s32 s2, $0x4D8;
	_ =	swait.ge [sflag:s22], $0x50  }
0x4f: {  	[sflag:s22] =	ssyncset.done $0x0  }
0x50: {  	s2 =	sadd.s32 s30, s19;
	s30 =	smov.u32 s0;
	[sflag:s22] =	ssyncadd.s32 $0xFFFFFFB0  }
0x51: {  	[tilespmem:s23], [sflag:$0x2] =	stream.linear.gather [hbm4b:s2+s4], $0x50, $0x38;
	[tilespmem:$0x12160] =	vst v63  }
0x52: {  	_ =	swait.ge [sflag:s22], $0x50  }
0x53: {  	[sflag:s22] =	ssyncset.done $0x0  }
0x54: {  	[sflag:s22] =	ssyncadd.s32 $0xFFFFFFB0  }
0x55: {  	[tilespmem:s24], [sflag:$0x1] =	stream.indirect.gather [hbm4b:s1+s23], $0x40, s4, s23, $0xb8;
	[tilespmem:$0x12160] =	vst v63  }
0x56: {  	_ =	swait.ge [sflag:s25], $0x1400  }
.Ltmp2:
0x57: {  	[sflag:s25] =	ssyncset.done $0x0;
	(pc) =	sbr.rel @p1 .LBB2_2-.Ltmp2, $4  }
0x58: {  	[sflag:s25] =	ssyncadd.s32 $0xFFFFEC00  }
0x59: {  	[spmem:s3] =	stream.indirect.scatter.add.f32 [tilespmem:s24], [sflag:$0x2], $0x40, s23, s23, $0xb8;
	[tilespmem:$0x12160] =	vst v63  }
0x5a: {  	_ =	swait.ge [sflag:s22], $0x1400  }
0x5b: {  	s2 =	smov.u32 s16;
	[sflag:s22] =	ssyncset.done $0x0  }
0x5c: {  	s0 =	sadd.s32 s30, s20;
	[sflag:s22] =	ssyncadd.s32 $0xFFFFEC00  }
0x5d: {  	[tilespmem:s4], [sflag:$0x2] =	stream.linear.gather [hbm4b:s0+s4], $0x50, $0x38;
	[tilespmem:$0x12160] =	vst v63  }
0x5e: {  	_ =	swait.ge [sflag:s22], $0x50  }
0x5f: {  	[sflag:s22] =	ssyncset.done $0x0  }
0x60: {  	s16 =	sadd.s32 s30, s19;
	[sflag:s22] =	ssyncadd.s32 $0xFFFFFFB0  }
0x61: {  	[tilespmem:s23], [sflag:$0x2] =	stream.linear.gather [hbm4b:s16+s4], $0x50, $0x38;
	[tilespmem:$0x12160] =	vst v63  }
0x62: {  	_ =	swait.ge [sflag:s22], $0x50  }
0x63: {  	[sflag:s22] =	ssyncset.done $0x0  }
0x64: {  	[sflag:s22] =	ssyncadd.s32 $0xFFFFFFB0  }
0x65: {  	[tilespmem:s24], [sflag:$0x1] =	stream.indirect.gather [hbm4b:s1+s23], $0x40, s4, s23, $0xb8;
	[tilespmem:$0x12160] =	vst v63  }
0x66: {  	_ =	swait.ge [sflag:s25], $0x1400  }
0x67: {  	[sflag:s25] =	ssyncset.done $0x0  }
0x68: {  	[sflag:s25] =	ssyncadd.s32 $0xFFFFEC00  }
0x69: {  	[spmem:s3] =	stream.indirect.scatter.add.f32 [tilespmem:s24], [sflag:$0x2], $0x40, s23, s23, $0xb8;
	[tilespmem:$0x12160] =	vst v63  }
0x6a: {  	_ =	swait.ge [sflag:s22], $0x1400  }
0x6b: {  	[sflag:s22] =	ssyncset.done $0x0  }
0x6c: {  	[sflag:s22] =	ssyncadd.s32 $0xFFFFEC00  }
0x6d: {  	[bflag:$0x0] =	sbarrier.arrive $0xFFFF  }
0x6e: {  	[tilespmem:s26], [sflag:$0x2] =	stream.linear.gather [spmem:s6], $0x3200, $0x38;
	[tilespmem:$0x12160] =	vst v63  }
0x6f: {  	_ =	swait.ge [sflag:s22], $0x3200  }
0x70: {  	[sflag:s22] =	ssyncset.done $0x0  }
0x71: {  	s2 =	simm.s32 $0x0;
	[sflag:s22] =	ssyncadd.s32 $0xFFFFCE00  }
0x72: {  	[tilespmem:s28], [sflag:$0x2] =	stream.linear.gather [hbm4b:s10+s2], $0xC80, $0x38;
	[tilespmem:$0x12160] =	vst v63  }
0x73: {  	_ =	swait.ge [sflag:s22], $0xC80  }
0x74: {  	[sflag:s22] =	ssyncset.done $0x0  }
0x75: {  	s30 =	simm.s32 $0x14C0;
	[sflag:s22] =	ssyncadd.s32 $0xFFFFF380  }
0x76: {  	v0 =	vld [tilespmem:s30+$0xFFFFFFF0]  }
0x77: {  	v2 =	vld [tilespmem:s30+$0x10]  }
0x78: {  	s16 =	simm.s32 $0x0;
	v1 =	vld [tilespmem:s30+$0xFFFFFFE0]  }
0x79: {  	v4 =	vld [tilespmem:s16+$0x78A0]  }
0x7a: {  	v5 =	vld [tilespmem:s30+$0x0];
	_ =	sdelay $0x3  }
0x7b: {  	v1 =	vmul.f32 v1, v4;
	v3 =	vmul.f32 v2, v4  }
0x7c: {  	s31 =	simm.s32 $0x40;
	s2 =	simm.s32 $0x14C0;
	v2 =	vmul.f32 v0, v4;
	v0 =	vmul.f32 v5, v4  }
.LBB2_4:
0x7d: {  	p1 =	sne.s32 s31, $0x31C0  }
0x7e: {  	[tilespmem:s30+$0x10] =	vst v3;
	s2 =	sadd.s32 $0x40, s2;
	s0 =	smov.u32 s31;
	s31 =	sadd.s32 $0x40, s31  }
0x7f: {  	v4 =	vld [tilespmem:s2+$0xFFFFFFF0];
	[tilespmem:s30+$0xFFFFFFE0] =	vst v1  }
0x80: {  	v3 =	vld [tilespmem:s2+$0x10];
	[tilespmem:s30+$0xFFFFFFF0] =	vst v2  }
0x81: {  	s0 =	sshra.s32 s0, $0x2;
	v1 =	vld [tilespmem:s2+$0xFFFFFFE0];
	[tilespmem:s30+$0x0] =	vst v0;
	s30 =	smov.u32 s2  }
0x82: {  	v0 =	vld [tilespmem:s0+$0x78A0]  }
0x83: {  	v5 =	vld [tilespmem:s2+$0x0]  }
.Ltmp3:
0x84: {  	(pc) =	sbr.rel @p1 .LBB2_4-.Ltmp3, $3  }
0x85: {  	_ =	sdelay $0x1  }
0x86: {  	v1 =	vmul.f32 v1, v0;
	v3 =	vmul.f32 v3, v0  }
0x87: {  	v2 =	vmul.f32 v4, v0;
	v0 =	vmul.f32 v5, v0  }
0x88: {  	[tilespmem:s30+$0x10] =	vst v3  }
0x89: {  	[tilespmem:s30+$0xFFFFFFE0] =	vst v1  }
0x8a: {  	[tilespmem:s30+$0xFFFFFFF0] =	vst v2  }
0x8b: {  	s0 =	simm.s32 $0x0;
	[tilespmem:s30+$0x0] =	vst v0  }
0x8c: {  	[hbm4b:s11+s0] =	stream.linear.scatter [tilespmem:s26], [sflag:$0x2], $0x3200, $0x38;
	[tilespmem:$0x12160] =	vst v63  }
0x8d: {  	_ =	swait.ge [sflag:s22], $0x3200  }
0x8e: {  	[sflag:s22] =	ssyncset.done $0x0  }
0x8f: {  	[sflag:s22] =	ssyncadd.s32 $0xFFFFCE00  }
0x90: {  	[tilespmem:s26], [sflag:$0x2] =	stream.linear.gather [spmem:s7], $0x3200, $0x38;
	[tilespmem:$0x12160] =	vst v63  }
0x91: {  	_ =	swait.ge [sflag:s22], $0x3200  }
0x92: {  	[sflag:s22] =	ssyncset.done $0x0  }
0x93: {  	[sflag:s22] =	ssyncadd.s32 $0xFFFFCE00  }
0x94: {  	[tilespmem:s28], [sflag:$0x2] =	stream.linear.gather [hbm4b:s12+s0], $0xC80, $0x38;
	[tilespmem:$0x12160] =	vst v63  }
0x95: {  	_ =	swait.ge [sflag:s22], $0xC80  }
0x96: {  	[sflag:s22] =	ssyncset.done $0x0  }
0x97: {  	s30 =	simm.s32 $0x14C0;
	[sflag:s22] =	ssyncadd.s32 $0xFFFFF380  }
0x98: {  	v0 =	vld [tilespmem:s30+$0xFFFFFFF0]  }
0x99: {  	v2 =	vld [tilespmem:s30+$0x10]  }
0x9a: {  	s16 =	simm.s32 $0x0;
	v1 =	vld [tilespmem:s30+$0xFFFFFFE0]  }
0x9b: {  	v4 =	vld [tilespmem:s16+$0x78A0]  }
0x9c: {  	v5 =	vld [tilespmem:s30+$0x0];
	_ =	sdelay $0x3  }
0x9d: {  	v1 =	vmul.f32 v1, v4;
	v3 =	vmul.f32 v2, v4  }
0x9e: {  	s31 =	simm.s32 $0x40;
	s2 =	simm.s32 $0x14C0;
	v2 =	vmul.f32 v0, v4;
	v0 =	vmul.f32 v5, v4  }
.LBB2_6:
0x9f: {  	p1 =	sne.s32 s31, $0x31C0  }
0xa0: {  	[tilespmem:s30+$0x10] =	vst v3;
	s2 =	sadd.s32 $0x40, s2;
	s0 =	smov.u32 s31;
	s31 =	sadd.s32 $0x40, s31  }
0xa1: {  	v4 =	vld [tilespmem:s2+$0xFFFFFFF0];
	[tilespmem:s30+$0xFFFFFFE0] =	vst v1  }
0xa2: {  	v3 =	vld [tilespmem:s2+$0x10];
	[tilespmem:s30+$0xFFFFFFF0] =	vst v2  }
0xa3: {  	s0 =	sshra.s32 s0, $0x2;
	v1 =	vld [tilespmem:s2+$0xFFFFFFE0];
	[tilespmem:s30+$0x0] =	vst v0;
	s30 =	smov.u32 s2  }
0xa4: {  	v0 =	vld [tilespmem:s0+$0x78A0]  }
0xa5: {  	v5 =	vld [tilespmem:s2+$0x0]  }
.Ltmp4:
0xa6: {  	(pc) =	sbr.rel @p1 .LBB2_6-.Ltmp4, $3  }
0xa7: {  	_ =	sdelay $0x1  }
0xa8: {  	v1 =	vmul.f32 v1, v0;
	v3 =	vmul.f32 v3, v0  }
0xa9: {  	v2 =	vmul.f32 v4, v0;
	v0 =	vmul.f32 v5, v0  }
0xaa: {  	[tilespmem:s30+$0x10] =	vst v3  }
0xab: {  	[tilespmem:s30+$0xFFFFFFE0] =	vst v1  }
0xac: {  	[tilespmem:s30+$0xFFFFFFF0] =	vst v2  }
0xad: {  	s0 =	simm.s32 $0x0;
	[tilespmem:s30+$0x0] =	vst v0  }
0xae: {  	[hbm4b:s13+s0] =	stream.linear.scatter [tilespmem:s26], [sflag:$0x2], $0x3200, $0x38;
	[tilespmem:$0x12160] =	vst v63  }
0xaf: {  	_ =	swait.ge [sflag:s22], $0x3200  }
0xb0: {  	[sflag:s22] =	ssyncset.done $0x0  }
0xb1: {  	[sflag:s22] =	ssyncadd.s32 $0xFFFFCE00  }
0xb2: {  	[tilespmem:s26], [sflag:$0x2] =	stream.linear.gather [spmem:s8], $0x3200, $0x38;
	[tilespmem:$0x12160] =	vst v63  }
0xb3: {  	_ =	swait.ge [sflag:s22], $0x3200  }
0xb4: {  	[sflag:s22] =	ssyncset.done $0x0  }
0xb5: {  	[sflag:s22] =	ssyncadd.s32 $0xFFFFCE00  }
0xb6: {  	[tilespmem:s28], [sflag:$0x2] =	stream.linear.gather [hbm4b:s14+s0], $0xC80, $0x38;
	[tilespmem:$0x12160] =	vst v63  }
0xb7: {  	_ =	swait.ge [sflag:s22], $0xC80  }
0xb8: {  	[sflag:s22] =	ssyncset.done $0x0  }
0xb9: {  	s30 =	simm.s32 $0x14C0;
	[sflag:s22] =	ssyncadd.s32 $0xFFFFF380  }
0xba: {  	v0 =	vld [tilespmem:s30+$0xFFFFFFF0]  }
0xbb: {  	v2 =	vld [tilespmem:s30+$0x10]  }
0xbc: {  	s16 =	simm.s32 $0x0;
	v1 =	vld [tilespmem:s30+$0xFFFFFFE0]  }
0xbd: {  	v4 =	vld [tilespmem:s16+$0x78A0]  }
0xbe: {  	v5 =	vld [tilespmem:s30+$0x0];
	_ =	sdelay $0x3  }
0xbf: {  	v1 =	vmul.f32 v1, v4;
	v3 =	vmul.f32 v2, v4  }
0xc0: {  	s31 =	simm.s32 $0x40;
	s2 =	simm.s32 $0x14C0;
	v2 =	vmul.f32 v0, v4;
	v0 =	vmul.f32 v5, v4  }
.LBB2_8:
0xc1: {  	p1 =	sne.s32 s31, $0x31C0  }
0xc2: {  	[tilespmem:s30+$0x10] =	vst v3;
	s2 =	sadd.s32 $0x40, s2;
	s0 =	smov.u32 s31;
	s31 =	sadd.s32 $0x40, s31  }
0xc3: {  	v4 =	vld [tilespmem:s2+$0xFFFFFFF0];
	[tilespmem:s30+$0xFFFFFFE0] =	vst v1  }
0xc4: {  	v3 =	vld [tilespmem:s2+$0x10];
	[tilespmem:s30+$0xFFFFFFF0] =	vst v2  }
0xc5: {  	s0 =	sshra.s32 s0, $0x2;
	v1 =	vld [tilespmem:s2+$0xFFFFFFE0];
	[tilespmem:s30+$0x0] =	vst v0;
	s30 =	smov.u32 s2  }
0xc6: {  	v0 =	vld [tilespmem:s0+$0x78A0]  }
0xc7: {  	v5 =	vld [tilespmem:s2+$0x0]  }
.Ltmp5:
0xc8: {  	(pc) =	sbr.rel @p1 .LBB2_8-.Ltmp5, $3  }
0xc9: {  	_ =	sdelay $0x1  }
0xca: {  	v1 =	vmul.f32 v1, v0;
	v3 =	vmul.f32 v3, v0  }
0xcb: {  	v2 =	vmul.f32 v4, v0;
	v0 =	vmul.f32 v5, v0  }
0xcc: {  	[tilespmem:s30+$0x10] =	vst v3  }
0xcd: {  	[tilespmem:s30+$0xFFFFFFE0] =	vst v1  }
0xce: {  	[tilespmem:s30+$0xFFFFFFF0] =	vst v2  }
.Ltmp6:
0xcf: {  	[tilespmem:s30+$0x0] =	vst v0;
	(pc) =	sbr.rel @p0 .LBB2_13-.Ltmp6, $4  }
0xd0: {  	[hbm4b:s15+s4] =	stream.linear.scatter [tilespmem:s26], [sflag:$0x2], $0x3200, $0x38;
	[tilespmem:$0x12160] =	vst v63  }
0xd1: {  	_ =	swait.ge [sflag:s22], $0x3200  }
0xd2: {  	[sflag:s22] =	ssyncset.done $0x0  }
0xd3: {  	[sflag:s22] =	ssyncadd.s32 $0xFFFFCE00  }
0xd4: {  	[tilespmem:s26], [sflag:$0x2] =	stream.linear.gather [spmem:s9], $0x3200, $0x38;
	[tilespmem:$0x12160] =	vst v63  }
0xd5: {  	_ =	swait.ge [sflag:s22], $0x3200  }
0xd6: {  	[sflag:s22] =	ssyncset.done $0x0  }
0xd7: {  	s0 =	simm.s32 $0x0;
	s2 =	rddreg [dreg:$0x4];
	[sflag:s22] =	ssyncadd.s32 $0xFFFFCE00  }
0xd8: {  	[tilespmem:s28], [sflag:$0x2] =	stream.linear.gather [hbm4b:s2+s0], $0xC80, $0x38;
	[tilespmem:$0x12160] =	vst v63  }
0xd9: {  	_ =	swait.ge [sflag:s22], $0xC80  }
0xda: {  	[sflag:s22] =	ssyncset.done $0x0  }
0xdb: {  	s30 =	simm.s32 $0x14C0;
	[sflag:s22] =	ssyncadd.s32 $0xFFFFF380  }
0xdc: {  	v0 =	vld [tilespmem:s30+$0xFFFFFFF0]  }
0xdd: {  	v2 =	vld [tilespmem:s30+$0x10]  }
0xde: {  	s16 =	simm.s32 $0x0;
	v1 =	vld [tilespmem:s30+$0xFFFFFFE0]  }
0xdf: {  	v4 =	vld [tilespmem:s16+$0x78A0]  }
0xe0: {  	v5 =	vld [tilespmem:s30+$0x0];
	_ =	sdelay $0x3  }
0xe1: {  	v1 =	vmul.f32 v1, v4;
	v3 =	vmul.f32 v2, v4  }
0xe2: {  	s31 =	simm.s32 $0x40;
	s2 =	simm.s32 $0x14C0;
	v2 =	vmul.f32 v0, v4;
	v0 =	vmul.f32 v5, v4  }
.LBB2_11:
0xe3: {  	p1 =	sne.s32 s31, $0x31C0  }
0xe4: {  	[tilespmem:s30+$0x10] =	vst v3;
	s2 =	sadd.s32 $0x40, s2;
	s0 =	smov.u32 s31;
	s31 =	sadd.s32 $0x40, s31  }
0xe5: {  	v4 =	vld [tilespmem:s2+$0xFFFFFFF0];
	[tilespmem:s30+$0xFFFFFFE0] =	vst v1  }
0xe6: {  	v3 =	vld [tilespmem:s2+$0x10];
	[tilespmem:s30+$0xFFFFFFF0] =	vst v2  }
0xe7: {  	s0 =	sshra.s32 s0, $0x2;
	v1 =	vld [tilespmem:s2+$0xFFFFFFE0];
	[tilespmem:s30+$0x0] =	vst v0;
	s30 =	smov.u32 s2  }
0xe8: {  	v0 =	vld [tilespmem:s0+$0x78A0]  }
0xe9: {  	v5 =	vld [tilespmem:s2+$0x0]  }
.Ltmp7:
0xea: {  	(pc) =	sbr.rel @p1 .LBB2_11-.Ltmp7, $3  }
0xeb: {  	_ =	sdelay $0x1  }
0xec: {  	v1 =	vmul.f32 v1, v0;
	v3 =	vmul.f32 v3, v0  }
0xed: {  	v2 =	vmul.f32 v4, v0;
	v0 =	vmul.f32 v5, v0  }
.Ltmp8:
0xee: {  	_ = 	snop;
	(pc) =	sbr.rel .LBB2_12-.Ltmp8, $1  }
0xef: {  	_ =	sdelay $0x3  }
.LBB2_14:
0xf0: {  	_ =	sfence.sel $0x180000  }
0xf1: {  	[bflag:$0x0] =	sbarrier.arrive $0xFFFF  }
0xf2: {  	_ =	strace $0x9000004A  }
0xf3: {  	s0 =	stileid.u32;
	[bflag:$0x2] =	sbarrier.arrive $0xFFFF  }
0xf4: {  	p0 =	sne.s32 s0, $0x0;
	s0 =	rddreg [dreg:$0x3]  }
0xf5: {  	s0 =	sadd.s32 @!p0 $0x100000, s0  }
0xf6: {  	[sflag:s0] =	ssyncadd.tile.s32 @!p0 $0x1;
	_ =	shalt  }
.Lfunc_end2:
_tile_overlayer_lowered:
.L_overlay_start_2:
0xf7: {  	(tag) =	ssettag $0x2  }
0xf8: {  	s0 =	rddreg [dreg:$0x0];
	s2 =	stileid.u32  }
0xf9: {  	s1 =	rddreg [dreg:$0x1];
	p0 =	sne.s32 s2, $0x0  }
0xfa: {  	s3 =	rddreg [dreg:$0x2];
	[bflag:$0x3] =	sbarrier.arrive $0xFFFF;
	s2 =	simm.s32 @!p0 $0x1C02  }
0xfb: {  	[timem:s3], [sflag:s2] =	dma.local @!p0 [hbm:s0], s1  }
0xfc: {  	s0 =	simm.s32 @!p0 $0x2  }
0xfd: {  	_ =	swait.ge @!p0 [sflag:s0], s1  }
0xfe: {  	s1 =	ssub.s32 @!p0 $0x0, s1;
	[sflag:s0] =	ssyncset.done @!p0 $0x0  }
0xff: {  	[sflag:s0] =	ssyncadd.s32 @!p0 s1  }
0x100: {  	[bflag:$0x3] =	sbarrier.arrive $0xFFFF  }
0x101: {  	_ =	shalt  }

// kernel: kernel.7.cloned.1.call-start
scs
__scs_entry_jumppad:
0x0: {  	(pc) =	sbr.rel $0x88, $3  }
0x1: {  	(tag) =	ssettag $0x0;
	lr =	simm.s32 $0x1  }
0x2: {  	[smem:$0x3F99] =	sst lr;
	_ =	strace $0xD0000000  }
0x3: {  	_ = 	snop  }
0x4: {  	_ = 	snop  }
0x5: {  	_ = 	snop  }
0x6: {  	_ = 	snop  }
0x7: {  	_ = 	snop  }
__scs_overlays_trampoline_lowered:
0x8: {  	[smem:$0x3FA8] =	sst s0  }
0x9: {  	[smem:$0x3FA9] =	sst s1  }
0xa: {  	[smem:$0x3FAA] =	sst s2  }
0xb: {  	[smem:$0x3FAB] =	sst s3  }
0xc: {  	[smem:$0x3FAC] =	sst s4  }
0xd: {  	[smem:$0x3FAD] =	sst s5  }
0xe: {  	[smem:$0x3FAE] =	sst s6  }
0xf: {  	[smem:$0x3FAF] =	sst s7  }
0x10: {  	[smem:$0x3FB0] =	sst s8  }
0x11: {  	[smem:$0x3FB1] =	sst s9;
	s0 =	simm.s32 @!p0 $0x0  }
0x12: {  	s1 =	sld [smem:$0x3F97];
	s0 =	simm.s32 @p0 $0x1  }
0x13: {  	[smem:$0x3FB2] =	sst s0;
	s0 =	simm.s32 @!p1 $0x0  }
0x14: {  	s2 =	sld [smem:$0x3F96];
	s0 =	simm.s32 @p1 $0x1  }
0x15: {  	[smem:$0x3FB3] =	sst s0;
	s0 =	simm.s32 @!p2 $0x0  }
0x16: {  	s3 =	sld [smem:$0x3FDB];
	s0 =	simm.s32 @p2 $0x1  }
0x17: {  	s4 =	simm.s32 $0x1BF5;
	[smem:$0x3FB5] =	sst s0  }
0x18: {  	s0 =	sld [smem:$0x3F98];
	_ =	swait.ge [sflag:s4], $0x0  }
0x19: {  	s7 =	sld [smem:$0x3F99]  }
0x1a: {  	s8 =	sadd.s32 $0xFFFFE003, lr  }
0x1b: {  	s9 =	sadd.s32 $0xFFFFFEF7, lr;
	s5 =	simm.s32 $0xFFFFFFFF;
	p2 =	slt.u32 s8, $0xFFFFF086  }
0x1c: {  	p1 =	slt.u32 s9, $0xF7A;
	s5 =	simm.s32 @!p2 $0x0  }
0x1d: {  	s5 =	simm.s32 @p1 $0x1;
	p0 =	seq.s32 s7, s2  }
0x1e: {  	s7 =	smul.u32 @!p0 $0xF7A, s2;
	p2 =	seq.s32 @!p0 s5, $0x0  }
0x1f: {  	s9 =	smul.u32 $0xF7A, s1;
	s8 =	simm.s32 @!p0 $0x1BF5;
	p2 =	por !p2, p0  }
0x20: {  	[sflag:s8] =	ssyncset.s32 @!p0 $0xFFFFF086;
	s6 =	sadd.s32 @!p0 s3, s7;
	s7 =	simm.s32 @!p0 $0x108  }
0x21: {  	s3 =	sadd.s32 s3, s9;
	s6 =	sadd.s32 @!p0 $0x88, s6;
	s7 =	simm.s32 @p2 $0x1082  }
0x22: {  	[simem:s7], [sflag:s8] =	dma.local @!p0 [hbm:s6], $0xF7A  }
0x23: {  	s9 =	sor.u32 $0xD0000000, s2;
	s6 =	simm.s32 $0x108;
	_ =	swait.ge @!p0 [sflag:s8], $0x0  }
0x24: {  	s3 =	sadd.s32 $0x88, s3;
	s6 =	simm.s32 @!p1 $0x1082;
	[sflag:s4] =	ssyncset.s32 $0xFFFFF086  }
0x25: {  	[simem:s6], [sflag:s4] =	dma.local [hbm:s3], $0xF7A  }
0x26: {  	[smem:$0x3F99] =	sst s1;
	(tag) =	ssettag s2;
	_ =	strace s9  }
0x27: {  	s1 =	sld [smem:$0x3FA9]  }
0x28: {  	s2 =	sld [smem:$0x3FAA]  }
0x29: {  	s4 =	sld [smem:$0x3FAC]  }
0x2a: {  	p0 =	seq.s32 s5, $0x0;
	s5 =	sld [smem:$0x3FAD]  }
0x2b: {  	s6 =	sld [smem:$0x3FAE]  }
0x2c: {  	s7 =	sld [smem:$0x3FAF]  }
0x2d: {  	s3 =	simm.s32 $0x108;
	s8 =	sld [smem:$0x3FB0]  }
0x2e: {  	s3 =	simm.s32 @!p0 $0x1082;
	s9 =	sld [smem:$0x3FB1]  }
0x2f: {  	lr =	sadd.s32 s0, s3;
	s0 =	sld [smem:$0x3FA8]  }
0x30: {  	s3 =	sld [smem:$0x3FAB]  }
0x31: {  	[smem:$0x3FB4] =	sst s10  }
0x32: {  	s10 =	sld [smem:$0x3FB2];
	_ =	sdelay $0x3  }
0x33: {  	p0 =	seq.s32 s10, $0x1;
	s10 =	sld [smem:$0x3FB4];
	_ =	sdelay $0x3  }
0x34: {  	[smem:$0x3FB4] =	sst s10  }
0x35: {  	s10 =	sld [smem:$0x3FB3];
	_ =	sdelay $0x3  }
0x36: {  	p1 =	seq.s32 s10, $0x1;
	s10 =	sld [smem:$0x3FB4];
	_ =	sdelay $0x3  }
0x37: {  	[smem:$0x3FB4] =	sst s10  }
0x38: {  	s10 =	sld [smem:$0x3FB5]  }
0x39: {  	_ = 	snop;
	(pc) =	sbr.ind lr, $3  }
0x3a: {  	_ = 	snop  }
0x3b: {  	_ = 	snop  }
0x3c: {  	p2 =	seq.s32 s10, $0x1;
	s10 =	sld [smem:$0x3FB4]  }
0x3d: {  	_ =	shalt  }
0x3e: {  	_ =	shalt  }
0x3f: {  	_ =	shalt  }
0x40: {  	_ =	shalt  }
0x41: {  	_ =	shalt  }
0x42: {  	_ =	shalt  }
0x43: {  	_ =	shalt  }
0x44: {  	_ =	shalt  }
0x45: {  	_ =	shalt  }
0x46: {  	_ =	shalt  }
0x47: {  	_ =	shalt  }
0x48: {  	_ =	shalt  }
0x49: {  	_ =	shalt  }
0x4a: {  	_ =	shalt  }
0x4b: {  	_ =	shalt  }
0x4c: {  	_ =	shalt  }
0x4d: {  	_ =	shalt  }
0x4e: {  	_ =	shalt  }
0x4f: {  	_ =	shalt  }
0x50: {  	_ =	shalt  }
0x51: {  	_ =	shalt  }
0x52: {  	_ =	shalt  }
0x53: {  	_ =	shalt  }
0x54: {  	_ =	shalt  }
0x55: {  	_ =	shalt  }
0x56: {  	_ =	shalt  }
0x57: {  	_ =	shalt  }
0x58: {  	_ =	shalt  }
0x59: {  	_ =	shalt  }
0x5a: {  	_ =	shalt  }
0x5b: {  	_ =	shalt  }
0x5c: {  	_ =	shalt  }
0x5d: {  	_ =	shalt  }
0x5e: {  	_ =	shalt  }
0x5f: {  	_ =	shalt  }
0x60: {  	_ =	shalt  }
0x61: {  	_ =	shalt  }
0x62: {  	_ =	shalt  }
0x63: {  	_ =	shalt  }
0x64: {  	_ =	shalt  }
0x65: {  	_ =	shalt  }
0x66: {  	_ =	shalt  }
0x67: {  	_ =	shalt  }
0x68: {  	_ =	shalt  }
0x69: {  	_ =	shalt  }
0x6a: {  	_ =	shalt  }
0x6b: {  	_ =	shalt  }
0x6c: {  	_ =	shalt  }
0x6d: {  	_ =	shalt  }
0x6e: {  	_ =	shalt  }
0x6f: {  	_ =	shalt  }
0x70: {  	_ =	shalt  }
0x71: {  	_ =	shalt  }
0x72: {  	_ =	shalt  }
0x73: {  	_ =	shalt  }
0x74: {  	_ =	shalt  }
0x75: {  	_ =	shalt  }
0x76: {  	_ =	shalt  }
0x77: {  	_ =	shalt  }
0x78: {  	_ =	shalt  }
0x79: {  	_ =	shalt  }
0x7a: {  	_ =	shalt  }
0x7b: {  	_ =	shalt  }
0x7c: {  	_ =	shalt  }
0x7d: {  	_ =	shalt  }
0x7e: {  	_ =	shalt  }
0x7f: {  	_ =	shalt  }
0x80: {  	_ =	shalt  }
0x81: {  	_ =	shalt  }
0x82: {  	_ =	shalt  }
0x83: {  	_ =	shalt  }
0x84: {  	_ =	shalt  }
0x85: {  	_ =	shalt  }
0x86: {  	_ =	shalt  }
0x87: {  	_ =	shalt  }
.Lfunc_end0:
.L_simem_size_0:
called_computation_lowered:
.L_overlay_start_0:
0x88: {  	s2 =	sld [smem:$0x3FD9]  }
0x89: {  	s3 =	sld [smem:$0x3FFE];
	_ =	sdelay $0x1  }
0x8a: {  	s1 =	srdreg.scid  }
0x8b: {  	s0 =	sand.u32 $0x1, s1  }
0x8c: {  	s17 =	sshll.u32 s0, $0xA;
	s2 =	sadd.s32 s3, s2  }
0x8d: {  	s2 =	sadd.s32 s2, s17  }
0x8e: {  	[smem:$0x3FC0] =	sst s2  }
0x8f: {  	_ = 	snop  }
0x90: {  	s2 =	sld [smem:$0x3FD0];
	(tm) =	ssettm $0x1  }
0x91: {  	s18 =	sld [smem:$0x3FFB];
	_ =	sdelay $0x3  }
0x92: {  	_ =	strace s18  }
0x93: {  	s3 =	sld [smem:$0x3FFC];
	_ =	sdelay $0x3  }
0x94: {  	_ =	strace s3  }
0x95: {  	s3 =	sld [smem:$0x3FFD];
	_ =	sdelay $0x3  }
0x96: {  	_ =	strace s3  }
0x97: {  	_ =	strace $0x8FFFFFFF  }
0x98: {  	s19 =	sld [smem:$0x3FDB];
	_ =	sdelay $0x1  }
0x99: {  	s4 =	simm.s32 $_scs_section_size  }
0x9a: {  	s5 =	simm.s32 $_size__tile_overlayer_lowered;
	s6 =	simm.s32 $_tile_overlayer_lowered  }
0x9b: {  	s22 =	simm.s32 $0x1BFF;
	s21 =	sshll.u32 s6, $0x1;
	s3 =	sadd.s32 s4, s19  }
0x9c: {  	s7 =	simm.s32 $0x0;
	s20 =	sshll.u32 s5, $0x1;
	s5 =	sadd.s32 s21, s3  }
0x9d: {  	[timem:s7], [sflag:s22] =	dma.local [hbm:s5], s20  }
0x9e: {  	_ =	swait.ge [sflag:s22], s20  }
0x9f: {  	s4 =	ssub.s32 $0x0, s20;
	[sflag:s22] =	ssyncset.done $0x0  }
0xa0: {  	[sflag:s22] =	ssyncadd.s32 s4;
	_ =	sdelay $0x1  }
0xa1: {  	s23 =	simm.s32 $0x1B8B  }
0xa2: {  	_ =	swait.ge [sflag:s23], $0x1  }
0xa3: {  	[sflag:s23] =	ssyncset.done $0x0  }
0xa4: {  	s25 =	simm.s32 $0x1B8E;
	s24 =	sld [smem:$0x3FFE];
	[sflag:s23] =	ssyncadd.s32 $0xFFFFFFFF  }
0xa5: {  	s26 =	simm.s32 $execute0_lowered;
	[smem:$0x3FD2] =	sst s25  }
0xa6: {  	s5 =	sshll.u32 s26, $0x1;
	_ =	strace $0x80000046;
	[dreg:$0x1] =	wrdreg $0xFFFFFFFF  }
0xa7: {  	s28 =	simm.s32 $_size_execute0_lowered;
	s3 =	sadd.s32 s3, s5;
	[dreg:$0x0] =	wrdreg $0x0  }
0xa8: {  	s5 =	sshll.u32 s28, $0x1;
	[dreg:$0x2] =	wrdreg s3  }
0xa9: {  	[dreg:$0x3] =	wrdreg s5  }
0xaa: {  	[dreg:$0x4] =	wrdreg $0xC0  }
0xab: {  	_ =	task [dreg:s7], $0x5FFFF  }
0xac: {  	[dreg:$0x1] =	wrdreg $0xFFFFFFFF  }
0xad: {  	[dreg:$0x0] =	wrdreg $0x60  }
0xae: {  	[dreg:$0x2] =	wrdreg s2  }
0xaf: {  	[dreg:$0x3] =	wrdreg s24  }
0xb0: {  	[dreg:$0x4] =	wrdreg $0x96A00  }
0xb1: {  	[dreg:$0x5] =	wrdreg $0x132E00  }
0xb2: {  	[dreg:$0x6] =	wrdreg $0x9  }
0xb3: {  	_ =	task.clear_ibuf [dreg:s7], $0x7FFFF;
	_ =	strace $0x90000046  }
0xb4: {  	s29 =	simm.s32 $0x9;
	_ =	strace $0x80000048  }
0xb5: {  	_ =	swait.ge [sflag:s29], $0x1  }
0xb6: {  	[sflag:s29] =	ssyncadd.s32 $0xFFFFFFFF  }
0xb7: {  	_ =	strace $0x90000048  }
0xb8: {  	_ =	sfence  }
0xb9: {  	s30 =	sld [smem:$0x0];
	_ =	sdelay $0x2  }
0xba: {  	s31 =	sshll.u32 s1, $0xD;
	s1 =	sshrl.u32 s1, $0x2  }
0xbb: {  	s3 =	sand.u32 $0x4000, s31;
	s1 =	sadd.s32 s1, s30  }
0xbc: {  	s0 =	sor.u32 s3, s0;
	s1 =	sshll.u32 s1, $0x11  }
0xbd: {  	s0 =	sor.u32 s1, s0  }
0xbe: {  	s0 =	sadd.s32 $0x8F2B, s0  }
0xbf: {  	[sflag:s0] =	ssyncadd.remote.s32 $0x1  }
0xc0: {  	_ =	sfence.sel $0xFFFF  }
0xc1: {  	[dreg:$0x0] =	wrdreg $0xFFFFFFFF;
	(pc) =	sbr.abs _section_cstart, $3  }
0xc2: {  	[dreg:$0x1] =	wrdreg $0xFFFFFFFF  }
0xc3: {  	_ =	task.clear_ibuf [dreg:s7], $0x2FFFF;
	_ =	strace $0x9FFFFFFF  }
0xc4: {  	(tm) =	ssettm $0x7FFFFFFF  }
0xc5: {  	_ =	shalt  }
tec
execute0_lowered:
.L_overlay_start_1:
0x0: {  	(tag) =	ssettag $0x1  }
0x1: {  	s0 =	srdreg.scid;
	s1 =	rddreg [dreg:$0x0]  }
0x2: {  	s23 =	stileid.u32;
	s7 =	rddreg [dreg:$0x1]  }
0x3: {  	s2 =	rddreg [dreg:$0x2];
	s5 =	smul.u32 $0x2710, s23  }
0x4: {  	s3 =	simm.s32 $0x0;
	s0 =	sand.u32 $0x1, s0;
	s22 =	smul.u32 $0xC8, s23  }
0x5: {  	[smem:$0x7FF] =	sst s3;
	s10 =	sadd.s32 $0x51400, s7;
	s11 =	smul.u32 $0xC80, s23  }
0x6: {  	s12 =	sadd.s32 $0x2A200, s7;
	s13 =	sadd.s32 $0x78600, s7;
	s16 =	sor.u32 $0x30, s23  }
0x7: {  	p0 =	sgt.u32 s23, $0x1;
	s4 =	smul.u32 $0x27100, s0;
	s24 =	ssub.s32 $0x2, s0  }
0x8: {  	s0 =	smul.u32 $0x2710, s0;
	s6 =	sshrl.u32 s24, $0x1;
	s14 =	sadd.s32 $0xC80, s22  }
0x9: {  	s15 =	sadd.s32 $0x1900, s22;
	s25 =	sshrl.u32 s11, $0x3;
	s9 =	sadd.s32 s5, s4  }
0xa: {  	s5 =	ssub.s32 s24, s6;
	s8 =	sadd.s32 s22, s0;
	s26 =	sadd.s32 s13, s25  }
0xb: {  	s18 =	sadd.s32 s0, s14;
	s21 =	sshll.u32 s15, $0x1;
	s22 =	smul.u32 $0xC80, s16  }
0xc: {  	[dreg:$0x5] =	wrdreg s26;
	s17 =	sshll.u32 s8, $0x3;
	s8 =	sshll.u32 s14, $0x1  }
0xd: {  	s18 =	sshll.u32 s18, $0x3;
	s9 =	sshrl.u32 s9, $0x3;
	s6 =	sadd.s32 s10, s17  }
0xe: {  	s19 =	sadd.s32 s13, s8;
	s20 =	sadd.s32 s10, s18;
	[dreg:$0x6] =	wrdreg s6  }
0xf: {  	s8 =	sadd.s32 s13, s21;
	s21 =	smul.u32 $0x190, s16;
	[dreg:$0x7] =	wrdreg s19  }
0x10: {  	s24 =	sshrl.u32 s22, $0x3;
	s17 =	sadd.s32 s12, s17;
	[dreg:$0x8] =	wrdreg s20  }
0x11: {  	s19 =	smul.u32 $0xC8, s16;
	s20 =	sadd.s32 s0, s15;
	[dreg:$0xd] =	wrdreg s17  }
0x12: {  	s25 =	sadd.s32 s13, s24;
	s17 =	rddreg [dreg:$0x3];
	s24 =	sadd.s32 $0x15A00, s7  }
0x13: {  	s20 =	sshll.u32 s20, $0x3;
	s26 =	sadd.s32 s13, s21;
	s21 =	smul.u32 $0x9C4, s23  }
0x14: {  	[dreg:$0x9] =	wrdreg s25;
	s25 =	smul.u32 $0xC800, s23;
	s22 =	sadd.s32 s22, s17  }
0x15: {  	s23 =	simm.s32 $0x0;
	[dreg:$0xa] =	wrdreg s26;
	s6 =	sadd.s32 s10, s20  }
0x16: {  	s0 =	sadd.s32 s0, s19;
	s19 =	sadd.s32 s12, s18;
	[dreg:$0xb] =	wrdreg s6  }
0x17: {  	s20 =	sadd.s32 s12, s20;
	s26 =	sadd.s32 $0x29600, s7;
	[dreg:$0xe] =	wrdreg s19  }
0x18: {  	s18 =	sshll.u32 s15, $0x4;
	s0 =	sshll.u32 s0, $0x3;
	[dreg:$0xf] =	wrdreg s20  }
0x19: {  	s19 =	sadd.s32 s21, s24;
	s20 =	sadd.s32 s9, s24;
	s9 =	sadd.s32 s9, s7  }
0x1a: {  	s21 =	sadd.s32 $0x2000, s7;
	s6 =	sadd.s32 $0x29E00, s7;
	s31 =	sadd.s32 s18, s17  }
0x1b: {  	s24 =	smax.u32 s5, $0x1;
	s18 =	simm.s32 $0x4BA0;
	s13 =	sadd.s32 s10, s0  }
0x1c: {  	s5 =	simm.s32 $0x8A20;
	s0 =	sadd.s32 s12, s0;
	[dreg:$0xc] =	wrdreg s13  }
0x1d: {  	s10 =	sadd.s32 $0x2A000, s7;
	s12 =	sshll.u32 s14, $0x4;
	[dreg:$0x10] =	wrdreg s0  }
0x1e: {  	s0 =	sshrl.u32 s25, $0x2;
	_ =	strace $0x80000047;
	[dreg:$0x11] =	wrdreg s26  }
0x1f: {  	s13 =	smul.u32 $0xC800, s16;
	s29 =	sadd.s32 s12, s17;
	[dreg:$0x12] =	wrdreg s6  }
0x20: {  	[dreg:$0x13] =	wrdreg s10;
	s25 =	sadd.s32 s0, s2;
	s26 =	sadd.s32 s11, s17  }
0x21: {  	s11 =	sshll.u32 s14, $0x6;
	s14 =	smul.u32 $0x3200, s16;
	[dreg:$0x15] =	wrdreg s22  }
0x22: {  	s16 =	sshll.u32 s15, $0x6;
	[dreg:$0x16] =	wrdreg s24;
	s15 =	simm.s32 $0x1  }
.Ltmp0:
0x23: {  	s22 =	simm.s32 $0x7DA0;
	s28 =	sadd.s32 s11, s2;
	(pc) =	sbr.rel .LBB2_1-.Ltmp0, $4  }
0x24: {  	s30 =	sadd.s32 s16, s2;
	s7 =	sshrl.u32 s13, $0x2;
	s13 =	sadd.s32 $0x1F800, s9  }
0x25: {  	s9 =	simm.s32 $0x2;
	s11 =	simm.s32 $0x50;
	s0 =	sshrl.u32 s14, $0x2  }
0x26: {  	s16 =	simm.s32 $0x19A0;
	s12 =	sadd.s32 s7, s2;
	s0 =	sadd.s32 s0, s17  }
0x27: {  	s7 =	simm.s32 $0x14A0;
	s14 =	simm.s32 $0xA0;
	[dreg:$0x14] =	wrdreg s0  }
.LBB2_37:
0x28: {  	[tilespmem:s24+$0x10] =	vst v3  }
0x29: {  	[tilespmem:s24+$0xFFFFFFE0] =	vst v1  }
0x2a: {  	[tilespmem:s24+$0xFFFFFFF0] =	vst v2  }
0x2b: {  	[tilespmem:s24+$0x0] =	vst v0;
	s0 =	rddreg [dreg:$0x10]  }
0x2c: {  	[hbm4b:s0+s3] =	stream.linear.scatter [tilespmem:s16], [sflag:$0x2], $0x3200, $0x38;
	[tilespmem:$0x159F0] =	vst v63  }
0x2d: {  	_ =	swait.ge [sflag:s9], $0x3200  }
0x2e: {  	[sflag:s9] =	ssyncset.done $0x0  }
0x2f: {  	[sflag:s9] =	ssyncadd.s32 $0xFFFFCE00  }
.LBB2_38:
0x30: {  	s23 =	sadd.s32 $0x1, s23;
	s0 =	rddreg [dreg:$0x16]  }
0x31: {  	p1 =	sne.s32 s23, s0  }
.Ltmp1:
0x32: {  	_ = 	snop;
	(pc) =	sbr.rel @!p1 .LBB2_39-.Ltmp1, $1  }
0x33: {  	_ =	sdelay $0x3  }
.LBB2_1:
0x34: {  	s0 =	rddreg [dreg:$0x11]  }
0x35: {  	[tilespmem:s18], [sflag:$0x2] =	stream.linear.gather [hbm4b:s0+s3], $0x3200, $0x38;
	[tilespmem:$0x159F0] =	vst v63  }
0x36: {  	_ =	swait.ge [sflag:s9], $0x3200  }
0x37: {  	[sflag:s9] =	ssyncset.done $0x0  }
0x38: {  	s6 =	rddreg [dreg:$0x12];
	[sflag:s9] =	ssyncadd.s32 $0xFFFFCE00  }
0x39: {  	[tilespmem:s5], [sflag:$0x2] =	stream.linear.gather [hbm4b:s6+s3], $0xC80, $0x38;
	[tilespmem:$0x159F0] =	vst v63  }
0x3a: {  	_ =	swait.ge [sflag:s9], $0xC80  }
0x3b: {  	[sflag:s9] =	ssyncset.done $0x0  }
0x3c: {  	s10 =	rddreg [dreg:$0x13];
	[sflag:s9] =	ssyncadd.s32 $0xFFFFF380  }
0x3d: {  	[tilespmem:s7], [sflag:$0x2] =	stream.linear.gather [hbm4b:s10+s3], $0x500, $0x38;
	[tilespmem:$0x159F0] =	vst v63  }
0x3e: {  	_ =	swait.ge [sflag:s9], $0x500  }
0x3f: {  	[sflag:s9] =	ssyncset.done $0x0  }
0x40: {  	[sflag:s9] =	ssyncadd.s32 $0xFFFFFB00  }
0x41: {  	[spmem:s25] =	stream.linear.scatter [tilespmem:s18], [sflag:$0x2], $0x3200, $0x38;
	[tilespmem:$0x159F0] =	vst v63  }
0x42: {  	_ =	swait.ge [sflag:s9], $0x3200  }
0x43: {  	[sflag:s9] =	ssyncset.done $0x0  }
0x44: {  	[sflag:s9] =	ssyncadd.s32 $0xFFFFCE00  }
0x45: {  	[spmem:s26] =	stream.linear.scatter [tilespmem:s5], [sflag:$0x2], $0xC80, $0x38;
	[tilespmem:$0x159F0] =	vst v63  }
0x46: {  	_ =	swait.ge [sflag:s9], $0xC80  }
0x47: {  	[sflag:s9] =	ssyncset.done $0x0  }
0x48: {  	[sflag:s9] =	ssyncadd.s32 $0xFFFFF380  }
0x49: {  	[spmem:s28] =	stream.linear.scatter [tilespmem:s18], [sflag:$0x2], $0x3200, $0x38;
	[tilespmem:$0x159F0] =	vst v63  }
0x4a: {  	_ =	swait.ge [sflag:s9], $0x3200  }
0x4b: {  	[sflag:s9] =	ssyncset.done $0x0  }
0x4c: {  	[sflag:s9] =	ssyncadd.s32 $0xFFFFCE00  }
0x4d: {  	[spmem:s29] =	stream.linear.scatter [tilespmem:s5], [sflag:$0x2], $0xC80, $0x38;
	[tilespmem:$0x159F0] =	vst v63  }
0x4e: {  	_ =	swait.ge [sflag:s9], $0xC80  }
0x4f: {  	[sflag:s9] =	ssyncset.done $0x0  }
0x50: {  	[sflag:s9] =	ssyncadd.s32 $0xFFFFF380  }
0x51: {  	[spmem:s30] =	stream.linear.scatter [tilespmem:s18], [sflag:$0x2], $0x3200, $0x38;
	[tilespmem:$0x159F0] =	vst v63  }
0x52: {  	_ =	swait.ge [sflag:s9], $0x3200  }
0x53: {  	[sflag:s9] =	ssyncset.done $0x0  }
0x54: {  	[sflag:s9] =	ssyncadd.s32 $0xFFFFCE00  }
0x55: {  	[spmem:s31] =	stream.linear.scatter [tilespmem:s5], [sflag:$0x2], $0xC80, $0x38;
	[tilespmem:$0x159F0] =	vst v63  }
0x56: {  	_ =	swait.ge [sflag:s9], $0xC80  }
0x57: {  	[sflag:s9] =	ssyncset.done $0x0  }
0x58: {  	s0 =	simm.s32 @!p0 $0x4BA0;
	[sflag:s9] =	ssyncadd.s32 $0xFFFFF380  }
0x59: {  	[spmem:s12] =	stream.linear.scatter @!p0 [tilespmem:s0], [sflag:$0x2], $0x3200, $0x38;
	[tilespmem:$0x159F0] =	vst v63  }
0x5a: {  	s0 =	simm.s32 @!p0 $0x2  }
0x5b: {  	_ =	swait.ge @!p0 [sflag:s0], $0x3200  }
0x5c: {  	[sflag:s0] =	ssyncset.done @!p0 $0x0  }
0x5d: {  	s10 =	simm.s32 @!p0 $0x8A20;
	s4 =	rddreg [dreg:$0x14];
	[sflag:s0] =	ssyncadd.s32 @!p0 $0xFFFFCE00  }
0x5e: {  	[spmem:s4] =	stream.linear.scatter @!p0 [tilespmem:s10], [sflag:$0x2], $0xC80, $0x38;
	[tilespmem:$0x159F0] =	vst v63  }
0x5f: {  	_ =	swait.ge @!p0 [sflag:s0], $0xC80  }
0x60: {  	[sflag:s0] =	ssyncset.done @!p0 $0x0  }
0x61: {  	[sflag:s0] =	ssyncadd.s32 @!p0 $0xFFFFF380  }
0x62: {  	s24 =	sadd.s32 $0x0, s19;
	[bflag:$0x0] =	sbarrier.arrive $0xFFFF  }
0x63: {  	[tilespmem:s11], [sflag:$0x2] =	stream.linear.gather [hbm4b:s24+s3], $0x50, $0x38;
	[tilespmem:$0x159F0] =	vst v63  }
0x64: {  	_ =	swait.ge [sflag:s9], $0x50  }
0x65: {  	[sflag:s9] =	ssyncset.done $0x0  }
0x66: {  	[sflag:s9] =	ssyncadd.s32 $0xFFFFFFB0  }
0x67: {  	[spmem:s17] =	stream.indirect.scatter.add.f32 [tilespmem:s7], [sflag:$0x2], $0x10, s11, s11, $0xb8;
	[tilespmem:$0x159F0] =	vst v63  }
0x68: {  	_ =	swait.ge [sflag:s9], $0x500  }
0x69: {  	s10 =	sadd.s32 $0xA, s19;
	s0 =	simm.s32 $0x14;
	[sflag:s9] =	ssyncset.done $0x0  }
.LBB2_2:
0x6a: {  	s4 =	sadd.s32 s0, s19;
	s24 =	simm.s32 $0x0;
	[sflag:s9] =	ssyncadd.s32 $0xFFFFFB00  }
0x6b: {  	[tilespmem:s11], [sflag:$0x2] =	stream.linear.gather [hbm4b:s10+s24], $0x50, $0x38;
	[tilespmem:$0x159F0] =	vst v63  }
0x6c: {  	p1 =	sne.s32 s0, $0x9BA;
	s0 =	sadd.s32 $0xA, s0;
	_ =	swait.ge [sflag:s9], $0x50  }
.Ltmp2:
0x6d: {  	s10 =	smov.u32 s4;
	[sflag:s9] =	ssyncset.done $0x0;
	(pc) =	sbr.rel @p1 .LBB2_2-.Ltmp2, $4  }
0x6e: {  	[sflag:s9] =	ssyncadd.s32 $0xFFFFFFB0  }
0x6f: {  	[spmem:s17] =	stream.indirect.scatter.add.f32 [tilespmem:s7], [sflag:$0x2], $0x10, s11, s11, $0xb8;
	[tilespmem:$0x159F0] =	vst v63  }
0x70: {  	_ =	swait.ge [sflag:s9], $0x500  }
0x71: {  	[sflag:s9] =	ssyncset.done $0x0  }
0x72: {  	[sflag:s9] =	ssyncadd.s32 $0xFFFFFB00  }
0x73: {  	[tilespmem:s11], [sflag:$0x2] =	stream.linear.gather [hbm4b:s10+s24], $0x50, $0x38;
	[tilespmem:$0x159F0] =	vst v63  }
0x74: {  	_ =	swait.ge [sflag:s9], $0x50  }
0x75: {  	p2 =	por $0x1, $0x1;
	[sflag:s9] =	ssyncset.done $0x0  }
.Ltmp3:
0x76: {  	[sflag:s9] =	ssyncadd.s32 $0xFFFFFFB0;
	(pc) =	sbr.rel @!p2 .LBB2_8-.Ltmp3, $4  }
0x77: {  	[spmem:s17] =	stream.indirect.scatter.add.f32 [tilespmem:s7], [sflag:$0x2], $0x10, s11, s11, $0xb8;
	[tilespmem:$0x159F0] =	vst v63  }
0x78: {  	_ =	swait.ge [sflag:s9], $0x500  }
0x79: {  	[sflag:s9] =	ssyncset.done $0x0  }
0x7a: {  	s0 =	simm.s32 $0xA;
	p1 =	por $0x0, $0x0;
	[sflag:s9] =	ssyncadd.s32 $0xFFFFFB00  }
0x7b: {  	s4 =	sadd.s32 $0x0, s13  }
0x7c: {  	[tilespmem:s3], [sflag:$0x2] =	stream.linear.gather [hbm4b:s4+s3], $0x50, $0x38;
	[tilespmem:$0x159F0] =	vst v63  }
0x7d: {  	_ =	swait.ge [sflag:s9], $0x50  }
0x7e: {  	[sflag:s9] =	ssyncset.done $0x0  }
0x7f: {  	s24 =	sadd.s32 $0x0, s20;
	[sflag:s9] =	ssyncadd.s32 $0xFFFFFFB0  }
0x80: {  	[tilespmem:s11], [sflag:$0x2] =	stream.linear.gather [hbm4b:s24+s3], $0x50, $0x38;
	[tilespmem:$0x159F0] =	vst v63  }
0x81: {  	_ =	swait.ge [sflag:s9], $0x50  }
0x82: {  	[sflag:s9] =	ssyncset.done $0x0  }
0x83: {  	[sflag:s9] =	ssyncadd.s32 $0xFFFFFFB0  }
0x84: {  	[tilespmem:s14], [sflag:$0x1] =	stream.indirect.gather [hbm4b:s1+s11], $0x40, s3, s11, $0xb8;
	[tilespmem:$0x159F0] =	vst v63  }
0x85: {  	p2 =	por $0x1, $0x1;
	_ =	swait.ge [sflag:s15], $0x1400  }
.Ltmp4:
0x86: {  	[sflag:s15] =	ssyncset.done $0x0;
	(pc) =	sbr.rel @!p2 .LBB2_5-.Ltmp4, $4  }
0x87: {  	[sflag:s15] =	ssyncadd.s32 $0xFFFFEC00  }
0x88: {  	[spmem:s2] =	stream.indirect.scatter.add.f32 [tilespmem:s14], [sflag:$0x2], $0x40, s11, s11, $0xb8;
	[tilespmem:$0x159F0] =	vst v63  }
0x89: {  	_ =	swait.ge [sflag:s9], $0x1400  }
0x8a: {  	s10 =	simm.s32 $0x14;
	p1 =	por $0x1, $0x1;
	[sflag:s9] =	ssyncset.done $0x0  }
.LBB2_6:
0x8b: {  	s4 =	sadd.s32 s0, s13  }
0x8c: {  	[sflag:s9] =	ssyncadd.s32 $0xFFFFEC00;
	s24 =	smov.u32 s10;
	s6 =	sadd.s32 $0xA, s10  }
0x8d: {  	[tilespmem:s3], [sflag:$0x2] =	stream.linear.gather [hbm4b:s4+s3], $0x50, $0x38;
	[tilespmem:$0x159F0] =	vst v63  }
0x8e: {  	p2 =	sne.s32 s10, $0x4D8;
	_ =	swait.ge [sflag:s9], $0x50  }
0x8f: {  	[sflag:s9] =	ssyncset.done $0x0  }
0x90: {  	s4 =	sadd.s32 s0, s20;
	s0 =	smov.u32 s24;
	[sflag:s9] =	ssyncadd.s32 $0xFFFFFFB0  }
0x91: {  	[tilespmem:s11], [sflag:$0x2] =	stream.linear.gather [hbm4b:s4+s3], $0x50, $0x38;
	[tilespmem:$0x159F0] =	vst v63  }
0x92: {  	_ =	swait.ge [sflag:s9], $0x50  }
0x93: {  	[sflag:s9] =	ssyncset.done $0x0  }
0x94: {  	[sflag:s9] =	ssyncadd.s32 $0xFFFFFFB0  }
0x95: {  	[tilespmem:s14], [sflag:$0x1] =	stream.indirect.gather [hbm4b:s1+s11], $0x40, s3, s11, $0xb8;
	[tilespmem:$0x159F0] =	vst v63  }
0x96: {  	_ =	swait.ge [sflag:s15], $0x1400  }
.Ltmp5:
0x97: {  	[sflag:s15] =	ssyncset.done $0x0;
	(pc) =	sbr.rel @p2 .LBB2_6-.Ltmp5, $4  }
0x98: {  	[sflag:s15] =	ssyncadd.s32 $0xFFFFEC00  }
0x99: {  	[spmem:s2] =	stream.indirect.scatter.add.f32 [tilespmem:s14], [sflag:$0x2], $0x40, s11, s11, $0xb8;
	[tilespmem:$0x159F0] =	vst v63  }
0x9a: {  	_ =	swait.ge [sflag:s9], $0x1400  }
0x9b: {  	s10 =	smov.u32 s6;
	[sflag:s9] =	ssyncset.done $0x0  }
0x9c: {  	s24 =	smov.u32 s0  }
.LBB2_8:
0x9d: {  	s0 =	sadd.s32 s24, s13;
	[sflag:s9] =	ssyncadd.s32 @p1 $0xFFFFEC00  }
0x9e: {  	[tilespmem:s3], [sflag:$0x2] =	stream.linear.gather [hbm4b:s0+s3], $0x50, $0x38;
	[tilespmem:$0x159F0] =	vst v63  }
0x9f: {  	_ =	swait.ge [sflag:s9], $0x50  }
0xa0: {  	[sflag:s9] =	ssyncset.done $0x0  }
0xa1: {  	s24 =	sadd.s32 s24, s20;
	[sflag:s9] =	ssyncadd.s32 $0xFFFFFFB0  }
0xa2: {  	[tilespmem:s11], [sflag:$0x2] =	stream.linear.gather [hbm4b:s24+s3], $0x50, $0x38;
	[tilespmem:$0x159F0] =	vst v63  }
0xa3: {  	_ =	swait.ge [sflag:s9], $0x50  }
0xa4: {  	[sflag:s9] =	ssyncset.done $0x0  }
0xa5: {  	[sflag:s9] =	ssyncadd.s32 $0xFFFFFFB0  }
0xa6: {  	[tilespmem:s14], [sflag:$0x1] =	stream.indirect.gather [hbm4b:s1+s11], $0x40, s3, s11, $0xb8;
	[tilespmem:$0x159F0] =	vst v63  }
0xa7: {  	_ =	swait.ge [sflag:s15], $0x1400  }
0xa8: {  	[sflag:s15] =	ssyncset.done $0x0  }
0xa9: {  	[sflag:s15] =	ssyncadd.s32 $0xFFFFEC00  }
0xaa: {  	[spmem:s2] =	stream.indirect.scatter.add.f32 [tilespmem:s14], [sflag:$0x2], $0x40, s11, s11, $0xb8;
	[tilespmem:$0x159F0] =	vst v63  }
0xab: {  	_ =	swait.ge [sflag:s9], $0x1400  }
0xac: {  	[sflag:s9] =	ssyncset.done $0x0  }
0xad: {  	[sflag:s9] =	ssyncadd.s32 $0xFFFFEC00  }
0xae: {  	[bflag:$0x0] =	sbarrier.arrive $0xFFFF  }
0xaf: {  	[tilespmem:s16], [sflag:$0x2] =	stream.linear.gather [spmem:s25], $0x3200, $0x38;
	[tilespmem:$0x159F0] =	vst v63  }
0xb0: {  	_ =	swait.ge [sflag:s9], $0x3200  }
0xb1: {  	[sflag:s9] =	ssyncset.done $0x0  }
0xb2: {  	[sflag:s9] =	ssyncadd.s32 $0xFFFFCE00  }
0xb3: {  	[spmem:s25] =	stream.linear.scatter [tilespmem:s18], [sflag:$0x2], $0x3200, $0x38;
	[tilespmem:$0x159F0] =	vst v63  }
0xb4: {  	_ =	swait.ge [sflag:s9], $0x3200  }
0xb5: {  	[sflag:s9] =	ssyncset.done $0x0  }
0xb6: {  	[sflag:s9] =	ssyncadd.s32 $0xFFFFCE00  }
0xb7: {  	[tilespmem:s22], [sflag:$0x2] =	stream.linear.gather [spmem:s26], $0xC80, $0x38;
	[tilespmem:$0x159F0] =	vst v63  }
0xb8: {  	_ =	swait.ge [sflag:s9], $0xC80  }
0xb9: {  	[sflag:s9] =	ssyncset.done $0x0  }
0xba: {  	s10 =	simm.s32 $0x40;
	s0 =	simm.s32 $0x0;
	[sflag:s9] =	ssyncadd.s32 $0xFFFFF380  }
.LBB2_9:
0xbb: {  	p1 =	sne.s32 s10, $0x31C0;
	v0 =	vld [tilespmem:s0+$0x7DA0];
	_ =	sdelay $0x4  }
0xbc: {  	v0 =	vmax.f32 v0, $1.000000000e+00  }
0xbd: {  	(erf) = vrcp.f32 v0;
	_ =	sdelay $0x5  }
.Ltmp6:
0xbe: {  	(pc) =	sbr.rel @p1 .LBB2_9-.Ltmp6, $3  }
0xbf: {  	_ =	sdelay $0x1  }
0xc0: {  	v0 =	vpop (erf)  }
0xc1: {  	[tilespmem:s0+$0x7DA0] =	vst v0;
	s0 =	sshra.s32 s10, $0x2;
	s10 =	sadd.s32 $0x40, s10  }
0xc2: {  	v0 =	vld [tilespmem:s0+$0x7DA0];
	_ =	sdelay $0x4  }
0xc3: {  	v0 =	vmax.f32 v0, $1.000000000e+00  }
0xc4: {  	(erf) = vrcp.f32 v0;
	_ =	sdelay $0x8  }
0xc5: {  	v0 =	vpop (erf)  }
0xc6: {  	s6 =	simm.s32 $0x0;
	s4 =	rddreg [dreg:$0x5];
	[tilespmem:s0+$0x7DA0] =	vst v0  }
0xc7: {  	[hbm4b:s4+s6] =	stream.linear.scatter [tilespmem:s22], [sflag:$0x2], $0xC80, $0x38;
	[tilespmem:$0x159F0] =	vst v63  }
0xc8: {  	_ =	swait.ge [sflag:s9], $0xC80  }
0xc9: {  	[sflag:s9] =	ssyncset.done $0x0  }
0xca: {  	s24 =	simm.s32 $0x19C0;
	[sflag:s9] =	ssyncadd.s32 $0xFFFFF380  }
0xcb: {  	v0 =	vld [tilespmem:s24+$0xFFFFFFF0]  }
0xcc: {  	v2 =	vld [tilespmem:s24+$0x10]  }
0xcd: {  	s10 =	simm.s32 $0x0;
	v1 =	vld [tilespmem:s24+$0xFFFFFFE0]  }
0xce: {  	v4 =	vld [tilespmem:s10+$0x7DA0]  }
0xcf: {  	v5 =	vld [tilespmem:s24+$0x0];
	_ =	sdelay $0x3  }
0xd0: {  	v1 =	vmul.f32 v1, v4;
	v3 =	vmul.f32 v2, v4  }
0xd1: {  	s0 =	simm.s32 $0x40;
	s10 =	simm.s32 $0x19C0;
	v2 =	vmul.f32 v0, v4;
	v0 =	vmul.f32 v5, v4  }
.LBB2_11:
0xd2: {  	p1 =	sne.s32 s0, $0x31C0  }
0xd3: {  	[tilespmem:s24+$0x10] =	vst v3;
	s10 =	sadd.s32 $0x40, s10;
	s4 =	smov.u32 s0;
	s0 =	sadd.s32 $0x40, s0  }
0xd4: {  	v4 =	vld [tilespmem:s10+$0xFFFFFFF0];
	[tilespmem:s24+$0xFFFFFFE0] =	vst v1  }
0xd5: {  	v3 =	vld [tilespmem:s10+$0x10];
	[tilespmem:s24+$0xFFFFFFF0] =	vst v2  }
0xd6: {  	s4 =	sshra.s32 s4, $0x2;
	v1 =	vld [tilespmem:s10+$0xFFFFFFE0];
	[tilespmem:s24+$0x0] =	vst v0;
	s24 =	smov.u32 s10  }
0xd7: {  	v0 =	vld [tilespmem:s4+$0x7DA0]  }
0xd8: {  	v5 =	vld [tilespmem:s10+$0x0]  }
.Ltmp7:
0xd9: {  	(pc) =	sbr.rel @p1 .LBB2_11-.Ltmp7, $3  }
0xda: {  	_ =	sdelay $0x1  }
0xdb: {  	v1 =	vmul.f32 v1, v0;
	v3 =	vmul.f32 v3, v0  }
0xdc: {  	v2 =	vmul.f32 v4, v0;
	v0 =	vmul.f32 v5, v0  }
0xdd: {  	[tilespmem:s24+$0x10] =	vst v3  }
0xde: {  	[tilespmem:s24+$0xFFFFFFE0] =	vst v1  }
0xdf: {  	[tilespmem:s24+$0xFFFFFFF0] =	vst v2  }
0xe0: {  	s0 =	simm.s32 $0x0;
	s4 =	rddreg [dreg:$0x6];
	[tilespmem:s24+$0x0] =	vst v0  }
0xe1: {  	[hbm4b:s4+s0] =	stream.linear.scatter [tilespmem:s16], [sflag:$0x2], $0x3200, $0x38;
	[tilespmem:$0x159F0] =	vst v63  }
0xe2: {  	_ =	swait.ge [sflag:s9], $0x3200  }
0xe3: {  	[sflag:s9] =	ssyncset.done $0x0  }
0xe4: {  	[sflag:s9] =	ssyncadd.s32 $0xFFFFCE00  }
0xe5: {  	[tilespmem:s16], [sflag:$0x2] =	stream.linear.gather [spmem:s28], $0x3200, $0x38;
	[tilespmem:$0x159F0] =	vst v63  }
0xe6: {  	_ =	swait.ge [sflag:s9], $0x3200  }
0xe7: {  	[sflag:s9] =	ssyncset.done $0x0  }
0xe8: {  	[sflag:s9] =	ssyncadd.s32 $0xFFFFCE00  }
0xe9: {  	[spmem:s28] =	stream.linear.scatter [tilespmem:s18], [sflag:$0x2], $0x3200, $0x38;
	[tilespmem:$0x159F0] =	vst v63  }
0xea: {  	_ =	swait.ge [sflag:s9], $0x3200  }
0xeb: {  	[sflag:s9] =	ssyncset.done $0x0  }
0xec: {  	[sflag:s9] =	ssyncadd.s32 $0xFFFFCE00  }
0xed: {  	[tilespmem:s22], [sflag:$0x2] =	stream.linear.gather [spmem:s29], $0xC80, $0x38;
	[tilespmem:$0x159F0] =	vst v63  }
0xee: {  	_ =	swait.ge [sflag:s9], $0xC80  }
0xef: {  	[sflag:s9] =	ssyncset.done $0x0  }
0xf0: {  	s10 =	simm.s32 $0x40;
	s0 =	simm.s32 $0x0;
	[sflag:s9] =	ssyncadd.s32 $0xFFFFF380  }
.LBB2_13:
0xf1: {  	p1 =	sne.s32 s10, $0x31C0;
	v0 =	vld [tilespmem:s0+$0x7DA0];
	_ =	sdelay $0x4  }
0xf2: {  	v0 =	vmax.f32 v0, $1.000000000e+00  }
0xf3: {  	(erf) = vrcp.f32 v0;
	_ =	sdelay $0x5  }
.Ltmp8:
0xf4: {  	(pc) =	sbr.rel @p1 .LBB2_13-.Ltmp8, $3  }
0xf5: {  	_ =	sdelay $0x1  }
0xf6: {  	v0 =	vpop (erf)  }
0xf7: {  	[tilespmem:s0+$0x7DA0] =	vst v0;
	s0 =	sshra.s32 s10, $0x2;
	s10 =	sadd.s32 $0x40, s10  }
0xf8: {  	v0 =	vld [tilespmem:s0+$0x7DA0];
	_ =	sdelay $0x4  }
0xf9: {  	v0 =	vmax.f32 v0, $1.000000000e+00  }
0xfa: {  	(erf) = vrcp.f32 v0;
	_ =	sdelay $0x8  }
0xfb: {  	v0 =	vpop (erf)  }
0xfc: {  	s6 =	simm.s32 $0x0;
	s4 =	rddreg [dreg:$0x7];
	[tilespmem:s0+$0x7DA0] =	vst v0  }
0xfd: {  	[hbm4b:s4+s6] =	stream.linear.scatter [tilespmem:s22], [sflag:$0x2], $0xC80, $0x38;
	[tilespmem:$0x159F0] =	vst v63  }
0xfe: {  	_ =	swait.ge [sflag:s9], $0xC80  }
0xff: {  	[sflag:s9] =	ssyncset.done $0x0  }
0x100: {  	s24 =	simm.s32 $0x19C0;
	[sflag:s9] =	ssyncadd.s32 $0xFFFFF380  }
0x101: {  	v0 =	vld [tilespmem:s24+$0xFFFFFFF0]  }
0x102: {  	v2 =	vld [tilespmem:s24+$0x10]  }
0x103: {  	s10 =	simm.s32 $0x0;
	v1 =	vld [tilespmem:s24+$0xFFFFFFE0]  }
0x104: {  	v4 =	vld [tilespmem:s10+$0x7DA0]  }
0x105: {  	v5 =	vld [tilespmem:s24+$0x0];
	_ =	sdelay $0x3  }
0x106: {  	v1 =	vmul.f32 v1, v4;
	v3 =	vmul.f32 v2, v4  }
0x107: {  	s0 =	simm.s32 $0x40;
	s10 =	simm.s32 $0x19C0;
	v2 =	vmul.f32 v0, v4;
	v0 =	vmul.f32 v5, v4  }
.LBB2_15:
0x108: {  	p1 =	sne.s32 s0, $0x31C0  }
0x109: {  	[tilespmem:s24+$0x10] =	vst v3;
	s10 =	sadd.s32 $0x40, s10;
	s4 =	smov.u32 s0;
	s0 =	sadd.s32 $0x40, s0  }
0x10a: {  	v4 =	vld [tilespmem:s10+$0xFFFFFFF0];
	[tilespmem:s24+$0xFFFFFFE0] =	vst v1  }
0x10b: {  	v3 =	vld [tilespmem:s10+$0x10];
	[tilespmem:s24+$0xFFFFFFF0] =	vst v2  }
0x10c: {  	s4 =	sshra.s32 s4, $0x2;
	v1 =	vld [tilespmem:s10+$0xFFFFFFE0];
	[tilespmem:s24+$0x0] =	vst v0;
	s24 =	smov.u32 s10  }
0x10d: {  	v0 =	vld [tilespmem:s4+$0x7DA0]  }
0x10e: {  	v5 =	vld [tilespmem:s10+$0x0]  }
.Ltmp9:
0x10f: {  	(pc) =	sbr.rel @p1 .LBB2_15-.Ltmp9, $3  }
0x110: {  	_ =	sdelay $0x1  }
0x111: {  	v1 =	vmul.f32 v1, v0;
	v3 =	vmul.f32 v3, v0  }
0x112: {  	v2 =	vmul.f32 v4, v0;
	v0 =	vmul.f32 v5, v0  }
0x113: {  	[tilespmem:s24+$0x10] =	vst v3  }
0x114: {  	[tilespmem:s24+$0xFFFFFFE0] =	vst v1  }
0x115: {  	[tilespmem:s24+$0xFFFFFFF0] =	vst v2  }
0x116: {  	s0 =	simm.s32 $0x0;
	s4 =	rddreg [dreg:$0x8];
	[tilespmem:s24+$0x0] =	vst v0  }
0x117: {  	[hbm4b:s4+s0] =	stream.linear.scatter [tilespmem:s16], [sflag:$0x2], $0x3200, $0x38;
	[tilespmem:$0x159F0] =	vst v63  }
0x118: {  	_ =	swait.ge [sflag:s9], $0x3200  }
0x119: {  	[sflag:s9] =	ssyncset.done $0x0  }
0x11a: {  	[sflag:s9] =	ssyncadd.s32 $0xFFFFCE00  }
0x11b: {  	[tilespmem:s16], [sflag:$0x2] =	stream.linear.gather [spmem:s30], $0x3200, $0x38;
	[tilespmem:$0x159F0] =	vst v63  }
0x11c: {  	_ =	swait.ge [sflag:s9], $0x3200  }
0x11d: {  	[sflag:s9] =	ssyncset.done $0x0  }
0x11e: {  	[sflag:s9] =	ssyncadd.s32 $0xFFFFCE00  }
0x11f: {  	[spmem:s30] =	stream.linear.scatter [tilespmem:s18], [sflag:$0x2], $0x3200, $0x38;
	[tilespmem:$0x159F0] =	vst v63  }
0x120: {  	_ =	swait.ge [sflag:s9], $0x3200  }
0x121: {  	[sflag:s9] =	ssyncset.done $0x0  }
0x122: {  	[sflag:s9] =	ssyncadd.s32 $0xFFFFCE00  }
0x123: {  	[tilespmem:s22], [sflag:$0x2] =	stream.linear.gather [spmem:s31], $0xC80, $0x38;
	[tilespmem:$0x159F0] =	vst v63  }
0x124: {  	_ =	swait.ge [sflag:s9], $0xC80  }
0x125: {  	[sflag:s9] =	ssyncset.done $0x0  }
0x126: {  	s10 =	simm.s32 $0x40;
	s0 =	simm.s32 $0x0;
	[sflag:s9] =	ssyncadd.s32 $0xFFFFF380  }
.LBB2_17:
0x127: {  	p1 =	sne.s32 s10, $0x31C0;
	v0 =	vld [tilespmem:s0+$0x7DA0];
	_ =	sdelay $0x4  }
0x128: {  	v0 =	vmax.f32 v0, $1.000000000e+00  }
0x129: {  	(erf) = vrcp.f32 v0;
	_ =	sdelay $0x5  }
.Ltmp10:
0x12a: {  	(pc) =	sbr.rel @p1 .LBB2_17-.Ltmp10, $3  }
0x12b: {  	_ =	sdelay $0x1  }
0x12c: {  	v0 =	vpop (erf)  }
0x12d: {  	[tilespmem:s0+$0x7DA0] =	vst v0;
	s0 =	sshra.s32 s10, $0x2;
	s10 =	sadd.s32 $0x40, s10  }
0x12e: {  	v0 =	vld [tilespmem:s0+$0x7DA0];
	_ =	sdelay $0x4  }
0x12f: {  	v0 =	vmax.f32 v0, $1.000000000e+00  }
0x130: {  	(erf) = vrcp.f32 v0;
	_ =	sdelay $0x8  }
0x131: {  	v0 =	vpop (erf)  }
0x132: {  	s6 =	simm.s32 $0x0;
	[tilespmem:s0+$0x7DA0] =	vst v0  }
0x133: {  	[hbm4b:s8+s6] =	stream.linear.scatter [tilespmem:s22], [sflag:$0x2], $0xC80, $0x38;
	[tilespmem:$0x159F0] =	vst v63  }
0x134: {  	_ =	swait.ge [sflag:s9], $0xC80  }
0x135: {  	[sflag:s9] =	ssyncset.done $0x0  }
0x136: {  	s24 =	simm.s32 $0x19C0;
	[sflag:s9] =	ssyncadd.s32 $0xFFFFF380  }
0x137: {  	v0 =	vld [tilespmem:s24+$0xFFFFFFF0]  }
0x138: {  	v2 =	vld [tilespmem:s24+$0x10]  }
0x139: {  	s10 =	simm.s32 $0x0;
	v1 =	vld [tilespmem:s24+$0xFFFFFFE0]  }
0x13a: {  	v4 =	vld [tilespmem:s10+$0x7DA0]  }
0x13b: {  	v5 =	vld [tilespmem:s24+$0x0];
	_ =	sdelay $0x3  }
0x13c: {  	v1 =	vmul.f32 v1, v4;
	v3 =	vmul.f32 v2, v4  }
0x13d: {  	s0 =	simm.s32 $0x40;
	s10 =	simm.s32 $0x19C0;
	v2 =	vmul.f32 v0, v4;
	v0 =	vmul.f32 v5, v4  }
.LBB2_19:
0x13e: {  	p1 =	sne.s32 s0, $0x31C0  }
0x13f: {  	[tilespmem:s24+$0x10] =	vst v3;
	s10 =	sadd.s32 $0x40, s10;
	s4 =	smov.u32 s0;
	s0 =	sadd.s32 $0x40, s0  }
0x140: {  	v4 =	vld [tilespmem:s10+$0xFFFFFFF0];
	[tilespmem:s24+$0xFFFFFFE0] =	vst v1  }
0x141: {  	v3 =	vld [tilespmem:s10+$0x10];
	[tilespmem:s24+$0xFFFFFFF0] =	vst v2  }
0x142: {  	s4 =	sshra.s32 s4, $0x2;
	v1 =	vld [tilespmem:s10+$0xFFFFFFE0];
	[tilespmem:s24+$0x0] =	vst v0;
	s24 =	smov.u32 s10  }
0x143: {  	v0 =	vld [tilespmem:s4+$0x7DA0]  }
0x144: {  	v5 =	vld [tilespmem:s10+$0x0]  }
.Ltmp11:
0x145: {  	(pc) =	sbr.rel @p1 .LBB2_19-.Ltmp11, $3  }
0x146: {  	_ =	sdelay $0x1  }
0x147: {  	v1 =	vmul.f32 v1, v0;
	v3 =	vmul.f32 v3, v0  }
0x148: {  	v2 =	vmul.f32 v4, v0;
	v0 =	vmul.f32 v5, v0  }
0x149: {  	[tilespmem:s24+$0x10] =	vst v3  }
0x14a: {  	[tilespmem:s24+$0xFFFFFFE0] =	vst v1  }
0x14b: {  	[tilespmem:s24+$0xFFFFFFF0] =	vst v2  }
.Ltmp12:
0x14c: {  	s0 =	rddreg [dreg:$0xb];
	[tilespmem:s24+$0x0] =	vst v0;
	(pc) =	sbr.rel @p0 .LBB2_26-.Ltmp12, $4  }
0x14d: {  	[hbm4b:s0+s3] =	stream.linear.scatter [tilespmem:s16], [sflag:$0x2], $0x3200, $0x38;
	[tilespmem:$0x159F0] =	vst v63  }
0x14e: {  	_ =	swait.ge [sflag:s9], $0x3200  }
0x14f: {  	[sflag:s9] =	ssyncset.done $0x0  }
0x150: {  	[sflag:s9] =	ssyncadd.s32 $0xFFFFCE00  }
0x151: {  	[tilespmem:s16], [sflag:$0x2] =	stream.linear.gather [spmem:s12], $0x3200, $0x38;
	[tilespmem:$0x159F0] =	vst v63  }
0x152: {  	_ =	swait.ge [sflag:s9], $0x3200  }
0x153: {  	[sflag:s9] =	ssyncset.done $0x0  }
0x154: {  	[sflag:s9] =	ssyncadd.s32 $0xFFFFCE00  }
0x155: {  	[spmem:s12] =	stream.linear.scatter [tilespmem:s18], [sflag:$0x2], $0x3200, $0x38;
	[tilespmem:$0x159F0] =	vst v63  }
0x156: {  	_ =	swait.ge [sflag:s9], $0x3200  }
0x157: {  	[sflag:s9] =	ssyncset.done $0x0  }
0x158: {  	s0 =	rddreg [dreg:$0x15];
	[sflag:s9] =	ssyncadd.s32 $0xFFFFCE00  }
0x159: {  	[tilespmem:s22], [sflag:$0x2] =	stream.linear.gather [spmem:s0], $0xC80, $0x38;
	[tilespmem:$0x159F0] =	vst v63  }
0x15a: {  	_ =	swait.ge [sflag:s9], $0xC80  }
0x15b: {  	[sflag:s9] =	ssyncset.done $0x0  }
0x15c: {  	s10 =	simm.s32 $0x40;
	s0 =	simm.s32 $0x0;
	[sflag:s9] =	ssyncadd.s32 $0xFFFFF380  }
.LBB2_22:
0x15d: {  	p1 =	sne.s32 s10, $0x31C0;
	v0 =	vld [tilespmem:s0+$0x7DA0];
	_ =	sdelay $0x4  }
0x15e: {  	v0 =	vmax.f32 v0, $1.000000000e+00  }
0x15f: {  	(erf) = vrcp.f32 v0;
	_ =	sdelay $0x5  }
.Ltmp13:
0x160: {  	(pc) =	sbr.rel @p1 .LBB2_22-.Ltmp13, $3  }
0x161: {  	_ =	sdelay $0x1  }
0x162: {  	v0 =	vpop (erf)  }
0x163: {  	[tilespmem:s0+$0x7DA0] =	vst v0;
	s0 =	sshra.s32 s10, $0x2;
	s10 =	sadd.s32 $0x40, s10  }
0x164: {  	v0 =	vld [tilespmem:s0+$0x7DA0];
	_ =	sdelay $0x4  }
0x165: {  	v0 =	vmax.f32 v0, $1.000000000e+00  }
0x166: {  	(erf) = vrcp.f32 v0;
	_ =	sdelay $0x8  }
0x167: {  	v0 =	vpop (erf)  }
0x168: {  	s6 =	simm.s32 $0x0;
	s4 =	rddreg [dreg:$0x9];
	[tilespmem:s0+$0x7DA0] =	vst v0  }
0x169: {  	[hbm4b:s4+s6] =	stream.linear.scatter [tilespmem:s22], [sflag:$0x2], $0xC80, $0x38;
	[tilespmem:$0x159F0] =	vst v63  }
0x16a: {  	_ =	swait.ge [sflag:s9], $0xC80  }
0x16b: {  	[sflag:s9] =	ssyncset.done $0x0  }
0x16c: {  	s24 =	simm.s32 $0x19C0;
	[sflag:s9] =	ssyncadd.s32 $0xFFFFF380  }
0x16d: {  	v0 =	vld [tilespmem:s24+$0xFFFFFFF0]  }
0x16e: {  	v2 =	vld [tilespmem:s24+$0x10]  }
0x16f: {  	s10 =	simm.s32 $0x0;
	v1 =	vld [tilespmem:s24+$0xFFFFFFE0]  }
0x170: {  	v4 =	vld [tilespmem:s10+$0x7DA0]  }
0x171: {  	v5 =	vld [tilespmem:s24+$0x0];
	_ =	sdelay $0x3  }
0x172: {  	v1 =	vmul.f32 v1, v4;
	v3 =	vmul.f32 v2, v4  }
0x173: {  	s0 =	simm.s32 $0x40;
	s10 =	simm.s32 $0x19C0;
	v2 =	vmul.f32 v0, v4;
	v0 =	vmul.f32 v5, v4  }
.LBB2_24:
0x174: {  	p1 =	sne.s32 s0, $0x31C0  }
0x175: {  	[tilespmem:s24+$0x10] =	vst v3;
	s10 =	sadd.s32 $0x40, s10;
	s4 =	smov.u32 s0;
	s0 =	sadd.s32 $0x40, s0  }
0x176: {  	v4 =	vld [tilespmem:s10+$0xFFFFFFF0];
	[tilespmem:s24+$0xFFFFFFE0] =	vst v1  }
0x177: {  	v3 =	vld [tilespmem:s10+$0x10];
	[tilespmem:s24+$0xFFFFFFF0] =	vst v2  }
0x178: {  	s4 =	sshra.s32 s4, $0x2;
	v1 =	vld [tilespmem:s10+$0xFFFFFFE0];
	[tilespmem:s24+$0x0] =	vst v0;
	s24 =	smov.u32 s10  }
0x179: {  	v0 =	vld [tilespmem:s4+$0x7DA0]  }
0x17a: {  	v5 =	vld [tilespmem:s10+$0x0]  }
.Ltmp14:
0x17b: {  	(pc) =	sbr.rel @p1 .LBB2_24-.Ltmp14, $3  }
0x17c: {  	_ =	sdelay $0x1  }
0x17d: {  	v1 =	vmul.f32 v1, v0;
	v3 =	vmul.f32 v3, v0  }
0x17e: {  	v2 =	vmul.f32 v4, v0;
	v0 =	vmul.f32 v5, v0  }
0x17f: {  	[tilespmem:s24+$0x10] =	vst v3  }
0x180: {  	[tilespmem:s24+$0xFFFFFFE0] =	vst v1  }
0x181: {  	[tilespmem:s24+$0xFFFFFFF0] =	vst v2  }
0x182: {  	s0 =	rddreg [dreg:$0xc];
	[tilespmem:s24+$0x0] =	vst v0  }
0x183: {  	[hbm4b:s0+s3] =	stream.linear.scatter [tilespmem:s16], [sflag:$0x2], $0x3200, $0x38;
	[tilespmem:$0x159F0] =	vst v63  }
0x184: {  	_ =	swait.ge [sflag:s9], $0x3200  }
0x185: {  	[sflag:s9] =	ssyncset.done $0x0  }
0x186: {  	[sflag:s9] =	ssyncadd.s32 $0xFFFFCE00  }
.LBB2_26:
0x187: {  	[bflag:$0x0] =	sbarrier.arrive $0xFFFF;
	s0 =	sadd.s32 $0x0, s13  }
0x188: {  	[tilespmem:s3], [sflag:$0x2] =	stream.linear.gather [hbm4b:s0+s3], $0x50, $0x38;
	[tilespmem:$0x159F0] =	vst v63  }
0x189: {  	_ =	swait.ge [sflag:s9], $0x50  }
0x18a: {  	[sflag:s9] =	ssyncset.done $0x0  }
0x18b: {  	s24 =	sadd.s32 $0x0, s20;
	[sflag:s9] =	ssyncadd.s32 $0xFFFFFFB0  }
0x18c: {  	[tilespmem:s11], [sflag:$0x2] =	stream.linear.gather [hbm4b:s24+s3], $0x50, $0x38;
	[tilespmem:$0x159F0] =	vst v63  }
0x18d: {  	_ =	swait.ge [sflag:s9], $0x50  }
0x18e: {  	[sflag:s9] =	ssyncset.done $0x0  }
0x18f: {  	[sflag:s9] =	ssyncadd.s32 $0xFFFFFFB0  }
0x190: {  	[tilespmem:s14], [sflag:$0x1] =	stream.indirect.gather [hbm4b:s21+s11], $0x40, s3, s11, $0xb8;
	[tilespmem:$0x159F0] =	vst v63  }
0x191: {  	_ =	swait.ge [sflag:s15], $0x1400  }
0x192: {  	[sflag:s15] =	ssyncset.done $0x0  }
0x193: {  	[sflag:s15] =	ssyncadd.s32 $0xFFFFEC00  }
0x194: {  	[spmem:s2] =	stream.indirect.scatter.add.f32 [tilespmem:s14], [sflag:$0x2], $0x40, s11, s11, $0xb8;
	[tilespmem:$0x159F0] =	vst v63  }
0x195: {  	_ =	swait.ge [sflag:s9], $0x1400  }
0x196: {  	s0 =	simm.s32 $0x14;
	s24 =	simm.s32 $0xA;
	[sflag:s9] =	ssyncset.done $0x0  }
.LBB2_27:
0x197: {  	s4 =	sadd.s32 s24, s13  }
0x198: {  	[sflag:s9] =	ssyncadd.s32 $0xFFFFEC00;
	s6 =	smov.u32 s0;
	s10 =	sadd.s32 $0xA, s0  }
0x199: {  	[tilespmem:s3], [sflag:$0x2] =	stream.linear.gather [hbm4b:s4+s3], $0x50, $0x38;
	[tilespmem:$0x159F0] =	vst v63  }
0x19a: {  	p1 =	sne.s32 s0, $0x4D8;
	_ =	swait.ge [sflag:s9], $0x50  }
0x19b: {  	[sflag:s9] =	ssyncset.done $0x0  }
0x19c: {  	s0 =	sadd.s32 s24, s20;
	s24 =	smov.u32 s6;
	[sflag:s9] =	ssyncadd.s32 $0xFFFFFFB0  }
0x19d: {  	[tilespmem:s11], [sflag:$0x2] =	stream.linear.gather [hbm4b:s0+s3], $0x50, $0x38;
	[tilespmem:$0x159F0] =	vst v63  }
0x19e: {  	_ =	swait.ge [sflag:s9], $0x50  }
0x19f: {  	[sflag:s9] =	ssyncset.done $0x0  }
0x1a0: {  	[sflag:s9] =	ssyncadd.s32 $0xFFFFFFB0  }
0x1a1: {  	[tilespmem:s14], [sflag:$0x1] =	stream.indirect.gather [hbm4b:s21+s11], $0x40, s3, s11, $0xb8;
	[tilespmem:$0x159F0] =	vst v63  }
0x1a2: {  	_ =	swait.ge [sflag:s15], $0x1400  }
.Ltmp15:
0x1a3: {  	[sflag:s15] =	ssyncset.done $0x0;
	(pc) =	sbr.rel @p1 .LBB2_27-.Ltmp15, $4  }
0x1a4: {  	[sflag:s15] =	ssyncadd.s32 $0xFFFFEC00  }
0x1a5: {  	[spmem:s2] =	stream.indirect.scatter.add.f32 [tilespmem:s14], [sflag:$0x2], $0x40, s11, s11, $0xb8;
	[tilespmem:$0x159F0] =	vst v63  }
0x1a6: {  	_ =	swait.ge [sflag:s9], $0x1400  }
0x1a7: {  	s0 =	smov.u32 s10;
	[sflag:s9] =	ssyncset.done $0x0  }
0x1a8: {  	s0 =	sadd.s32 s24, s13;
	[sflag:s9] =	ssyncadd.s32 $0xFFFFEC00  }
0x1a9: {  	[tilespmem:s3], [sflag:$0x2] =	stream.linear.gather [hbm4b:s0+s3], $0x50, $0x38;
	[tilespmem:$0x159F0] =	vst v63  }
0x1aa: {  	_ =	swait.ge [sflag:s9], $0x50  }
0x1ab: {  	[sflag:s9] =	ssyncset.done $0x0  }
0x1ac: {  	s4 =	sadd.s32 s24, s20;
	[sflag:s9] =	ssyncadd.s32 $0xFFFFFFB0  }
0x1ad: {  	[tilespmem:s11], [sflag:$0x2] =	stream.linear.gather [hbm4b:s4+s3], $0x50, $0x38;
	[tilespmem:$0x159F0] =	vst v63  }
0x1ae: {  	_ =	swait.ge [sflag:s9], $0x50  }
0x1af: {  	[sflag:s9] =	ssyncset.done $0x0  }
0x1b0: {  	[sflag:s9] =	ssyncadd.s32 $0xFFFFFFB0  }
0x1b1: {  	[tilespmem:s14], [sflag:$0x1] =	stream.indirect.gather [hbm4b:s21+s11], $0x40, s3, s11, $0xb8;
	[tilespmem:$0x159F0] =	vst v63  }
0x1b2: {  	_ =	swait.ge [sflag:s15], $0x1400  }
0x1b3: {  	[sflag:s15] =	ssyncset.done $0x0  }
0x1b4: {  	[sflag:s15] =	ssyncadd.s32 $0xFFFFEC00  }
0x1b5: {  	[spmem:s2] =	stream.indirect.scatter.add.f32 [tilespmem:s14], [sflag:$0x2], $0x40, s11, s11, $0xb8;
	[tilespmem:$0x159F0] =	vst v63  }
0x1b6: {  	_ =	swait.ge [sflag:s9], $0x1400  }
0x1b7: {  	[sflag:s9] =	ssyncset.done $0x0  }
0x1b8: {  	[sflag:s9] =	ssyncadd.s32 $0xFFFFEC00  }
0x1b9: {  	[bflag:$0x0] =	sbarrier.arrive $0xFFFF  }
0x1ba: {  	[tilespmem:s16], [sflag:$0x2] =	stream.linear.gather [spmem:s25], $0x3200, $0x38;
	[tilespmem:$0x159F0] =	vst v63  }
0x1bb: {  	_ =	swait.ge [sflag:s9], $0x3200  }
0x1bc: {  	[sflag:s9] =	ssyncset.done $0x0  }
0x1bd: {  	s6 =	simm.s32 $0x0;
	s4 =	rddreg [dreg:$0x5];
	[sflag:s9] =	ssyncadd.s32 $0xFFFFCE00  }
0x1be: {  	[tilespmem:s22], [sflag:$0x2] =	stream.linear.gather [hbm4b:s4+s6], $0xC80, $0x38;
	[tilespmem:$0x159F0] =	vst v63  }
0x1bf: {  	_ =	swait.ge [sflag:s9], $0xC80  }
0x1c0: {  	[sflag:s9] =	ssyncset.done $0x0  }
0x1c1: {  	s24 =	simm.s32 $0x19C0;
	[sflag:s9] =	ssyncadd.s32 $0xFFFFF380  }
0x1c2: {  	v0 =	vld [tilespmem:s24+$0xFFFFFFF0]  }
0x1c3: {  	v2 =	vld [tilespmem:s24+$0x10]  }
0x1c4: {  	s10 =	simm.s32 $0x0;
	v1 =	vld [tilespmem:s24+$0xFFFFFFE0]  }
0x1c5: {  	v4 =	vld [tilespmem:s10+$0x7DA0]  }
0x1c6: {  	v5 =	vld [tilespmem:s24+$0x0];
	_ =	sdelay $0x3  }
0x1c7: {  	v1 =	vmul.f32 v1, v4;
	v3 =	vmul.f32 v2, v4  }
0x1c8: {  	s0 =	simm.s32 $0x40;
	s10 =	simm.s32 $0x19C0;
	v2 =	vmul.f32 v0, v4;
	v0 =	vmul.f32 v5, v4  }
.LBB2_29:
0x1c9: {  	p1 =	sne.s32 s0, $0x31C0  }
0x1ca: {  	[tilespmem:s24+$0x10] =	vst v3;
	s10 =	sadd.s32 $0x40, s10;
	s4 =	smov.u32 s0;
	s0 =	sadd.s32 $0x40, s0  }
0x1cb: {  	v4 =	vld [tilespmem:s10+$0xFFFFFFF0];
	[tilespmem:s24+$0xFFFFFFE0] =	vst v1  }
0x1cc: {  	v3 =	vld [tilespmem:s10+$0x10];
	[tilespmem:s24+$0xFFFFFFF0] =	vst v2  }
0x1cd: {  	s4 =	sshra.s32 s4, $0x2;
	v1 =	vld [tilespmem:s10+$0xFFFFFFE0];
	[tilespmem:s24+$0x0] =	vst v0;
	s24 =	smov.u32 s10  }
0x1ce: {  	v0 =	vld [tilespmem:s4+$0x7DA0]  }
0x1cf: {  	v5 =	vld [tilespmem:s10+$0x0]  }
.Ltmp16:
0x1d0: {  	(pc) =	sbr.rel @p1 .LBB2_29-.Ltmp16, $3  }
0x1d1: {  	_ =	sdelay $0x1  }
0x1d2: {  	v1 =	vmul.f32 v1, v0;
	v3 =	vmul.f32 v3, v0  }
0x1d3: {  	v2 =	vmul.f32 v4, v0;
	v0 =	vmul.f32 v5, v0  }
0x1d4: {  	[tilespmem:s24+$0x10] =	vst v3  }
0x1d5: {  	[tilespmem:s24+$0xFFFFFFE0] =	vst v1  }
0x1d6: {  	[tilespmem:s24+$0xFFFFFFF0] =	vst v2  }
0x1d7: {  	s0 =	simm.s32 $0x0;
	s4 =	rddreg [dreg:$0xd];
	[tilespmem:s24+$0x0] =	vst v0  }
0x1d8: {  	[hbm4b:s4+s0] =	stream.linear.scatter [tilespmem:s16], [sflag:$0x2], $0x3200, $0x38;
	[tilespmem:$0x159F0] =	vst v63  }
0x1d9: {  	_ =	swait.ge [sflag:s9], $0x3200  }
0x1da: {  	[sflag:s9] =	ssyncset.done $0x0  }
0x1db: {  	[sflag:s9] =	ssyncadd.s32 $0xFFFFCE00  }
0x1dc: {  	[tilespmem:s16], [sflag:$0x2] =	stream.linear.gather [spmem:s28], $0x3200, $0x38;
	[tilespmem:$0x159F0] =	vst v63  }
0x1dd: {  	_ =	swait.ge [sflag:s9], $0x3200  }
0x1de: {  	[sflag:s9] =	ssyncset.done $0x0  }
0x1df: {  	s6 =	rddreg [dreg:$0x7];
	[sflag:s9] =	ssyncadd.s32 $0xFFFFCE00  }
0x1e0: {  	[tilespmem:s22], [sflag:$0x2] =	stream.linear.gather [hbm4b:s6+s0], $0xC80, $0x38;
	[tilespmem:$0x159F0] =	vst v63  }
0x1e1: {  	_ =	swait.ge [sflag:s9], $0xC80  }
0x1e2: {  	[sflag:s9] =	ssyncset.done $0x0  }
0x1e3: {  	s24 =	simm.s32 $0x19C0;
	[sflag:s9] =	ssyncadd.s32 $0xFFFFF380  }
0x1e4: {  	v0 =	vld [tilespmem:s24+$0xFFFFFFF0]  }
0x1e5: {  	v2 =	vld [tilespmem:s24+$0x10]  }
0x1e6: {  	s10 =	simm.s32 $0x0;
	v1 =	vld [tilespmem:s24+$0xFFFFFFE0]  }
0x1e7: {  	v4 =	vld [tilespmem:s10+$0x7DA0]  }
0x1e8: {  	v5 =	vld [tilespmem:s24+$0x0];
	_ =	sdelay $0x3  }
0x1e9: {  	v1 =	vmul.f32 v1, v4;
	v3 =	vmul.f32 v2, v4  }
0x1ea: {  	s0 =	simm.s32 $0x40;
	s10 =	simm.s32 $0x19C0;
	v2 =	vmul.f32 v0, v4;
	v0 =	vmul.f32 v5, v4  }
.LBB2_31:
0x1eb: {  	p1 =	sne.s32 s0, $0x31C0  }
0x1ec: {  	[tilespmem:s24+$0x10] =	vst v3;
	s10 =	sadd.s32 $0x40, s10;
	s4 =	smov.u32 s0;
	s0 =	sadd.s32 $0x40, s0  }
0x1ed: {  	v4 =	vld [tilespmem:s10+$0xFFFFFFF0];
	[tilespmem:s24+$0xFFFFFFE0] =	vst v1  }
0x1ee: {  	v3 =	vld [tilespmem:s10+$0x10];
	[tilespmem:s24+$0xFFFFFFF0] =	vst v2  }
0x1ef: {  	s4 =	sshra.s32 s4, $0x2;
	v1 =	vld [tilespmem:s10+$0xFFFFFFE0];
	[tilespmem:s24+$0x0] =	vst v0;
	s24 =	smov.u32 s10  }
0x1f0: {  	v0 =	vld [tilespmem:s4+$0x7DA0]  }
0x1f1: {  	v5 =	vld [tilespmem:s10+$0x0]  }
.Ltmp17:
0x1f2: {  	(pc) =	sbr.rel @p1 .LBB2_31-.Ltmp17, $3  }
0x1f3: {  	_ =	sdelay $0x1  }
0x1f4: {  	v1 =	vmul.f32 v1, v0;
	v3 =	vmul.f32 v3, v0  }
0x1f5: {  	v2 =	vmul.f32 v4, v0;
	v0 =	vmul.f32 v5, v0  }
0x1f6: {  	[tilespmem:s24+$0x10] =	vst v3  }
0x1f7: {  	[tilespmem:s24+$0xFFFFFFE0] =	vst v1  }
0x1f8: {  	[tilespmem:s24+$0xFFFFFFF0] =	vst v2  }
0x1f9: {  	s0 =	simm.s32 $0x0;
	s4 =	rddreg [dreg:$0xe];
	[tilespmem:s24+$0x0] =	vst v0  }
0x1fa: {  	[hbm4b:s4+s0] =	stream.linear.scatter [tilespmem:s16], [sflag:$0x2], $0x3200, $0x38;
	[tilespmem:$0x159F0] =	vst v63  }
0x1fb: {  	_ =	swait.ge [sflag:s9], $0x3200  }
0x1fc: {  	[sflag:s9] =	ssyncset.done $0x0  }
0x1fd: {  	[sflag:s9] =	ssyncadd.s32 $0xFFFFCE00  }
0x1fe: {  	[tilespmem:s16], [sflag:$0x2] =	stream.linear.gather [spmem:s30], $0x3200, $0x38;
	[tilespmem:$0x159F0] =	vst v63  }
0x1ff: {  	_ =	swait.ge [sflag:s9], $0x3200  }
0x200: {  	[sflag:s9] =	ssyncset.done $0x0  }
0x201: {  	[sflag:s9] =	ssyncadd.s32 $0xFFFFCE00  }
0x202: {  	[tilespmem:s22], [sflag:$0x2] =	stream.linear.gather [hbm4b:s8+s0], $0xC80, $0x38;
	[tilespmem:$0x159F0] =	vst v63  }
0x203: {  	_ =	swait.ge [sflag:s9], $0xC80  }
0x204: {  	[sflag:s9] =	ssyncset.done $0x0  }
0x205: {  	s24 =	simm.s32 $0x19C0;
	[sflag:s9] =	ssyncadd.s32 $0xFFFFF380  }
0x206: {  	v0 =	vld [tilespmem:s24+$0xFFFFFFF0]  }
0x207: {  	v2 =	vld [tilespmem:s24+$0x10]  }
0x208: {  	s10 =	simm.s32 $0x0;
	v1 =	vld [tilespmem:s24+$0xFFFFFFE0]  }
0x209: {  	v4 =	vld [tilespmem:s10+$0x7DA0]  }
0x20a: {  	v5 =	vld [tilespmem:s24+$0x0];
	_ =	sdelay $0x3  }
0x20b: {  	v1 =	vmul.f32 v1, v4;
	v3 =	vmul.f32 v2, v4  }
0x20c: {  	s0 =	simm.s32 $0x40;
	s10 =	simm.s32 $0x19C0;
	v2 =	vmul.f32 v0, v4;
	v0 =	vmul.f32 v5, v4  }
.LBB2_33:
0x20d: {  	p1 =	sne.s32 s0, $0x31C0  }
0x20e: {  	[tilespmem:s24+$0x10] =	vst v3;
	s10 =	sadd.s32 $0x40, s10;
	s4 =	smov.u32 s0;
	s0 =	sadd.s32 $0x40, s0  }
0x20f: {  	v4 =	vld [tilespmem:s10+$0xFFFFFFF0];
	[tilespmem:s24+$0xFFFFFFE0] =	vst v1  }
0x210: {  	v3 =	vld [tilespmem:s10+$0x10];
	[tilespmem:s24+$0xFFFFFFF0] =	vst v2  }
0x211: {  	s4 =	sshra.s32 s4, $0x2;
	v1 =	vld [tilespmem:s10+$0xFFFFFFE0];
	[tilespmem:s24+$0x0] =	vst v0;
	s24 =	smov.u32 s10  }
0x212: {  	v0 =	vld [tilespmem:s4+$0x7DA0]  }
0x213: {  	v5 =	vld [tilespmem:s10+$0x0]  }
.Ltmp18:
0x214: {  	(pc) =	sbr.rel @p1 .LBB2_33-.Ltmp18, $3  }
0x215: {  	_ =	sdelay $0x1  }
0x216: {  	v1 =	vmul.f32 v1, v0;
	v3 =	vmul.f32 v3, v0  }
0x217: {  	v2 =	vmul.f32 v4, v0;
	v0 =	vmul.f32 v5, v0  }
0x218: {  	[tilespmem:s24+$0x10] =	vst v3  }
0x219: {  	[tilespmem:s24+$0xFFFFFFE0] =	vst v1  }
0x21a: {  	[tilespmem:s24+$0xFFFFFFF0] =	vst v2  }
.Ltmp19:
0x21b: {  	s0 =	rddreg [dreg:$0xf];
	[tilespmem:s24+$0x0] =	vst v0;
	(pc) =	sbr.rel @p0 .LBB2_38-.Ltmp19, $4  }
0x21c: {  	[hbm4b:s0+s3] =	stream.linear.scatter [tilespmem:s16], [sflag:$0x2], $0x3200, $0x38;
	[tilespmem:$0x159F0] =	vst v63  }
0x21d: {  	_ =	swait.ge [sflag:s9], $0x3200  }
0x21e: {  	[sflag:s9] =	ssyncset.done $0x0  }
0x21f: {  	[sflag:s9] =	ssyncadd.s32 $0xFFFFCE00  }
0x220: {  	[tilespmem:s16], [sflag:$0x2] =	stream.linear.gather [spmem:s12], $0x3200, $0x38;
	[tilespmem:$0x159F0] =	vst v63  }
0x221: {  	_ =	swait.ge [sflag:s9], $0x3200  }
0x222: {  	[sflag:s9] =	ssyncset.done $0x0  }
0x223: {  	s0 =	simm.s32 $0x0;
	s4 =	rddreg [dreg:$0xa];
	[sflag:s9] =	ssyncadd.s32 $0xFFFFCE00  }
0x224: {  	[tilespmem:s22], [sflag:$0x2] =	stream.linear.gather [hbm4b:s4+s0], $0xC80, $0x38;
	[tilespmem:$0x159F0] =	vst v63  }
0x225: {  	_ =	swait.ge [sflag:s9], $0xC80  }
0x226: {  	[sflag:s9] =	ssyncset.done $0x0  }
0x227: {  	s24 =	simm.s32 $0x19C0;
	[sflag:s9] =	ssyncadd.s32 $0xFFFFF380  }
0x228: {  	v0 =	vld [tilespmem:s24+$0xFFFFFFF0]  }
0x229: {  	v2 =	vld [tilespmem:s24+$0x10]  }
0x22a: {  	s10 =	simm.s32 $0x0;
	v1 =	vld [tilespmem:s24+$0xFFFFFFE0]  }
0x22b: {  	v4 =	vld [tilespmem:s10+$0x7DA0]  }
0x22c: {  	v5 =	vld [tilespmem:s24+$0x0];
	_ =	sdelay $0x3  }
0x22d: {  	v1 =	vmul.f32 v1, v4;
	v3 =	vmul.f32 v2, v4  }
0x22e: {  	s0 =	simm.s32 $0x40;
	s10 =	simm.s32 $0x19C0;
	v2 =	vmul.f32 v0, v4;
	v0 =	vmul.f32 v5, v4  }
.LBB2_36:
0x22f: {  	p1 =	sne.s32 s0, $0x31C0  }
0x230: {  	[tilespmem:s24+$0x10] =	vst v3;
	s10 =	sadd.s32 $0x40, s10;
	s4 =	smov.u32 s0;
	s0 =	sadd.s32 $0x40, s0  }
0x231: {  	v4 =	vld [tilespmem:s10+$0xFFFFFFF0];
	[tilespmem:s24+$0xFFFFFFE0] =	vst v1  }
0x232: {  	v3 =	vld [tilespmem:s10+$0x10];
	[tilespmem:s24+$0xFFFFFFF0] =	vst v2  }
0x233: {  	s4 =	sshra.s32 s4, $0x2;
	v1 =	vld [tilespmem:s10+$0xFFFFFFE0];
	[tilespmem:s24+$0x0] =	vst v0;
	s24 =	smov.u32 s10  }
0x234: {  	v0 =	vld [tilespmem:s4+$0x7DA0]  }
0x235: {  	v5 =	vld [tilespmem:s10+$0x0]  }
.Ltmp20:
0x236: {  	(pc) =	sbr.rel @p1 .LBB2_36-.Ltmp20, $3  }
0x237: {  	_ =	sdelay $0x1  }
0x238: {  	v1 =	vmul.f32 v1, v0;
	v3 =	vmul.f32 v3, v0  }
0x239: {  	v2 =	vmul.f32 v4, v0;
	v0 =	vmul.f32 v5, v0  }
.Ltmp21:
0x23a: {  	_ = 	snop;
	(pc) =	sbr.rel .LBB2_37-.Ltmp21, $1  }
0x23b: {  	_ =	sdelay $0x3  }
.LBB2_5:
.Ltmp22:
0x23c: {  	(pc) =	sbr.rel .LBB2_8-.Ltmp22, $2  }
0x23d: {  	_ =	sdelay $0x2  }
0x23e: {  	s24 =	simm.s32 $0xA  }
.LBB2_39:
0x23f: {  	_ =	sfence.sel $0x180000  }
0x240: {  	[bflag:$0x0] =	sbarrier.arrive $0xFFFF  }
0x241: {  	_ =	strace $0x90000047  }
0x242: {  	s0 =	stileid.u32;
	[bflag:$0x2] =	sbarrier.arrive $0xFFFF  }
0x243: {  	p0 =	sne.s32 s0, $0x0;
	s0 =	rddreg [dreg:$0x4]  }
0x244: {  	s0 =	sadd.s32 @!p0 $0x100000, s0  }
0x245: {  	[sflag:s0] =	ssyncadd.tile.s32 @!p0 $0x1;
	_ =	shalt  }
.Lfunc_end2:
_tile_overlayer_lowered:
.L_overlay_start_2:
0x246: {  	(tag) =	ssettag $0x2  }
0x247: {  	s0 =	rddreg [dreg:$0x0];
	s2 =	stileid.u32  }
0x248: {  	s1 =	rddreg [dreg:$0x1];
	p0 =	sne.s32 s2, $0x0  }
0x249: {  	s3 =	rddreg [dreg:$0x2];
	[bflag:$0x3] =	sbarrier.arrive $0xFFFF;
	s2 =	simm.s32 @!p0 $0x1C02  }
0x24a: {  	[timem:s3], [sflag:s2] =	dma.local @!p0 [hbm:s0], s1  }
0x24b: {  	s0 =	simm.s32 @!p0 $0x2  }
0x24c: {  	_ =	swait.ge @!p0 [sflag:s0], s1  }
0x24d: {  	s1 =	ssub.s32 @!p0 $0x0, s1;
	[sflag:s0] =	ssyncset.done @!p0 $0x0  }
0x24e: {  	[sflag:s0] =	ssyncadd.s32 @!p0 s1  }
0x24f: {  	[bflag:$0x3] =	sbarrier.arrive $0xFFFF  }
0x250: {  	_ =	shalt  }

</sc_bundles>
